<compile_context>
chip_gen: v7x
topology: tpu7x:2x2x1
jax: 0.10.2.dev20260603
libtpu: 0.0.44.dev20260713+nightly
codegen_flags: <defaults>
</compile_context>

<pallas_src>
import functools

import jax
import jax.numpy as jnp
from jax import lax
from jax.experimental import pallas as pl
from jax.experimental.pallas import tpu as pltpu
from jax.experimental.pallas import tpu_sc as plsc



def _down_body(x_ref, w_ref, b_ref, g_ref, beta_ref, o_ref):
    h = jnp.dot(x_ref[...], w_ref[...], preferred_element_type=jnp.float32)
    h = h + b_ref[...]
    m = jnp.mean(h, axis=0, keepdims=True)
    v = jnp.mean((h - m) ** 2, axis=0, keepdims=True)
    h = (h - m) / jnp.sqrt(v + 1e-5) * g_ref[...] + beta_ref[...]
    o_ref[...] = jnp.maximum(h, 0.0)


def _down_stage(x, W, b, g, beta):
    N, Cout = x.shape[0], W.shape[1]
    return pl.pallas_call(
        _down_body,
        out_shape=jax.ShapeDtypeStruct((N, Cout), jnp.float32),
    )(x, W, b.reshape(1, -1), g.reshape(1, -1), beta.reshape(1, -1))



_NSLOT = 33


def _prep_body(x1_ref, posp_ref, w256_ref, w3_ref, u_ref, t_ref, pd_ref):
    m = jnp.dot(x1_ref[...], w256_ref[...], preferred_element_type=jnp.float32) \
        + jnp.dot(posp_ref[...], w3_ref[...], preferred_element_type=jnp.float32)
    c = u_ref.shape[1]
    u_ref[...] = m[:, :c]
    t_ref[...] = m[:, c:3 * c]
    pd_ref[...] = m[:, 3 * c:]


def _conv1_body(u_ref, g1_ref, h1_ref, ss_ref, sq_ref):
    i = pl.program_id(0)
    h = u_ref[...][None] - g1_ref[...]
    h1_ref[...] = h
    bs = jnp.sum(h, axis=(0, 1)).reshape(1, -1)
    bq = jnp.sum(h * h, axis=(0, 1)).reshape(1, -1)

    @pl.when(i == 0)
    def _():
        ss_ref[...] = jnp.zeros_like(ss_ref)
        sq_ref[...] = jnp.zeros_like(sq_ref)

    ss_ref[...] += jnp.broadcast_to(bs, ss_ref.shape)
    sq_ref[...] += jnp.broadcast_to(bq, sq_ref.shape)


def _conv2_body(h1_ref, ss_ref, sq_ref, gam_ref, bet_ref, wa2_ref, ba2_ref,
                g2_ref, pd_ref, wup_ref, bup_ref, x1_ref, o_ref, *, ne):
    m = ss_ref[0:1, :] / ne
    va = sq_ref[0:1, :] / ne - m * m
    scale = 1.0 / jnp.sqrt(va + 1e-5)
    h = h1_ref[...]
    nj, nb, nc = h.shape
    g = jnp.maximum((h - m[None]) * scale[None] * gam_ref[...][None]
                    + bet_ref[...][None], 0.0)
    alpha = jnp.dot(g.reshape(nj * nb, nc), wa2_ref[...],
                    preferred_element_type=jnp.float32) + ba2_ref[...]
    alpha = alpha.reshape(nj, nb, nc)
    amax = jnp.max(alpha, axis=0)
    ex = jnp.exp(alpha - amax[None])
    den = jnp.sum(ex, axis=0)
    attn = ex / (den[None] + 1e-16)
    msg = attn * (g2_ref[...] + pd_ref[...][None])
    s = jnp.sum(msg, axis=0)
    o_ref[...] = jnp.dot(s, wup_ref[...], preferred_element_type=jnp.float32) \
        + bup_ref[...] + x1_ref[...]


def _conv_stage(S, x1, pos1, W_pos, b_pos, Wa1, ba1, bn_a_g, bn_a_b, Wa2, ba2,
                W_lin, W_src, W_dst, W_up, b_up):
    Np, C = x1.shape
    NJ = S.shape[0]
    NE = NJ * Np
    B = 128
    grid = Np // B
    Wp1 = W_pos @ Wa1
    bias1 = b_pos @ Wa1 + ba1
    w256 = jnp.concatenate([W_dst @ Wa1, W_src @ Wa1, W_lin,
                            jnp.zeros((C, C), jnp.float32)], axis=1)
    w3 = jnp.concatenate([
        jnp.concatenate([Wp1, Wp1, -W_pos, W_pos], axis=1),
        jnp.concatenate([bias1.reshape(1, C), jnp.zeros((1, 2 * C), jnp.float32),
                         b_pos.reshape(1, C)], axis=1),
        jnp.zeros((4, 4 * C), jnp.float32)], axis=0)
    posp = jnp.concatenate([pos1, jnp.ones((Np, 1), jnp.float32),
                            jnp.zeros((Np, 4), jnp.float32)], axis=1)
    U, T, Pd = pl.pallas_call(
        _prep_body,
        out_shape=[
            jax.ShapeDtypeStruct((Np, C), jnp.float32),
            jax.ShapeDtypeStruct((Np, 2 * C), jnp.float32),
            jax.ShapeDtypeStruct((Np, C), jnp.float32),
        ],
    )(x1, posp, w256, w3)
    G = _sc_gather(S.reshape(-1), T)
    G3 = G.reshape(NJ, Np, 2 * C)

    h1, ss, sq = pl.pallas_call(
        _conv1_body,
        grid=(grid,),
        in_specs=[
            pl.BlockSpec((B, C), lambda i: (i, 0)),
            pl.BlockSpec((NJ, B, C), lambda i: (0, i, 0)),
        ],
        out_specs=[
            pl.BlockSpec((NJ, B, C), lambda i: (0, i, 0)),
            pl.BlockSpec((8, C), lambda i: (0, 0)),
            pl.BlockSpec((8, C), lambda i: (0, 0)),
        ],
        out_shape=[
            jax.ShapeDtypeStruct((NJ, Np, C), jnp.float32),
            jax.ShapeDtypeStruct((8, C), jnp.float32),
            jax.ShapeDtypeStruct((8, C), jnp.float32),
        ],
    )(U, G3)

    out = pl.pallas_call(
        functools.partial(_conv2_body, ne=float(NE)),
        grid=(grid,),
        in_specs=[
            pl.BlockSpec((NJ, B, C), lambda i: (0, i, 0)),
            pl.BlockSpec((8, C), lambda i: (0, 0)),
            pl.BlockSpec((8, C), lambda i: (0, 0)),
            pl.BlockSpec((1, C), lambda i: (0, 0)),
            pl.BlockSpec((1, C), lambda i: (0, 0)),
            pl.BlockSpec((C, C), lambda i: (0, 0)),
            pl.BlockSpec((1, C), lambda i: (0, 0)),
            pl.BlockSpec((NJ, B, C), lambda i: (0, i, 1)),
            pl.BlockSpec((B, C), lambda i: (i, 0)),
            pl.BlockSpec((C, C), lambda i: (0, 0)),
            pl.BlockSpec((1, C), lambda i: (0, 0)),
            pl.BlockSpec((B, C), lambda i: (i, 0)),
        ],
        out_specs=pl.BlockSpec((B, C), lambda i: (i, 0)),
        out_shape=jax.ShapeDtypeStruct((Np, C), jnp.float32),
    )(h1, ss, sq, bn_a_g.reshape(1, C), bn_a_b.reshape(1, C), Wa2,
      ba2.reshape(1, C), G3, Pd, W_up, b_up.reshape(1, C), x1)
    return out



def _sc_gather(idx, tab):
    NE = idx.shape[0]
    D = tab.shape[1]
    NW = 32
    CH = 64
    rows_w = NE // NW
    n_chunks = rows_w // CH
    mesh = plsc.VectorSubcoreMesh(core_axis_name="c", subcore_axis_name="s")

    @functools.partial(
        pl.kernel, mesh=mesh,
        out_type=jax.ShapeDtypeStruct((NE, D), jnp.float32),
        scratch_types=[
            pltpu.VMEM((CH,), jnp.int32),
            pltpu.VMEM((CH, D), jnp.float32),
            pltpu.SemaphoreType.DMA,
        ],
    )
    def gk(idx_hbm, tab_hbm, out_hbm, idx_v, rows_v, sem):
        wid = lax.axis_index("s") * 2 + lax.axis_index("c")
        base = wid * rows_w

        def body(ci, carry):
            off = base + ci * CH
            pltpu.sync_copy(idx_hbm.at[pl.ds(off, CH)], idx_v)
            pltpu.async_copy(tab_hbm.at[idx_v], rows_v, sem).wait()
            pltpu.sync_copy(rows_v, out_hbm.at[pl.ds(off, CH)])
            return carry

        lax.fori_loop(0, n_chunks, body, 0)

    return gk(idx, tab)



def _topk_body(featb_ref, featf_ref, sqb_ref, sqf_ref, out_ref, d_ref, *, k):
    i = pl.program_id(0)
    R = featb_ref.shape[0]
    Nf = featf_ref.shape[0]
    mm = lax.dot_general(featb_ref[...], featf_ref[...],
                         (((1,), (1,)), ((), ())),
                         preferred_element_type=jnp.float32)
    cols = lax.broadcasted_iota(jnp.int32, (R, Nf), 1)
    rows = lax.broadcasted_iota(jnp.int32, (R, Nf), 0) + i * R
    d = (sqb_ref[...] + sqf_ref[...]) - 2.0 * mm
    d_ref[...] = d + jnp.where(cols == rows, 1e10, 0.0)
    lanes = lax.broadcasted_iota(jnp.int32, (R, 128), 1)
    BIG = jnp.int32(2 ** 30)

    def step(t, buf):
        dcur = d_ref[...]
        mn = jnp.min(dcur, axis=1, keepdims=True)
        cand = jnp.where(dcur == mn, cols, BIG)
        j = jnp.min(cand, axis=1, keepdims=True)
        d_ref[...] = jnp.where(cols == j, jnp.inf, dcur)
        return jnp.where(lanes == t, jnp.broadcast_to(j, (R, 128)), buf)

    out_ref[...] = lax.fori_loop(0, k, step, jnp.zeros((R, 128), jnp.int32))


def _knn_topk(feat, sq, k, block=256):
    Np, K = feat.shape
    grid = Np // block
    out = pl.pallas_call(
        functools.partial(_topk_body, k=k),
        grid=(grid,),
        in_specs=[
            pl.BlockSpec((block, K), lambda i: (i, 0)),
            pl.BlockSpec((Np, K), lambda i: (0, 0)),
            pl.BlockSpec((block, 1), lambda i: (i, 0)),
            pl.BlockSpec((1, Np), lambda i: (0, 0)),
        ],
        out_specs=pl.BlockSpec((block, 128), lambda i: (i, 0)),
        out_shape=jax.ShapeDtypeStruct((Np, 128), jnp.int32),
        scratch_shapes=[pltpu.VMEM((block, Np), jnp.float32)],
    )(feat, feat, sq.reshape(Np, 1), sq.reshape(1, Np))
    return out[:, :k]



def _gum_body(noisy_ref, nbr_ref, out_ref, d_ref, *, k):
    R, K = noisy_ref.shape
    cols = lax.broadcasted_iota(jnp.int32, (R, K), 1)
    lanes = lax.broadcasted_iota(jnp.int32, (R, 128), 1)
    d_ref[...] = noisy_ref[...]
    nbr = nbr_ref[...]
    BIG = jnp.int32(2 ** 30)

    def step(t, buf):
        cur = d_ref[...]
        mx = jnp.max(cur, axis=1, keepdims=True)
        cand = jnp.where(cur == mx, cols, BIG)
        j = jnp.min(cand, axis=1, keepdims=True)
        src = jnp.sum(jnp.where(cols == j, nbr, 0), axis=1, keepdims=True)
        d_ref[...] = jnp.where(cols == j, -jnp.inf, cur)
        return jnp.where(lanes == t, jnp.broadcast_to(src, (R, 128)), buf)

    out_ref[...] = lax.fori_loop(0, k, step, jnp.zeros((R, 128), jnp.int32))


def _gum_select(noisy, nbrL, k=16, block=512):
    Np, K = noisy.shape
    out = pl.pallas_call(
        functools.partial(_gum_body, k=k),
        grid=(Np // block,),
        in_specs=[
            pl.BlockSpec((block, K), lambda i: (i, 0)),
            pl.BlockSpec((block, K), lambda i: (i, 0)),
        ],
        out_specs=pl.BlockSpec((block, 128), lambda i: (i, 0)),
        out_shape=jax.ShapeDtypeStruct((Np, 128), jnp.int32),
        scratch_shapes=[pltpu.VMEM((block, K), jnp.float32)],
    )(noisy, nbrL)
    return out[:, :k]



def _bnorm(h, g, b):
    m = jnp.mean(h, axis=0)
    v = jnp.var(h, axis=0)
    return (h - m) / jnp.sqrt(v + 1e-5) * g + b


def _fps_body(px_ref, py_ref, pz_ref, out_ref, *, n_samp):
    R, C = px_ref.shape
    rows = lax.broadcasted_iota(jnp.int32, (R, C), 0)
    cols = lax.broadcasted_iota(jnp.int32, (R, C), 1)
    flat = rows * C + cols
    px, py, pz = px_ref[...], py_ref[...], pz_ref[...]
    BIG = jnp.int32(2 ** 30)

    def extract(a, m):
        return jnp.sum(jnp.where(m, a, 0.0))

    m0 = flat == 0
    out_ref[pl.ds(0, 1), :] = jnp.zeros((1, 1), jnp.int32)
    init = (jnp.full((R, C), jnp.inf, dtype=jnp.float32),
            extract(px, m0), extract(py, m0), extract(pz, m0))

    def step(t, carry):
        dists, lx, ly, lz = carry
        dx = px - lx
        dy = py - ly
        dz = pz - lz
        d = dx * dx + dy * dy + dz * dz
        dists = jnp.minimum(dists, d)
        mx = jnp.max(dists)
        nxt = jnp.min(jnp.where(dists == mx, flat, BIG))
        out_ref[pl.ds(t, 1), :] = jnp.full((1, 1), nxt, jnp.int32)
        m = flat == nxt
        return dists, extract(px, m), extract(py, m), extract(pz, m)

    lax.fori_loop(1, n_samp, step, init)


def _fps(pos, n_samp):
    N = pos.shape[0]
    C = 128
    R = N // C
    px = pos[:, 0].reshape(R, C)
    py = pos[:, 1].reshape(R, C)
    pz = pos[:, 2].reshape(R, C)
    sel = pl.pallas_call(
        functools.partial(_fps_body, n_samp=n_samp),
        out_shape=jax.ShapeDtypeStruct((n_samp, 1), jnp.int32),
    )(px, py, pz)
    return jnp.sort(sel.reshape(n_samp))


def kernel(x, pos, batch, y, edge_index, W_down, b_down, bn_d_g, bn_d_b,
           Wg1, bg1, bn_g_g, bn_g_b, Wg2, bg2, W_pos, b_pos, Wa1, ba1,
           bn_a_g, bn_a_b, Wa2, ba2, W_lin, W_src, W_dst, W_up, b_up):
    N = x.shape[0]
    xd = _down_stage(x, W_down, b_down, bn_d_g, bn_d_b)
    src0, dst0 = edge_index[0], edge_index[1]
    pooled = jax.ops.segment_max(xd[src0], dst0, num_segments=N)
    pooled = jnp.maximum(pooled, xd)
    n_samp = N // 2
    idx = _fps(pos, n_samp)
    x1 = pooled[idx]
    pos1 = pos[idx]
    Np = n_samp
    pos1p = jnp.pad(pos1, ((0, 0), (0, 5)))
    nbr16 = _knn_topk(pos1p, jnp.sum(pos1 * pos1, axis=1), 16)
    k_large = min(127, Np - 1)
    nbrL = _knn_topk(x1, jnp.sum(x1 * x1, axis=1), k_large)
    h = jax.nn.relu(_bnorm(x1 @ Wg1 + bg1, bn_g_g, bn_g_b))
    emb = h @ Wg2 + bg2
    rk = jax.random.key(42)
    emb = emb + jax.random.uniform(jax.random.fold_in(rk, 1), emb.shape, dtype=emb.dtype) * 1e-4
    embG = emb[nbrL]
    diff = embG - emb[:, None, :]
    dist = jnp.sqrt(jnp.sum(diff * diff, axis=2) + 1e-12)
    p = jnp.exp(-1.0 * dist ** 2)
    u = jax.random.uniform(jax.random.fold_in(rk, 2), p.shape, dtype=p.dtype)
    gum = -jnp.log(-jnp.log(u + 1e-20) + 1e-20)
    noisy = jnp.log(p + 1e-20) + gum
    e_src = _gum_select(noisy, nbrL.astype(jnp.int32))
    S = jnp.concatenate([e_src.T, nbr16.T.astype(jnp.int32),
                         jnp.arange(Np, dtype=jnp.int32)[None, :]], axis=0)
    return _conv_stage(S, x1, pos1, W_pos, b_pos, Wa1, ba1, bn_a_g, bn_a_b,
                       Wa2, ba2, W_lin, W_src, W_dst, W_up, b_up)

# --- scband reference (transcript-rebuilt; emitter-appended) ---
"""Pipeline reference for scband-enc-block-33182917329086 (READ-ONLY COPY).

The authoritative reference and input builder live on the scoring server;
editing this copy changes nothing except your own understanding.
"""

import jax, jax.numpy as jnp
import numpy as np


def _batchnorm(h, g, b):
    m = jnp.mean(h, axis=0)
    v = jnp.var(h, axis=0)
    return (h - m) / jnp.sqrt(v + 1e-5) * g + b


def _knn_idx(feat, k):
    sq = jnp.sum(feat * feat, axis=1)
    d = sq[:, None] + sq[None, :] - 2.0 * (feat @ feat.T)
    d = d + jnp.eye(feat.shape[0], dtype=feat.dtype) * 1e10
    _, idx = jax.lax.top_k(-d, k)
    return idx


def _fps(pos, n):
    # farthest point sampling, deterministic start at node 0 (torch_geometric fps analog)
    pos = jax.lax.stop_gradient(pos)
    N = pos.shape[0]
    def step(carry, _):
        dists, last = carry
        d = jnp.sum((pos - pos[last]) ** 2, axis=1)
        dists = jnp.minimum(dists, d)
        nxt = jnp.argmax(dists).astype(jnp.int32)
        return (dists, nxt), nxt
    init = (jnp.full((N,), jnp.inf, dtype=pos.dtype), jnp.int32(0))
    _, rest = jax.lax.scan(step, init, None, length=n - 1)
    idx = jnp.concatenate([jnp.zeros((1,), jnp.int32), rest])
    return jnp.sort(idx)


def setup_inputs(seed: int = 0):
    key = jax.random.key(seed)
    ks = jax.random.split(key, 20)
    N, Cin, Cout = 8192, 128, 256
    def w(k, fi, fo):
        return (jax.random.normal(k, (fi, fo), dtype=jnp.float32) / np.sqrt(fi)).astype(jnp.float32)
    inp = dict(
        x=jax.random.normal(ks[0], (N, Cin), dtype=jnp.float32),
        pos=jax.random.normal(ks[1], (N, 3), dtype=jnp.float32),
        batch=jnp.zeros((N,), dtype=jnp.int32),
        y=jax.random.randint(ks[2], (N,), 0, 20, dtype=jnp.int32),
        edge_index=jax.random.randint(ks[3], (2, N * 16), 0, N, dtype=jnp.int32),
        W_down=w(ks[4], Cin, Cout), b_down=jnp.zeros((Cout,), jnp.float32),
        bn_d_g=jnp.ones((Cout,), jnp.float32), bn_d_b=jnp.zeros((Cout,), jnp.float32),
        Wg1=w(ks[5], Cout, Cout), bg1=jnp.zeros((Cout,), jnp.float32),
        bn_g_g=jnp.ones((Cout,), jnp.float32), bn_g_b=jnp.zeros((Cout,), jnp.float32),
        Wg2=w(ks[6], Cout, 20), bg2=jnp.zeros((20,), jnp.float32),
        W_pos=w(ks[7], 3, Cout), b_pos=jnp.zeros((Cout,), jnp.float32),
        Wa1=w(ks[8], Cout, Cout), ba1=jnp.zeros((Cout,), jnp.float32),
        bn_a_g=jnp.ones((Cout,), jnp.float32), bn_a_b=jnp.zeros((Cout,), jnp.float32),
        Wa2=w(ks[9], Cout, Cout), ba2=jnp.zeros((Cout,), jnp.float32),
        W_lin=w(ks[10], Cout, Cout), W_src=w(ks[11], Cout, Cout), W_dst=w(ks[12], Cout, Cout),
        W_up=w(ks[13], Cout, Cout), b_up=jnp.zeros((Cout,), jnp.float32),
    )
    return inp


def _forward(x, pos, W_down, b_down, bn_d_g, bn_d_b, Wg1, bg1, bn_g_g, bn_g_b, Wg2, bg2,
             W_pos, b_pos, Wa1, ba1, bn_a_g, bn_a_b, Wa2, ba2, W_lin, W_src, W_dst, W_up, b_up,
             batch, y, edge_index):
    N = x.shape[0]
    # --- PointTrans_Layer_down ---
    xd = jax.nn.relu(_batchnorm(x @ W_down + b_down, bn_d_g, bn_d_b))
    src0, dst0 = edge_index[0], edge_index[1]
    pooled = jax.ops.segment_max(xd[src0], dst0, num_segments=N)
    pooled = jnp.maximum(pooled, xd)  # max_pool_neighbor_x adds self loops
    n_samp = N // 2  # fps ratio 0.5, sorted indices
    idx = _fps(pos, n_samp)
    x1 = pooled[idx]
    pos1 = pos[idx]
    y1 = y[idx]  # carried along, does not affect x output
    Np = n_samp
    # --- generate_graph ---
    nbr16 = _knn_idx(pos1, 16)  # KNNGraph(k=16) overwrites edge_index
    src16 = nbr16.reshape(-1).astype(jnp.int32)
    dst16 = jnp.repeat(jnp.arange(Np, dtype=jnp.int32), 16)
    k_large = min(127, Np - 1)
    nbrL = _knn_idx(x1, k_large)
    srcL = nbrL.reshape(-1).astype(jnp.int32)
    dstL = jnp.repeat(jnp.arange(Np, dtype=jnp.int32), k_large)
    h = jax.nn.relu(_batchnorm(x1 @ Wg1 + bg1, bn_g_g, bn_g_b))
    emb = h @ Wg2 + bg2
    rk = jax.random.key(42)
    emb = emb + jax.random.uniform(jax.random.fold_in(rk, 1), emb.shape, dtype=emb.dtype) * 1e-4
    diff = emb[srcL] - emb[dstL]
    dist = jnp.sqrt(jnp.sum(diff * diff, axis=1) + 1e-12)
    p = jnp.exp(-1.0 * dist ** 2).reshape(Np, k_large)
    u = jax.random.uniform(jax.random.fold_in(rk, 2), p.shape, dtype=p.dtype)
    gum = -jnp.log(-jnp.log(u + 1e-20) + 1e-20)
    noisy = jnp.log(p + 1e-20) + gum
    top_v, top_i = jax.lax.top_k(noisy, 16)
    top_v = jax.nn.softmax(top_v, axis=1)  # soft_index_v, stored but unused downstream
    gi = (top_i + jnp.arange(Np)[:, None] * k_large).reshape(-1)
    e_src = srcL[gi]
    e_dst = dstL[gi]
    es = jnp.concatenate([e_src, src16])
    ed = jnp.concatenate([e_dst, dst16])
    # --- PointTrans_Layer / PointTransformerConv (adds self loops, aggr=add) ---
    loops = jnp.arange(Np, dtype=jnp.int32)
    es = jnp.concatenate([es, loops])
    ed = jnp.concatenate([ed, loops])
    val = x1 @ W_lin
    a_src = x1 @ W_src
    a_dst = x1 @ W_dst
    delta = (pos1[ed] - pos1[es]) @ W_pos + b_pos  # pos_nn(pos_i - pos_j)
    alpha = a_dst[ed] - a_src[es] + delta
    alpha = jax.nn.relu(_batchnorm(alpha @ Wa1 + ba1, bn_a_g, bn_a_b)) @ Wa2 + ba2  # attn_nn
    amax = jax.ops.segment_max(alpha, ed, num_segments=Np)
    ex = jnp.exp(alpha - amax[ed])
    den = jax.ops.segment_sum(ex, ed, num_segments=Np)
    attn = ex / (den[ed] + 1e-16)
    msg = attn * (val[es] + delta)
    out = jax.ops.segment_sum(msg, ed, num_segments=Np)
    out = out @ W_up + b_up + x1  # linear_up + residual
    return out


def reference(x, pos, batch, y, edge_index, W_down, b_down, bn_d_g, bn_d_b, Wg1, bg1, bn_g_g, bn_g_b,
              Wg2, bg2, W_pos, b_pos, Wa1, ba1, bn_a_g, bn_a_b, Wa2, ba2, W_lin, W_src, W_dst, W_up, b_up):
    return _forward(x, pos, W_down, b_down, bn_d_g, bn_d_b, Wg1, bg1, bn_g_g, bn_g_b, Wg2, bg2,
                    W_pos, b_pos, Wa1, ba1, bn_a_g, bn_a_b, Wa2, ba2, W_lin, W_src, W_dst, W_up, b_up,
                    batch, y, edge_index)

if __name__ == "__main__":
    import jax
    _d = setup_inputs()
    print(jax.jit(kernel)(*tuple(_d.values())))

</pallas_src>

<mosaic_0001>
#map = affine_map<(d0, d1) -> (0)>
#map1 = affine_map<(d0, d1) -> (0, 0)>
module attributes {stable_mosaic.version = 14 : i64} {
  func.func @gk(%arg0: i32, %arg1: i32, %arg2: memref<135168xi32, #tpu.memory_space<hbm>>, %arg3: memref<4096x512xf32, #tpu.memory_space<hbm>>, %arg4: memref<135168x512xf32, #tpu.memory_space<hbm>>, %arg5: memref<64xi32, #tpu.memory_space<vmem>>, %arg6: memref<64x512xf32, #tpu.memory_space<vmem>>, %arg7: memref<!tpu.dma_semaphore, #tpu.memory_space<semaphore_mem>>) attributes {dimension_semantics = [#tpu.dimension_semantics<core_parallel>, #tpu.dimension_semantics<subcore_parallel>], iteration_bounds = array<i64: 2, 16>, scalar_prefetch = 0 : i64, scratch_operands = 3 : i64, tpu.core_type = #tpu.core_type<sc_vector_subcore>, window_params = [{transform_indices = #map}, {transform_indices = #map1}, {transform_indices = #map1}]} {
    %mul3A = arith.constant 2 : i32
    %mul3A_0 = arith.muli %arg1, %mul3A : i32
    %add3A = arith.addi %mul3A_0, %arg0 : i32
    %mul3A_1 = arith.constant 4224 : i32
    %mul3A_2 = arith.muli %add3A, %mul3A_1 : i32
    %scan3A = arith.constant 0 : i32
    %scan3A_3 = arith.constant 0 : i32
    %scan3A_4 = arith.constant 66 : i32
    %scan3A_5 = arith.addi %scan3A_3, %scan3A_4 : i32
    %scan3A_6 = arith.constant 1 : i32
    scf.for %scan3A_8 = %scan3A_3 to %scan3A_5 step %scan3A_6  : i32 {
      %mul3A_9 = arith.constant 64 : i32
      %mul3A_10 = arith.muli %scan3A_8, %mul3A_9 : i32
      %add3A_11 = arith.addi %mul3A_2, %mul3A_10 : i32
      "tpu.region"() ({
        %run_scoped3A = tpu.sem_alloc : memref<!tpu.dma_semaphore, #tpu.memory_space<semaphore_mem>>
        %dma_start3A_16 = tpu.memref_slice %arg2[%add3A_11] : memref<135168xi32, #tpu.memory_space<hbm>> -> memref<64xi32, #tpu.memory_space<hbm>>
        %dma_start3A_17 = tpu.memref_slice %arg2[%add3A_11] : memref<135168xi32, #tpu.memory_space<hbm>> -> memref<64xi32, #tpu.memory_space<hbm>>
        tpu.enqueue_dma source(%dma_start3A_17 : memref<64xi32, #tpu.memory_space<hbm>>) target(%arg5 : memref<64xi32, #tpu.memory_space<vmem>>) target_semaphore(%run_scoped3A : memref<!tpu.dma_semaphore, #tpu.memory_space<semaphore_mem>>)
        %dma_wait3A_18 = tpu.memref_slice %arg2[%add3A_11] : memref<135168xi32, #tpu.memory_space<hbm>> -> memref<64xi32, #tpu.memory_space<hbm>>
        %dma_wait3A_19 = tpu.memref_slice %arg2[%add3A_11] : memref<135168xi32, #tpu.memory_space<hbm>> -> memref<64xi32, #tpu.memory_space<hbm>>
        tpu.wait_dma2 semaphore(%run_scoped3A : memref<!tpu.dma_semaphore, #tpu.memory_space<semaphore_mem>>) src(%dma_wait3A_19 : memref<64xi32, #tpu.memory_space<hbm>>) dst(%arg5 : memref<64xi32, #tpu.memory_space<vmem>>)
        tpu.yield
      }) : () -> ()
      %dma_start3A = arith.constant 0 : i32
      %dma_start3A_12 = arith.constant 0 : i32
      %dma_start3A_13 = tpu.memref_slice %arg3[%dma_start3A, %dma_start3A_12] : memref<4096x512xf32, #tpu.memory_space<hbm>> -> memref<4096x512xf32, #tpu.memory_space<hbm>>
      tpu.enqueue_indirect_dma source(%dma_start3A_13 : memref<4096x512xf32, #tpu.memory_space<hbm>>) target(%arg6 : memref<64x512xf32, #tpu.memory_space<vmem>>) offsets(%arg5 : memref<64xi32, #tpu.memory_space<vmem>>) semaphore(%arg7 : memref<!tpu.dma_semaphore, #tpu.memory_space<semaphore_mem>>)
      %dma_wait3A = arith.constant 0 : i32
      %dma_wait3A_14 = arith.constant 0 : i32
      %dma_wait3A_15 = tpu.memref_slice %arg3[%dma_wait3A, %dma_wait3A_14] : memref<4096x512xf32, #tpu.memory_space<hbm>> -> memref<4096x512xf32, #tpu.memory_space<hbm>>
      tpu.wait_indirect_dma semaphore(%arg7 : memref<!tpu.dma_semaphore, #tpu.memory_space<semaphore_mem>>) src(%dma_wait3A_15 : memref<4096x512xf32, #tpu.memory_space<hbm>>) dst(%arg6 : memref<64x512xf32, #tpu.memory_space<vmem>>)
      "tpu.region"() ({
        %run_scoped3A = tpu.sem_alloc : memref<!tpu.dma_semaphore, #tpu.memory_space<semaphore_mem>>
        %dma_start3A_16 = arith.constant 0 : i32
        %dma_start3A_17 = tpu.memref_slice %arg4[%add3A_11, %dma_start3A_16] : memref<135168x512xf32, #tpu.memory_space<hbm>> -> memref<64x512xf32, #tpu.memory_space<hbm>>
        %dma_start3A_18 = arith.constant 0 : i32
        %dma_start3A_19 = tpu.memref_slice %arg4[%add3A_11, %dma_start3A_18] : memref<135168x512xf32, #tpu.memory_space<hbm>> -> memref<64x512xf32, #tpu.memory_space<hbm>>
        tpu.enqueue_dma source(%arg6 : memref<64x512xf32, #tpu.memory_space<vmem>>) target(%dma_start3A_19 : memref<64x512xf32, #tpu.memory_space<hbm>>) target_semaphore(%run_scoped3A : memref<!tpu.dma_semaphore, #tpu.memory_space<semaphore_mem>>)
        %dma_wait3A_20 = arith.constant 0 : i32
        %dma_wait3A_21 = tpu.memref_slice %arg4[%add3A_11, %dma_wait3A_20] : memref<135168x512xf32, #tpu.memory_space<hbm>> -> memref<64x512xf32, #tpu.memory_space<hbm>>
        %dma_wait3A_22 = arith.constant 0 : i32
        %dma_wait3A_23 = tpu.memref_slice %arg4[%add3A_11, %dma_wait3A_22] : memref<135168x512xf32, #tpu.memory_space<hbm>> -> memref<64x512xf32, #tpu.memory_space<hbm>>
        tpu.wait_dma2 semaphore(%run_scoped3A : memref<!tpu.dma_semaphore, #tpu.memory_space<semaphore_mem>>) src(%arg6 : memref<64x512xf32, #tpu.memory_space<vmem>>) dst(%dma_wait3A_23 : memref<64x512xf32, #tpu.memory_space<hbm>>)
        tpu.yield
      }) : () -> ()
    }
    %scan3A_7 = arith.constant 66 : i32
    return
  }
}

module attributes {stable_mosaic.version = 14 : i64} {
  func.func @_down_body(%arg0: memref<8192x128xf32, #tpu.memory_space<vmem>>, %arg1: memref<128x256xf32, #tpu.memory_space<vmem>>, %arg2: memref<1x256xf32, #tpu.memory_space<vmem>>, %arg3: memref<1x256xf32, #tpu.memory_space<vmem>>, %arg4: memref<1x256xf32, #tpu.memory_space<vmem>>, %arg5: memref<8192x256xf32, #tpu.memory_space<vmem>>) attributes {dimension_semantics = [], scalar_prefetch = 0 : i64, scratch_operands = 0 : i64, tpu.core_type = #tpu.core_type<tc>} {
    %get3A = arith.constant 0 : index
    %get3A_0 = arith.constant 0 : index
    %get3A_1 = vector.load %arg0[%get3A, %get3A_0] : memref<8192x128xf32, #tpu.memory_space<vmem>>, vector<8192x128xf32>
    %get3A_2 = arith.constant 0 : index
    %get3A_3 = arith.constant 0 : index
    %get3A_4 = vector.load %arg1[%get3A_2, %get3A_3] : memref<128x256xf32, #tpu.memory_space<vmem>>, vector<128x256xf32>
    %dot_general3A = arith.constant dense<0.000000e+00> : vector<8192x256xf32>
    %dot_general3A_5 = tpu.matmul %get3A_1, %get3A_4, %dot_general3A {dimension_numbers = #tpu.dot_dimension_numbers<[1], [0], [0], [1], [0, 0, 1, 1], [], []>, transpose_lhs_hint = false} : vector<8192x128xf32>, vector<128x256xf32>, vector<8192x256xf32> -> vector<8192x256xf32>
    %get3A_6 = arith.constant 0 : index
    %get3A_7 = arith.constant 0 : index
    %get3A_8 = vector.load %arg2[%get3A_6, %get3A_7] : memref<1x256xf32, #tpu.memory_space<vmem>>, vector<1x256xf32>
    %add3A = vector.broadcast %get3A_8 : vector<1x256xf32> to vector<8192x256xf32>
    %add3A_9 = arith.addf %dot_general3A_5, %add3A : vector<8192x256xf32>
    %reduce_sum3A = arith.constant dense<0.000000e+00> : vector<256xf32>
    %reduce_sum3A_10 = vector.multi_reduction <add>, %add3A_9, %reduce_sum3A [0] : vector<8192x256xf32> to vector<256xf32>
    %broadcast_in_dim3A = vector.shape_cast %reduce_sum3A_10 : vector<256xf32> to vector<1x256xf32>
    %div3A = arith.constant 8.192000e+03 : f32
    %div3A_11 = vector.broadcast %div3A : f32 to vector<1x256xf32>
    %div3A_12 = arith.divf %broadcast_in_dim3A, %div3A_11 : vector<1x256xf32>
    %sub3A = vector.broadcast %div3A_12 : vector<1x256xf32> to vector<8192x256xf32>
    %sub3A_13 = arith.subf %add3A_9, %sub3A : vector<8192x256xf32>
    %integer_pow3A = arith.mulf %sub3A_13, %sub3A_13 : vector<8192x256xf32>
    %reduce_sum3A_14 = arith.constant dense<0.000000e+00> : vector<256xf32>
    %reduce_sum3A_15 = vector.multi_reduction <add>, %integer_pow3A, %reduce_sum3A_14 [0] : vector<8192x256xf32> to vector<256xf32>
    %broadcast_in_dim3A_16 = vector.shape_cast %reduce_sum3A_15 : vector<256xf32> to vector<1x256xf32>
    %div3A_17 = arith.constant 8.192000e+03 : f32
    %div3A_18 = vector.broadcast %div3A_17 : f32 to vector<1x256xf32>
    %div3A_19 = arith.divf %broadcast_in_dim3A_16, %div3A_18 : vector<1x256xf32>
    %sub3A_20 = vector.broadcast %div3A_12 : vector<1x256xf32> to vector<8192x256xf32>
    %sub3A_21 = arith.subf %add3A_9, %sub3A_20 : vector<8192x256xf32>
    %add3A_22 = arith.constant 9.99999974E-6 : f32
    %add3A_23 = vector.broadcast %add3A_22 : f32 to vector<1x256xf32>
    %add3A_24 = arith.addf %div3A_19, %add3A_23 : vector<1x256xf32>
    %sqrt3A = math.sqrt %add3A_24 : vector<1x256xf32>
    %div3A_25 = vector.broadcast %sqrt3A : vector<1x256xf32> to vector<8192x256xf32>
    %div3A_26 = arith.divf %sub3A_21, %div3A_25 : vector<8192x256xf32>
    %get3A_27 = arith.constant 0 : index
    %get3A_28 = arith.constant 0 : index
    %get3A_29 = vector.load %arg3[%get3A_27, %get3A_28] : memref<1x256xf32, #tpu.memory_space<vmem>>, vector<1x256xf32>
    %mul3A = vector.broadcast %get3A_29 : vector<1x256xf32> to vector<8192x256xf32>
    %mul3A_30 = arith.mulf %div3A_26, %mul3A : vector<8192x256xf32>
    %get3A_31 = arith.constant 0 : index
    %get3A_32 = arith.constant 0 : index
    %get3A_33 = vector.load %arg4[%get3A_31, %get3A_32] : memref<1x256xf32, #tpu.memory_space<vmem>>, vector<1x256xf32>
    %add3A_34 = vector.broadcast %get3A_33 : vector<1x256xf32> to vector<8192x256xf32>
    %add3A_35 = arith.addf %mul3A_30, %add3A_34 : vector<8192x256xf32>
    %max3A = arith.constant 0.000000e+00 : f32
    %max3A_36 = vector.broadcast %max3A : f32 to vector<8192x256xf32>
    %max3A_37 = arith.maximumf %add3A_35, %max3A_36 : vector<8192x256xf32>
    %swap3A = arith.constant 0 : index
    %swap3A_38 = arith.constant 0 : index
    %swap3A_39 = vector.load %arg5[%swap3A, %swap3A_38] : memref<8192x256xf32, #tpu.memory_space<vmem>>, vector<8192x256xf32>
    tpu.vector_store %arg5[%swap3A, %swap3A_38], %max3A_37 {strides = array<i32>} : memref<8192x256xf32, #tpu.memory_space<vmem>>, vector<8192x256xf32>,
    return
  }
}

module attributes {stable_mosaic.version = 14 : i64} {
  func.func @_topk_body(%arg0: i32, %arg1: memref<256x256xf32, #tpu.memory_space<vmem>>, %arg2: memref<4096x256xf32, #tpu.memory_space<vmem>>, %arg3: memref<256x1xf32, #tpu.memory_space<vmem>>, %arg4: memref<1x4096xf32, #tpu.memory_space<vmem>>, %arg5: memref<256x128xi32, #tpu.memory_space<vmem>>, %arg6: memref<256x4096xf32, #tpu.memory_space<vmem>>) attributes {dimension_semantics = [#tpu.dimension_semantics<arbitrary>], iteration_bounds = array<i64: 16>, scalar_prefetch = 0 : i64, scratch_operands = 1 : i64, tpu.core_type = #tpu.core_type<tc>, window_params = [{transform_indices = @transform_0, window_bounds = array<i64: 256, 256>}, {pipeline_mode = #tpu.pipeline_mode<synchronous>, transform_indices = @transform_1, window_bounds = array<i64: 4096, 256>}, {transform_indices = @transform_2, window_bounds = array<i64: 256, 1>}, {pipeline_mode = #tpu.pipeline_mode<synchronous>, transform_indices = @transform_3, window_bounds = array<i64: 1, 4096>}, {transform_indices = @transform_4, window_bounds = array<i64: 256, 128>}]} {
    %get3A = arith.constant 0 : index
    %get3A_0 = arith.constant 0 : index
    %get3A_1 = vector.load %arg1[%get3A, %get3A_0] : memref<256x256xf32, #tpu.memory_space<vmem>>, vector<256x256xf32>
    %get3A_2 = arith.constant 0 : index
    %get3A_3 = arith.constant 0 : index
    %get3A_4 = vector.load %arg2[%get3A_2, %get3A_3] : memref<4096x256xf32, #tpu.memory_space<vmem>>, vector<4096x256xf32>
    %dot_general3A = arith.constant dense<0.000000e+00> : vector<256x4096xf32>
    %dot_general3A_5 = tpu.matmul %get3A_1, %get3A_4, %dot_general3A {dimension_numbers = #tpu.dot_dimension_numbers<[1], [1], [0], [0], [0, 0, 1, 0], [], []>, transpose_lhs_hint = false} : vector<256x256xf32>, vector<4096x256xf32>, vector<256x4096xf32> -> vector<256x4096xf32>
    %iota3A = tpu.iota {dimensions = array<i32: 1>} : vector<256x4096xi32>
    %iota3A_6 = tpu.iota {dimensions = array<i32: 0>} : vector<256x4096xi32>
    %mul3A = arith.constant 256 : i32
    %mul3A_7 = arith.muli %arg0, %mul3A : i32
    %add3A = vector.broadcast %mul3A_7 : i32 to vector<256x4096xi32>
    %add3A_8 = arith.addi %iota3A_6, %add3A : vector<256x4096xi32>
    %get3A_9 = arith.constant 0 : index
    %get3A_10 = arith.constant 0 : index
    %get3A_11 = vector.load %arg3[%get3A_9, %get3A_10] : memref<256x1xf32, #tpu.memory_space<vmem>>, vector<256x1xf32>
    %get3A_12 = arith.constant 0 : index
    %get3A_13 = arith.constant 0 : index
    %get3A_14 = vector.load %arg4[%get3A_12, %get3A_13] : memref<1x4096xf32, #tpu.memory_space<vmem>>, vector<1x4096xf32>
    %add3A_15 = vector.broadcast %get3A_11 : vector<256x1xf32> to vector<256x4096xf32>
    %add3A_16 = vector.broadcast %get3A_14 : vector<1x4096xf32> to vector<256x4096xf32>
    %add3A_17 = arith.addf %add3A_15, %add3A_16 : vector<256x4096xf32>
    %mul3A_18 = arith.constant 2.000000e+00 : f32
    %mul3A_19 = vector.broadcast %mul3A_18 : f32 to vector<256x4096xf32>
    %mul3A_20 = arith.mulf %mul3A_19, %dot_general3A_5 : vector<256x4096xf32>
    %sub3A = arith.subf %add3A_17, %mul3A_20 : vector<256x4096xf32>
    %eq3A = arith.cmpi eq, %iota3A, %add3A_8 : vector<256x4096xi32>
    %jit3A = arith.constant 1.000000e+10 : f32
    %jit3A_21 = arith.constant 0.000000e+00 : f32
    %broadcast_in_dim3A = vector.broadcast %jit3A : f32 to vector<256x4096xf32>
    %broadcast_in_dim3A_22 = vector.broadcast %jit3A_21 : f32 to vector<256x4096xf32>
    %select_n3A = arith.select %eq3A, %broadcast_in_dim3A, %broadcast_in_dim3A_22 : vector<256x4096xi1>, vector<256x4096xf32>
    %add3A_23 = arith.addf %sub3A, %select_n3A : vector<256x4096xf32>
    %swap3A = arith.constant 0 : index
    %swap3A_24 = arith.constant 0 : index
    %swap3A_25 = vector.load %arg6[%swap3A, %swap3A_24] : memref<256x4096xf32, #tpu.memory_space<vmem>>, vector<256x4096xf32>
    tpu.vector_store %arg6[%swap3A, %swap3A_24], %add3A_23 {strides = array<i32>} : memref<256x4096xf32, #tpu.memory_space<vmem>>, vector<256x4096xf32>,
    %iota3A_26 = tpu.iota {dimensions = array<i32: 1>} : vector<256x128xi32>
    %broadcast_in_dim3A_27 = arith.constant 0 : i32
    %broadcast_in_dim3A_28 = vector.broadcast %broadcast_in_dim3A_27 : i32 to vector<256x128xi32>
    %scan3A = arith.constant 1073741824 : i32
    %scan3A_29 = arith.constant 0 : i32
    %scan3A_30 = arith.constant 127 : i32
    %scan3A_31 = arith.addi %scan3A_29, %scan3A_30 : i32
    %scan3A_32 = arith.constant 1 : i32
    %scan3A_33 = scf.for %scan3A_38 = %scan3A_29 to %scan3A_31 step %scan3A_32 iter_args(%scan3A_39 = %broadcast_in_dim3A_28) -> (vector<256x128xi32>)  : i32 {
      %get3A_40 = arith.constant 0 : index
      %get3A_41 = arith.constant 0 : index
      %get3A_42 = vector.load %arg6[%get3A_40, %get3A_41] : memref<256x4096xf32, #tpu.memory_space<vmem>>, vector<256x4096xf32>
      %reduce_min3A = arith.constant dense<0x7F800000> : vector<256xf32>
      %reduce_min3A_43 = vector.multi_reduction <minimumf>, %get3A_42, %reduce_min3A [1] : vector<256x4096xf32> to vector<256xf32>
      %broadcast_in_dim3A_44 = vector.shape_cast %reduce_min3A_43 : vector<256xf32> to vector<256x1xf32>
      %eq3A_45 = vector.broadcast %broadcast_in_dim3A_44 : vector<256x1xf32> to vector<256x4096xf32>
      %eq3A_46 = arith.cmpf oeq, %get3A_42, %eq3A_45 : vector<256x4096xf32>
      %broadcast_in_dim3A_47 = vector.broadcast %scan3A : i32 to vector<256x4096xi32>
      %select_n3A_48 = arith.select %eq3A_46, %iota3A, %broadcast_in_dim3A_47 : vector<256x4096xi1>, vector<256x4096xi32>
      %reduce_min3A_49 = arith.constant dense<2147483647> : vector<256xi32>
      %reduce_min3A_50 = vector.multi_reduction <minsi>, %select_n3A_48, %reduce_min3A_49 [1] : vector<256x4096xi32> to vector<256xi32>
      %broadcast_in_dim3A_51 = vector.shape_cast %reduce_min3A_50 : vector<256xi32> to vector<256x1xi32>
      %eq3A_52 = vector.broadcast %broadcast_in_dim3A_51 : vector<256x1xi32> to vector<256x4096xi32>
      %eq3A_53 = arith.cmpi eq, %iota3A, %eq3A_52 : vector<256x4096xi32>
      %jit3A_54 = arith.constant 0x7F800000 : f32
      %broadcast_in_dim3A_55 = vector.broadcast %jit3A_54 : f32 to vector<256x4096xf32>
      %select_n3A_56 = arith.select %eq3A_53, %broadcast_in_dim3A_55, %get3A_42 : vector<256x4096xi1>, vector<256x4096xf32>
      %swap3A_57 = arith.constant 0 : index
      %swap3A_58 = arith.constant 0 : index
      %swap3A_59 = vector.load %arg6[%swap3A_57, %swap3A_58] : memref<256x4096xf32, #tpu.memory_space<vmem>>, vector<256x4096xf32>
      tpu.vector_store %arg6[%swap3A_57, %swap3A_58], %select_n3A_56 {strides = array<i32>} : memref<256x4096xf32, #tpu.memory_space<vmem>>, vector<256x4096xf32>,
      %eq3A_60 = vector.broadcast %scan3A_38 : i32 to vector<256x128xi32>
      %eq3A_61 = arith.cmpi eq, %iota3A_26, %eq3A_60 : vector<256x128xi32>
      %broadcast_in_dim3A_62 = vector.shape_cast %broadcast_in_dim3A_51 : vector<256x1xi32> to vector<256x1xi32>
      %broadcast_in_dim3A_63 = vector.broadcast %broadcast_in_dim3A_62 : vector<256x1xi32> to vector<256x128xi32>
      %select_n3A_64 = arith.select %eq3A_61, %broadcast_in_dim3A_63, %scan3A_39 : vector<256x128xi1>, vector<256x128xi32>
      scf.yield %select_n3A_64 : vector<256x128xi32>
    }
    %scan3A_34 = arith.constant 127 : i32
    %swap3A_35 = arith.constant 0 : index
    %swap3A_36 = arith.constant 0 : index
    %swap3A_37 = vector.load %arg5[%swap3A_35, %swap3A_36] : memref<256x128xi32, #tpu.memory_space<vmem>>, vector<256x128xi32>
    tpu.vector_store %arg5[%swap3A_35, %swap3A_36], %scan3A_33 {strides = array<i32>} : memref<256x128xi32, #tpu.memory_space<vmem>>, vector<256x128xi32>,
    return
  }
  func.func @transform_0(%arg0: i32) -> (i32, i32) {
    %c0_i32 = arith.constant 0 : i32
    %c0_i32_0 = arith.constant 0 : i32
    return %arg0, %c0_i32 : i32, i32
  }
  func.func @transform_1(%arg0: i32) -> (i32, i32) {
    %c0_i32 = arith.constant 0 : i32
    %c0_i32_0 = arith.constant 0 : i32
    %c0_i32_1 = arith.constant 0 : i32
    return %c0_i32, %c0_i32_0 : i32, i32
  }
  func.func @transform_2(%arg0: i32) -> (i32, i32) {
    %c0_i32 = arith.constant 0 : i32
    %c0_i32_0 = arith.constant 0 : i32
    return %arg0, %c0_i32 : i32, i32
  }
  func.func @transform_3(%arg0: i32) -> (i32, i32) {
    %c0_i32 = arith.constant 0 : i32
    %c0_i32_0 = arith.constant 0 : i32
    %c0_i32_1 = arith.constant 0 : i32
    return %c0_i32, %c0_i32_0 : i32, i32
  }
  func.func @transform_4(%arg0: i32) -> (i32, i32) {
    %c0_i32 = arith.constant 0 : i32
    %c0_i32_0 = arith.constant 0 : i32
    return %arg0, %c0_i32 : i32, i32
  }
}

module attributes {stable_mosaic.version = 14 : i64} {
  func.func @_topk_body(%arg0: i32, %arg1: memref<256x8xf32, #tpu.memory_space<vmem>>, %arg2: memref<4096x8xf32, #tpu.memory_space<vmem>>, %arg3: memref<256x1xf32, #tpu.memory_space<vmem>>, %arg4: memref<1x4096xf32, #tpu.memory_space<vmem>>, %arg5: memref<256x128xi32, #tpu.memory_space<vmem>>, %arg6: memref<256x4096xf32, #tpu.memory_space<vmem>>) attributes {dimension_semantics = [#tpu.dimension_semantics<arbitrary>], iteration_bounds = array<i64: 16>, scalar_prefetch = 0 : i64, scratch_operands = 1 : i64, tpu.core_type = #tpu.core_type<tc>, window_params = [{transform_indices = @transform_0, window_bounds = array<i64: 256, 8>}, {pipeline_mode = #tpu.pipeline_mode<synchronous>, transform_indices = @transform_1, window_bounds = array<i64: 4096, 8>}, {transform_indices = @transform_2, window_bounds = array<i64: 256, 1>}, {pipeline_mode = #tpu.pipeline_mode<synchronous>, transform_indices = @transform_3, window_bounds = array<i64: 1, 4096>}, {transform_indices = @transform_4, window_bounds = array<i64: 256, 128>}]} {
    %get3A = arith.constant 0 : index
    %get3A_0 = arith.constant 0 : index
    %get3A_1 = vector.load %arg1[%get3A, %get3A_0] : memref<256x8xf32, #tpu.memory_space<vmem>>, vector<256x8xf32>
    %get3A_2 = arith.constant 0 : index
    %get3A_3 = arith.constant 0 : index
    %get3A_4 = vector.load %arg2[%get3A_2, %get3A_3] : memref<4096x8xf32, #tpu.memory_space<vmem>>, vector<4096x8xf32>
    %dot_general3A = arith.constant dense<0.000000e+00> : vector<256x4096xf32>
    %dot_general3A_5 = tpu.matmul %get3A_1, %get3A_4, %dot_general3A {dimension_numbers = #tpu.dot_dimension_numbers<[1], [1], [0], [0], [0, 0, 1, 0], [], []>, transpose_lhs_hint = false} : vector<256x8xf32>, vector<4096x8xf32>, vector<256x4096xf32> -> vector<256x4096xf32>
    %iota3A = tpu.iota {dimensions = array<i32: 1>} : vector<256x4096xi32>
    %iota3A_6 = tpu.iota {dimensions = array<i32: 0>} : vector<256x4096xi32>
    %mul3A = arith.constant 256 : i32
    %mul3A_7 = arith.muli %arg0, %mul3A : i32
    %add3A = vector.broadcast %mul3A_7 : i32 to vector<256x4096xi32>
    %add3A_8 = arith.addi %iota3A_6, %add3A : vector<256x4096xi32>
    %get3A_9 = arith.constant 0 : index
    %get3A_10 = arith.constant 0 : index
    %get3A_11 = vector.load %arg3[%get3A_9, %get3A_10] : memref<256x1xf32, #tpu.memory_space<vmem>>, vector<256x1xf32>
    %get3A_12 = arith.constant 0 : index
    %get3A_13 = arith.constant 0 : index
    %get3A_14 = vector.load %arg4[%get3A_12, %get3A_13] : memref<1x4096xf32, #tpu.memory_space<vmem>>, vector<1x4096xf32>
    %add3A_15 = vector.broadcast %get3A_11 : vector<256x1xf32> to vector<256x4096xf32>
    %add3A_16 = vector.broadcast %get3A_14 : vector<1x4096xf32> to vector<256x4096xf32>
    %add3A_17 = arith.addf %add3A_15, %add3A_16 : vector<256x4096xf32>
    %mul3A_18 = arith.constant 2.000000e+00 : f32
    %mul3A_19 = vector.broadcast %mul3A_18 : f32 to vector<256x4096xf32>
    %mul3A_20 = arith.mulf %mul3A_19, %dot_general3A_5 : vector<256x4096xf32>
    %sub3A = arith.subf %add3A_17, %mul3A_20 : vector<256x4096xf32>
    %eq3A = arith.cmpi eq, %iota3A, %add3A_8 : vector<256x4096xi32>
    %jit3A = arith.constant 1.000000e+10 : f32
    %jit3A_21 = arith.constant 0.000000e+00 : f32
    %broadcast_in_dim3A = vector.broadcast %jit3A : f32 to vector<256x4096xf32>
    %broadcast_in_dim3A_22 = vector.broadcast %jit3A_21 : f32 to vector<256x4096xf32>
    %select_n3A = arith.select %eq3A, %broadcast_in_dim3A, %broadcast_in_dim3A_22 : vector<256x4096xi1>, vector<256x4096xf32>
    %add3A_23 = arith.addf %sub3A, %select_n3A : vector<256x4096xf32>
    %swap3A = arith.constant 0 : index
    %swap3A_24 = arith.constant 0 : index
    %swap3A_25 = vector.load %arg6[%swap3A, %swap3A_24] : memref<256x4096xf32, #tpu.memory_space<vmem>>, vector<256x4096xf32>
    tpu.vector_store %arg6[%swap3A, %swap3A_24], %add3A_23 {strides = array<i32>} : memref<256x4096xf32, #tpu.memory_space<vmem>>, vector<256x4096xf32>,
    %iota3A_26 = tpu.iota {dimensions = array<i32: 1>} : vector<256x128xi32>
    %broadcast_in_dim3A_27 = arith.constant 0 : i32
    %broadcast_in_dim3A_28 = vector.broadcast %broadcast_in_dim3A_27 : i32 to vector<256x128xi32>
    %scan3A = arith.constant 1073741824 : i32
    %scan3A_29 = arith.constant 0 : i32
    %scan3A_30 = arith.constant 16 : i32
    %scan3A_31 = arith.addi %scan3A_29, %scan3A_30 : i32
    %scan3A_32 = arith.constant 1 : i32
    %scan3A_33 = scf.for %scan3A_38 = %scan3A_29 to %scan3A_31 step %scan3A_32 iter_args(%scan3A_39 = %broadcast_in_dim3A_28) -> (vector<256x128xi32>)  : i32 {
      %get3A_40 = arith.constant 0 : index
      %get3A_41 = arith.constant 0 : index
      %get3A_42 = vector.load %arg6[%get3A_40, %get3A_41] : memref<256x4096xf32, #tpu.memory_space<vmem>>, vector<256x4096xf32>
      %reduce_min3A = arith.constant dense<0x7F800000> : vector<256xf32>
      %reduce_min3A_43 = vector.multi_reduction <minimumf>, %get3A_42, %reduce_min3A [1] : vector<256x4096xf32> to vector<256xf32>
      %broadcast_in_dim3A_44 = vector.shape_cast %reduce_min3A_43 : vector<256xf32> to vector<256x1xf32>
      %eq3A_45 = vector.broadcast %broadcast_in_dim3A_44 : vector<256x1xf32> to vector<256x4096xf32>
      %eq3A_46 = arith.cmpf oeq, %get3A_42, %eq3A_45 : vector<256x4096xf32>
      %broadcast_in_dim3A_47 = vector.broadcast %scan3A : i32 to vector<256x4096xi32>
      %select_n3A_48 = arith.select %eq3A_46, %iota3A, %broadcast_in_dim3A_47 : vector<256x4096xi1>, vector<256x4096xi32>
      %reduce_min3A_49 = arith.constant dense<2147483647> : vector<256xi32>
      %reduce_min3A_50 = vector.multi_reduction <minsi>, %select_n3A_48, %reduce_min3A_49 [1] : vector<256x4096xi32> to vector<256xi32>
      %broadcast_in_dim3A_51 = vector.shape_cast %reduce_min3A_50 : vector<256xi32> to vector<256x1xi32>
      %eq3A_52 = vector.broadcast %broadcast_in_dim3A_51 : vector<256x1xi32> to vector<256x4096xi32>
      %eq3A_53 = arith.cmpi eq, %iota3A, %eq3A_52 : vector<256x4096xi32>
      %jit3A_54 = arith.constant 0x7F800000 : f32
      %broadcast_in_dim3A_55 = vector.broadcast %jit3A_54 : f32 to vector<256x4096xf32>
      %select_n3A_56 = arith.select %eq3A_53, %broadcast_in_dim3A_55, %get3A_42 : vector<256x4096xi1>, vector<256x4096xf32>
      %swap3A_57 = arith.constant 0 : index
      %swap3A_58 = arith.constant 0 : index
      %swap3A_59 = vector.load %arg6[%swap3A_57, %swap3A_58] : memref<256x4096xf32, #tpu.memory_space<vmem>>, vector<256x4096xf32>
      tpu.vector_store %arg6[%swap3A_57, %swap3A_58], %select_n3A_56 {strides = array<i32>} : memref<256x4096xf32, #tpu.memory_space<vmem>>, vector<256x4096xf32>,
      %eq3A_60 = vector.broadcast %scan3A_38 : i32 to vector<256x128xi32>
      %eq3A_61 = arith.cmpi eq, %iota3A_26, %eq3A_60 : vector<256x128xi32>
      %broadcast_in_dim3A_62 = vector.shape_cast %broadcast_in_dim3A_51 : vector<256x1xi32> to vector<256x1xi32>
      %broadcast_in_dim3A_63 = vector.broadcast %broadcast_in_dim3A_62 : vector<256x1xi32> to vector<256x128xi32>
      %select_n3A_64 = arith.select %eq3A_61, %broadcast_in_dim3A_63, %scan3A_39 : vector<256x128xi1>, vector<256x128xi32>
      scf.yield %select_n3A_64 : vector<256x128xi32>
    }
    %scan3A_34 = arith.constant 16 : i32
    %swap3A_35 = arith.constant 0 : index
    %swap3A_36 = arith.constant 0 : index
    %swap3A_37 = vector.load %arg5[%swap3A_35, %swap3A_36] : memref<256x128xi32, #tpu.memory_space<vmem>>, vector<256x128xi32>
    tpu.vector_store %arg5[%swap3A_35, %swap3A_36], %scan3A_33 {strides = array<i32>} : memref<256x128xi32, #tpu.memory_space<vmem>>, vector<256x128xi32>,
    return
  }
  func.func @transform_0(%arg0: i32) -> (i32, i32) {
    %c0_i32 = arith.constant 0 : i32
    %c0_i32_0 = arith.constant 0 : i32
    return %arg0, %c0_i32 : i32, i32
  }
  func.func @transform_1(%arg0: i32) -> (i32, i32) {
    %c0_i32 = arith.constant 0 : i32
    %c0_i32_0 = arith.constant 0 : i32
    %c0_i32_1 = arith.constant 0 : i32
    return %c0_i32, %c0_i32_0 : i32, i32
  }
  func.func @transform_2(%arg0: i32) -> (i32, i32) {
    %c0_i32 = arith.constant 0 : i32
    %c0_i32_0 = arith.constant 0 : i32
    return %arg0, %c0_i32 : i32, i32
  }
  func.func @transform_3(%arg0: i32) -> (i32, i32) {
    %c0_i32 = arith.constant 0 : i32
    %c0_i32_0 = arith.constant 0 : i32
    %c0_i32_1 = arith.constant 0 : i32
    return %c0_i32, %c0_i32_0 : i32, i32
  }
  func.func @transform_4(%arg0: i32) -> (i32, i32) {
    %c0_i32 = arith.constant 0 : i32
    %c0_i32_0 = arith.constant 0 : i32
    return %arg0, %c0_i32 : i32, i32
  }
}

module attributes {stable_mosaic.version = 14 : i64} {
  func.func @_prep_body(%arg0: memref<4096x256xf32, #tpu.memory_space<vmem>>, %arg1: memref<4096x8xf32, #tpu.memory_space<vmem>>, %arg2: memref<256x1024xf32, #tpu.memory_space<vmem>>, %arg3: memref<8x1024xf32, #tpu.memory_space<vmem>>, %arg4: memref<4096x256xf32, #tpu.memory_space<vmem>>, %arg5: memref<4096x512xf32, #tpu.memory_space<vmem>>, %arg6: memref<4096x256xf32, #tpu.memory_space<vmem>>) attributes {dimension_semantics = [], scalar_prefetch = 0 : i64, scratch_operands = 0 : i64, tpu.core_type = #tpu.core_type<tc>} {
    %get3A = arith.constant 0 : index
    %get3A_0 = arith.constant 0 : index
    %get3A_1 = vector.load %arg0[%get3A, %get3A_0] : memref<4096x256xf32, #tpu.memory_space<vmem>>, vector<4096x256xf32>
    %get3A_2 = arith.constant 0 : index
    %get3A_3 = arith.constant 0 : index
    %get3A_4 = vector.load %arg2[%get3A_2, %get3A_3] : memref<256x1024xf32, #tpu.memory_space<vmem>>, vector<256x1024xf32>
    %dot_general3A = arith.constant dense<0.000000e+00> : vector<4096x1024xf32>
    %dot_general3A_5 = tpu.matmul %get3A_1, %get3A_4, %dot_general3A {dimension_numbers = #tpu.dot_dimension_numbers<[1], [0], [0], [1], [0, 0, 1, 1], [], []>, transpose_lhs_hint = false} : vector<4096x256xf32>, vector<256x1024xf32>, vector<4096x1024xf32> -> vector<4096x1024xf32>
    %get3A_6 = arith.constant 0 : index
    %get3A_7 = arith.constant 0 : index
    %get3A_8 = vector.load %arg1[%get3A_6, %get3A_7] : memref<4096x8xf32, #tpu.memory_space<vmem>>, vector<4096x8xf32>
    %get3A_9 = arith.constant 0 : index
    %get3A_10 = arith.constant 0 : index
    %get3A_11 = vector.load %arg3[%get3A_9, %get3A_10] : memref<8x1024xf32, #tpu.memory_space<vmem>>, vector<8x1024xf32>
    %dot_general3A_12 = arith.constant dense<0.000000e+00> : vector<4096x1024xf32>
    %dot_general3A_13 = tpu.matmul %get3A_8, %get3A_11, %dot_general3A_12 {dimension_numbers = #tpu.dot_dimension_numbers<[1], [0], [0], [1], [0, 0, 1, 1], [], []>, transpose_lhs_hint = false} : vector<4096x8xf32>, vector<8x1024xf32>, vector<4096x1024xf32> -> vector<4096x1024xf32>
    %add3A = arith.addf %dot_general3A_5, %dot_general3A_13 : vector<4096x1024xf32>
    %slice3A = vector.extract_strided_slice %add3A {offsets = [0, 0], sizes = [4096, 256], strides = [1, 1]} : vector<4096x1024xf32> to vector<4096x256xf32>
    %swap3A = arith.constant 0 : index
    %swap3A_14 = arith.constant 0 : index
    %swap3A_15 = vector.load %arg4[%swap3A, %swap3A_14] : memref<4096x256xf32, #tpu.memory_space<vmem>>, vector<4096x256xf32>
    tpu.vector_store %arg4[%swap3A, %swap3A_14], %slice3A {strides = array<i32>} : memref<4096x256xf32, #tpu.memory_space<vmem>>, vector<4096x256xf32>,
    %slice3A_16 = vector.extract_strided_slice %add3A {offsets = [0, 256], sizes = [4096, 512], strides = [1, 1]} : vector<4096x1024xf32> to vector<4096x512xf32>
    %swap3A_17 = arith.constant 0 : index
    %swap3A_18 = arith.constant 0 : index
    %swap3A_19 = vector.load %arg5[%swap3A_17, %swap3A_18] : memref<4096x512xf32, #tpu.memory_space<vmem>>, vector<4096x512xf32>
    tpu.vector_store %arg5[%swap3A_17, %swap3A_18], %slice3A_16 {strides = array<i32>} : memref<4096x512xf32, #tpu.memory_space<vmem>>, vector<4096x512xf32>,
    %slice3A_20 = vector.extract_strided_slice %add3A {offsets = [0, 768], sizes = [4096, 256], strides = [1, 1]} : vector<4096x1024xf32> to vector<4096x256xf32>
    %swap3A_21 = arith.constant 0 : index
    %swap3A_22 = arith.constant 0 : index
    %swap3A_23 = vector.load %arg6[%swap3A_21, %swap3A_22] : memref<4096x256xf32, #tpu.memory_space<vmem>>, vector<4096x256xf32>
    tpu.vector_store %arg6[%swap3A_21, %swap3A_22], %slice3A_20 {strides = array<i32>} : memref<4096x256xf32, #tpu.memory_space<vmem>>, vector<4096x256xf32>,
    return
  }
}

module attributes {stable_mosaic.version = 14 : i64} {
  func.func @_gum_body(%arg0: i32, %arg1: memref<512x127xf32, #tpu.memory_space<vmem>>, %arg2: memref<512x127xi32, #tpu.memory_space<vmem>>, %arg3: memref<512x128xi32, #tpu.memory_space<vmem>>, %arg4: memref<512x127xf32, #tpu.memory_space<vmem>>) attributes {dimension_semantics = [#tpu.dimension_semantics<arbitrary>], iteration_bounds = array<i64: 8>, scalar_prefetch = 0 : i64, scratch_operands = 1 : i64, tpu.core_type = #tpu.core_type<tc>, window_params = [{transform_indices = @transform_0, window_bounds = array<i64: 512, 127>}, {transform_indices = @transform_1, window_bounds = array<i64: 512, 127>}, {transform_indices = @transform_2, window_bounds = array<i64: 512, 128>}]} {
    %iota3A = tpu.iota {dimensions = array<i32: 1>} : vector<512x127xi32>
    %iota3A_0 = tpu.iota {dimensions = array<i32: 1>} : vector<512x128xi32>
    %get3A = arith.constant 0 : index
    %get3A_1 = arith.constant 0 : index
    %get3A_2 = vector.load %arg1[%get3A, %get3A_1] : memref<512x127xf32, #tpu.memory_space<vmem>>, vector<512x127xf32>
    %swap3A = arith.constant 0 : index
    %swap3A_3 = arith.constant 0 : index
    %swap3A_4 = vector.load %arg4[%swap3A, %swap3A_3] : memref<512x127xf32, #tpu.memory_space<vmem>>, vector<512x127xf32>
    tpu.vector_store %arg4[%swap3A, %swap3A_3], %get3A_2 {strides = array<i32>} : memref<512x127xf32, #tpu.memory_space<vmem>>, vector<512x127xf32>,
    %get3A_5 = arith.constant 0 : index
    %get3A_6 = arith.constant 0 : index
    %get3A_7 = vector.load %arg2[%get3A_5, %get3A_6] : memref<512x127xi32, #tpu.memory_space<vmem>>, vector<512x127xi32>
    %broadcast_in_dim3A = arith.constant 0 : i32
    %broadcast_in_dim3A_8 = vector.broadcast %broadcast_in_dim3A : i32 to vector<512x128xi32>
    %scan3A = arith.constant 1073741824 : i32
    %scan3A_9 = arith.constant 0 : i32
    %scan3A_10 = arith.constant 16 : i32
    %scan3A_11 = arith.addi %scan3A_9, %scan3A_10 : i32
    %scan3A_12 = arith.constant 1 : i32
    %scan3A_13 = scf.for %scan3A_18 = %scan3A_9 to %scan3A_11 step %scan3A_12 iter_args(%scan3A_19 = %broadcast_in_dim3A_8) -> (vector<512x128xi32>)  : i32 {
      %get3A_20 = arith.constant 0 : index
      %get3A_21 = arith.constant 0 : index
      %get3A_22 = vector.load %arg4[%get3A_20, %get3A_21] : memref<512x127xf32, #tpu.memory_space<vmem>>, vector<512x127xf32>
      %reduce_max3A = arith.constant dense<0xFF800000> : vector<512xf32>
      %reduce_max3A_23 = vector.multi_reduction <maximumf>, %get3A_22, %reduce_max3A [1] : vector<512x127xf32> to vector<512xf32>
      %broadcast_in_dim3A_24 = vector.shape_cast %reduce_max3A_23 : vector<512xf32> to vector<512x1xf32>
      %eq3A = vector.broadcast %broadcast_in_dim3A_24 : vector<512x1xf32> to vector<512x127xf32>
      %eq3A_25 = arith.cmpf oeq, %get3A_22, %eq3A : vector<512x127xf32>
      %broadcast_in_dim3A_26 = vector.broadcast %scan3A : i32 to vector<512x127xi32>
      %select_n3A = arith.select %eq3A_25, %iota3A, %broadcast_in_dim3A_26 : vector<512x127xi1>, vector<512x127xi32>
      %reduce_min3A = arith.constant dense<2147483647> : vector<512xi32>
      %reduce_min3A_27 = vector.multi_reduction <minsi>, %select_n3A, %reduce_min3A [1] : vector<512x127xi32> to vector<512xi32>
      %broadcast_in_dim3A_28 = vector.shape_cast %reduce_min3A_27 : vector<512xi32> to vector<512x1xi32>
      %eq3A_29 = vector.broadcast %broadcast_in_dim3A_28 : vector<512x1xi32> to vector<512x127xi32>
      %eq3A_30 = arith.cmpi eq, %iota3A, %eq3A_29 : vector<512x127xi32>
      %jit3A = arith.constant 0 : i32
      %broadcast_in_dim3A_31 = vector.broadcast %jit3A : i32 to vector<512x127xi32>
      %select_n3A_32 = arith.select %eq3A_30, %get3A_7, %broadcast_in_dim3A_31 : vector<512x127xi1>, vector<512x127xi32>
      %reduce_sum3A = arith.constant dense<0> : vector<512xi32>
      %reduce_sum3A_33 = vector.multi_reduction <add>, %select_n3A_32, %reduce_sum3A [1] : vector<512x127xi32> to vector<512xi32>
      %broadcast_in_dim3A_34 = vector.shape_cast %reduce_sum3A_33 : vector<512xi32> to vector<512x1xi32>
      %eq3A_35 = vector.broadcast %broadcast_in_dim3A_28 : vector<512x1xi32> to vector<512x127xi32>
      %eq3A_36 = arith.cmpi eq, %iota3A, %eq3A_35 : vector<512x127xi32>
      %jit3A_37 = arith.constant 0xFF800000 : f32
      %broadcast_in_dim3A_38 = vector.broadcast %jit3A_37 : f32 to vector<512x127xf32>
      %select_n3A_39 = arith.select %eq3A_36, %broadcast_in_dim3A_38, %get3A_22 : vector<512x127xi1>, vector<512x127xf32>
      %swap3A_40 = arith.constant 0 : index
      %swap3A_41 = arith.constant 0 : index
      %swap3A_42 = vector.load %arg4[%swap3A_40, %swap3A_41] : memref<512x127xf32, #tpu.memory_space<vmem>>, vector<512x127xf32>
      tpu.vector_store %arg4[%swap3A_40, %swap3A_41], %select_n3A_39 {strides = array<i32>} : memref<512x127xf32, #tpu.memory_space<vmem>>, vector<512x127xf32>,
      %eq3A_43 = vector.broadcast %scan3A_18 : i32 to vector<512x128xi32>
      %eq3A_44 = arith.cmpi eq, %iota3A_0, %eq3A_43 : vector<512x128xi32>
      %broadcast_in_dim3A_45 = vector.shape_cast %broadcast_in_dim3A_34 : vector<512x1xi32> to vector<512x1xi32>
      %broadcast_in_dim3A_46 = vector.broadcast %broadcast_in_dim3A_45 : vector<512x1xi32> to vector<512x128xi32>
      %select_n3A_47 = arith.select %eq3A_44, %broadcast_in_dim3A_46, %scan3A_19 : vector<512x128xi1>, vector<512x128xi32>
      scf.yield %select_n3A_47 : vector<512x128xi32>
    }
    %scan3A_14 = arith.constant 16 : i32
    %swap3A_15 = arith.constant 0 : index
    %swap3A_16 = arith.constant 0 : index
    %swap3A_17 = vector.load %arg3[%swap3A_15, %swap3A_16] : memref<512x128xi32, #tpu.memory_space<vmem>>, vector<512x128xi32>
    tpu.vector_store %arg3[%swap3A_15, %swap3A_16], %scan3A_13 {strides = array<i32>} : memref<512x128xi32, #tpu.memory_space<vmem>>, vector<512x128xi32>,
    return
  }
  func.func @transform_0(%arg0: i32) -> (i32, i32) {
    %c0_i32 = arith.constant 0 : i32
    %c0_i32_0 = arith.constant 0 : i32
    return %arg0, %c0_i32 : i32, i32
  }
  func.func @transform_1(%arg0: i32) -> (i32, i32) {
    %c0_i32 = arith.constant 0 : i32
    %c0_i32_0 = arith.constant 0 : i32
    return %arg0, %c0_i32 : i32, i32
  }
  func.func @transform_2(%arg0: i32) -> (i32, i32) {
    %c0_i32 = arith.constant 0 : i32
    %c0_i32_0 = arith.constant 0 : i32
    return %arg0, %c0_i32 : i32, i32
  }
}

module attributes {stable_mosaic.version = 14 : i64} {
  func.func @_conv1_body(%arg0: i32, %arg1: memref<128x256xf32, #tpu.memory_space<vmem>>, %arg2: memref<33x128x256xf32, #tpu.memory_space<vmem>>, %arg3: memref<33x128x256xf32, #tpu.memory_space<vmem>>, %arg4: memref<8x256xf32, #tpu.memory_space<vmem>>, %arg5: memref<8x256xf32, #tpu.memory_space<vmem>>) attributes {dimension_semantics = [#tpu.dimension_semantics<arbitrary>], iteration_bounds = array<i64: 32>, scalar_prefetch = 0 : i64, scratch_operands = 0 : i64, tpu.core_type = #tpu.core_type<tc>, window_params = [{transform_indices = @transform_0, window_bounds = array<i64: 128, 256>}, {transform_indices = @transform_1, window_bounds = array<i64: 33, 128, 256>}, {transform_indices = @transform_2, window_bounds = array<i64: 33, 128, 256>}, {pipeline_mode = #tpu.pipeline_mode<synchronous>, transform_indices = @transform_3, window_bounds = array<i64: 8, 256>}, {pipeline_mode = #tpu.pipeline_mode<synchronous>, transform_indices = @transform_4, window_bounds = array<i64: 8, 256>}]} {
    %get3A = arith.constant 0 : index
    %get3A_0 = arith.constant 0 : index
    %get3A_1 = vector.load %arg1[%get3A, %get3A_0] : memref<128x256xf32, #tpu.memory_space<vmem>>, vector<128x256xf32>
    %broadcast_in_dim3A = vector.shape_cast %get3A_1 : vector<128x256xf32> to vector<1x128x256xf32>
    %get3A_2 = arith.constant 0 : index
    %get3A_3 = arith.constant 0 : index
    %get3A_4 = arith.constant 0 : index
    %get3A_5 = vector.load %arg2[%get3A_2, %get3A_3, %get3A_4] : memref<33x128x256xf32, #tpu.memory_space<vmem>>, vector<33x128x256xf32>
    %sub3A = vector.broadcast %broadcast_in_dim3A : vector<1x128x256xf32> to vector<33x128x256xf32>
    %sub3A_6 = arith.subf %sub3A, %get3A_5 : vector<33x128x256xf32>
    %swap3A = arith.constant 0 : index
    %swap3A_7 = arith.constant 0 : index
    %swap3A_8 = arith.constant 0 : index
    %swap3A_9 = vector.load %arg3[%swap3A, %swap3A_7, %swap3A_8] : memref<33x128x256xf32, #tpu.memory_space<vmem>>, vector<33x128x256xf32>
    tpu.vector_store %arg3[%swap3A, %swap3A_7, %swap3A_8], %sub3A_6 {strides = array<i32>} : memref<33x128x256xf32, #tpu.memory_space<vmem>>, vector<33x128x256xf32>,
    %reduce_sum3A = arith.constant dense<0.000000e+00> : vector<256xf32>
    %reduce_sum3A_10 = vector.multi_reduction <add>, %sub3A_6, %reduce_sum3A [0, 1] : vector<33x128x256xf32> to vector<256xf32>
    %reshape3A = vector.shape_cast %reduce_sum3A_10 : vector<256xf32> to vector<1x256xf32>
    %mul3A = arith.mulf %sub3A_6, %sub3A_6 : vector<33x128x256xf32>
    %reduce_sum3A_11 = arith.constant dense<0.000000e+00> : vector<256xf32>
    %reduce_sum3A_12 = vector.multi_reduction <add>, %mul3A, %reduce_sum3A_11 [0, 1] : vector<33x128x256xf32> to vector<256xf32>
    %reshape3A_13 = vector.shape_cast %reduce_sum3A_12 : vector<256xf32> to vector<1x256xf32>
    %eq3A = arith.constant 0 : i32
    %eq3A_14 = arith.cmpi eq, %arg0, %eq3A : i32
    %convert_element_type3A = arith.extui %eq3A_14 : i1 to i32
    %cond3A = arith.constant 0 : i32
    %cond3A_15 = arith.cmpi ne, %convert_element_type3A, %cond3A : i32
    scf.if %cond3A_15 {
      %broadcast_in_dim3A_33 = arith.constant 0.000000e+00 : f32
      %broadcast_in_dim3A_34 = vector.broadcast %broadcast_in_dim3A_33 : f32 to vector<8x256xf32>
      %swap3A_35 = arith.constant 0 : index
      %swap3A_36 = arith.constant 0 : index
      %swap3A_37 = vector.load %arg4[%swap3A_35, %swap3A_36] : memref<8x256xf32, #tpu.memory_space<vmem>>, vector<8x256xf32>
      tpu.vector_store %arg4[%swap3A_35, %swap3A_36], %broadcast_in_dim3A_34 {strides = array<i32>} : memref<8x256xf32, #tpu.memory_space<vmem>>, vector<8x256xf32>,
      %broadcast_in_dim3A_38 = arith.constant 0.000000e+00 : f32
      %broadcast_in_dim3A_39 = vector.broadcast %broadcast_in_dim3A_38 : f32 to vector<8x256xf32>
      %swap3A_40 = arith.constant 0 : index
      %swap3A_41 = arith.constant 0 : index
      %swap3A_42 = vector.load %arg5[%swap3A_40, %swap3A_41] : memref<8x256xf32, #tpu.memory_space<vmem>>, vector<8x256xf32>
      tpu.vector_store %arg5[%swap3A_40, %swap3A_41], %broadcast_in_dim3A_39 {strides = array<i32>} : memref<8x256xf32, #tpu.memory_space<vmem>>, vector<8x256xf32>,
    } else {
    }
    %get3A_16 = arith.constant 0 : index
    %get3A_17 = arith.constant 0 : index
    %get3A_18 = vector.load %arg4[%get3A_16, %get3A_17] : memref<8x256xf32, #tpu.memory_space<vmem>>, vector<8x256xf32>
    %broadcast_in_dim3A_19 = vector.shape_cast %reshape3A : vector<1x256xf32> to vector<1x256xf32>
    %broadcast_in_dim3A_20 = vector.broadcast %broadcast_in_dim3A_19 : vector<1x256xf32> to vector<8x256xf32>
    %add3A = arith.addf %get3A_18, %broadcast_in_dim3A_20 : vector<8x256xf32>
    %swap3A_21 = arith.constant 0 : index
    %swap3A_22 = arith.constant 0 : index
    %swap3A_23 = vector.load %arg4[%swap3A_21, %swap3A_22] : memref<8x256xf32, #tpu.memory_space<vmem>>, vector<8x256xf32>
    tpu.vector_store %arg4[%swap3A_21, %swap3A_22], %add3A {strides = array<i32>} : memref<8x256xf32, #tpu.memory_space<vmem>>, vector<8x256xf32>,
    %get3A_24 = arith.constant 0 : index
    %get3A_25 = arith.constant 0 : index
    %get3A_26 = vector.load %arg5[%get3A_24, %get3A_25] : memref<8x256xf32, #tpu.memory_space<vmem>>, vector<8x256xf32>
    %broadcast_in_dim3A_27 = vector.shape_cast %reshape3A_13 : vector<1x256xf32> to vector<1x256xf32>
    %broadcast_in_dim3A_28 = vector.broadcast %broadcast_in_dim3A_27 : vector<1x256xf32> to vector<8x256xf32>
    %add3A_29 = arith.addf %get3A_26, %broadcast_in_dim3A_28 : vector<8x256xf32>
    %swap3A_30 = arith.constant 0 : index
    %swap3A_31 = arith.constant 0 : index
    %swap3A_32 = vector.load %arg5[%swap3A_30, %swap3A_31] : memref<8x256xf32, #tpu.memory_space<vmem>>, vector<8x256xf32>
    tpu.vector_store %arg5[%swap3A_30, %swap3A_31], %add3A_29 {strides = array<i32>} : memref<8x256xf32, #tpu.memory_space<vmem>>, vector<8x256xf32>,
    return
  }
  func.func @transform_0(%arg0: i32) -> (i32, i32) {
    %c0_i32 = arith.constant 0 : i32
    %c0_i32_0 = arith.constant 0 : i32
    return %arg0, %c0_i32 : i32, i32
  }
  func.func @transform_1(%arg0: i32) -> (i32, i32, i32) {
    %c0_i32 = arith.constant 0 : i32
    %c0_i32_0 = arith.constant 0 : i32
    %c0_i32_1 = arith.constant 0 : i32
    return %c0_i32, %arg0, %c0_i32_0 : i32, i32, i32
  }
  func.func @transform_2(%arg0: i32) -> (i32, i32, i32) {
    %c0_i32 = arith.constant 0 : i32
    %c0_i32_0 = arith.constant 0 : i32
    %c0_i32_1 = arith.constant 0 : i32
    return %c0_i32, %arg0, %c0_i32_0 : i32, i32, i32
  }
  func.func @transform_3(%arg0: i32) -> (i32, i32) {
    %c0_i32 = arith.constant 0 : i32
    %c0_i32_0 = arith.constant 0 : i32
    %c0_i32_1 = arith.constant 0 : i32
    return %c0_i32, %c0_i32_0 : i32, i32
  }
  func.func @transform_4(%arg0: i32) -> (i32, i32) {
    %c0_i32 = arith.constant 0 : i32
    %c0_i32_0 = arith.constant 0 : i32
    %c0_i32_1 = arith.constant 0 : i32
    return %c0_i32, %c0_i32_0 : i32, i32
  }
}

module attributes {stable_mosaic.version = 14 : i64} {
  func.func @_conv2_body(%arg0: i32, %arg1: memref<33x128x256xf32, #tpu.memory_space<vmem>>, %arg2: memref<8x256xf32, #tpu.memory_space<vmem>>, %arg3: memref<8x256xf32, #tpu.memory_space<vmem>>, %arg4: memref<1x256xf32, #tpu.memory_space<vmem>>, %arg5: memref<1x256xf32, #tpu.memory_space<vmem>>, %arg6: memref<256x256xf32, #tpu.memory_space<vmem>>, %arg7: memref<1x256xf32, #tpu.memory_space<vmem>>, %arg8: memref<33x128x256xf32, #tpu.memory_space<vmem>>, %arg9: memref<128x256xf32, #tpu.memory_space<vmem>>, %arg10: memref<256x256xf32, #tpu.memory_space<vmem>>, %arg11: memref<1x256xf32, #tpu.memory_space<vmem>>, %arg12: memref<128x256xf32, #tpu.memory_space<vmem>>, %arg13: memref<128x256xf32, #tpu.memory_space<vmem>>) attributes {dimension_semantics = [#tpu.dimension_semantics<arbitrary>], iteration_bounds = array<i64: 32>, scalar_prefetch = 0 : i64, scratch_operands = 0 : i64, tpu.core_type = #tpu.core_type<tc>, window_params = [{transform_indices = @transform_0, window_bounds = array<i64: 33, 128, 256>}, {pipeline_mode = #tpu.pipeline_mode<synchronous>, transform_indices = @transform_1, window_bounds = array<i64: 8, 256>}, {pipeline_mode = #tpu.pipeline_mode<synchronous>, transform_indices = @transform_2, window_bounds = array<i64: 8, 256>}, {pipeline_mode = #tpu.pipeline_mode<synchronous>, transform_indices = @transform_3, window_bounds = array<i64: 1, 256>}, {pipeline_mode = #tpu.pipeline_mode<synchronous>, transform_indices = @transform_4, window_bounds = array<i64: 1, 256>}, {pipeline_mode = #tpu.pipeline_mode<synchronous>, transform_indices = @transform_5, window_bounds = array<i64: 256, 256>}, {pipeline_mode = #tpu.pipeline_mode<synchronous>, transform_indices = @transform_6, window_bounds = array<i64: 1, 256>}, {transform_indices = @transform_7, window_bounds = array<i64: 33, 128, 256>}, {transform_indices = @transform_8, window_bounds = array<i64: 128, 256>}, {pipeline_mode = #tpu.pipeline_mode<synchronous>, transform_indices = @transform_9, window_bounds = array<i64: 256, 256>}, {pipeline_mode = #tpu.pipeline_mode<synchronous>, transform_indices = @transform_10, window_bounds = array<i64: 1, 256>}, {transform_indices = @transform_11, window_bounds = array<i64: 128, 256>}, {transform_indices = @transform_12, window_bounds = array<i64: 128, 256>}]} {
    %get3A = arith.constant 0 : index
    %get3A_0 = arith.constant 0 : index
    %get3A_1 = vector.load %arg2[%get3A, %get3A_0] : memref<8x256xf32, #tpu.memory_space<vmem>>, vector<1x256xf32>
    %div3A = arith.constant 1.351680e+05 : f32
    %div3A_2 = vector.broadcast %div3A : f32 to vector<1x256xf32>
    %div3A_3 = arith.divf %get3A_1, %div3A_2 : vector<1x256xf32>
    %get3A_4 = arith.constant 0 : index
    %get3A_5 = arith.constant 0 : index
    %get3A_6 = vector.load %arg3[%get3A_4, %get3A_5] : memref<8x256xf32, #tpu.memory_space<vmem>>, vector<1x256xf32>
    %div3A_7 = arith.constant 1.351680e+05 : f32
    %div3A_8 = vector.broadcast %div3A_7 : f32 to vector<1x256xf32>
    %div3A_9 = arith.divf %get3A_6, %div3A_8 : vector<1x256xf32>
    %mul3A = arith.mulf %div3A_3, %div3A_3 : vector<1x256xf32>
    %sub3A = arith.subf %div3A_9, %mul3A : vector<1x256xf32>
    %add3A = arith.constant 9.99999974E-6 : f32
    %add3A_10 = vector.broadcast %add3A : f32 to vector<1x256xf32>
    %add3A_11 = arith.addf %sub3A, %add3A_10 : vector<1x256xf32>
    %sqrt3A = math.sqrt %add3A_11 : vector<1x256xf32>
    %div3A_12 = arith.constant 1.000000e+00 : f32
    %div3A_13 = vector.broadcast %div3A_12 : f32 to vector<1x256xf32>
    %div3A_14 = arith.divf %div3A_13, %sqrt3A : vector<1x256xf32>
    %get3A_15 = arith.constant 0 : index
    %get3A_16 = arith.constant 0 : index
    %get3A_17 = arith.constant 0 : index
    %get3A_18 = vector.load %arg1[%get3A_15, %get3A_16, %get3A_17] : memref<33x128x256xf32, #tpu.memory_space<vmem>>, vector<33x128x256xf32>
    %broadcast_in_dim3A = vector.shape_cast %div3A_3 : vector<1x256xf32> to vector<1x1x256xf32>
    %sub3A_19 = vector.broadcast %broadcast_in_dim3A : vector<1x1x256xf32> to vector<33x128x256xf32>
    %sub3A_20 = arith.subf %get3A_18, %sub3A_19 : vector<33x128x256xf32>
    %broadcast_in_dim3A_21 = vector.shape_cast %div3A_14 : vector<1x256xf32> to vector<1x1x256xf32>
    %mul3A_22 = vector.broadcast %broadcast_in_dim3A_21 : vector<1x1x256xf32> to vector<33x128x256xf32>
    %mul3A_23 = arith.mulf %sub3A_20, %mul3A_22 : vector<33x128x256xf32>
    %get3A_24 = arith.constant 0 : index
    %get3A_25 = arith.constant 0 : index
    %get3A_26 = vector.load %arg4[%get3A_24, %get3A_25] : memref<1x256xf32, #tpu.memory_space<vmem>>, vector<1x256xf32>
    %broadcast_in_dim3A_27 = vector.shape_cast %get3A_26 : vector<1x256xf32> to vector<1x1x256xf32>
    %mul3A_28 = vector.broadcast %broadcast_in_dim3A_27 : vector<1x1x256xf32> to vector<33x128x256xf32>
    %mul3A_29 = arith.mulf %mul3A_23, %mul3A_28 : vector<33x128x256xf32>
    %get3A_30 = arith.constant 0 : index
    %get3A_31 = arith.constant 0 : index
    %get3A_32 = vector.load %arg5[%get3A_30, %get3A_31] : memref<1x256xf32, #tpu.memory_space<vmem>>, vector<1x256xf32>
    %broadcast_in_dim3A_33 = vector.shape_cast %get3A_32 : vector<1x256xf32> to vector<1x1x256xf32>
    %add3A_34 = vector.broadcast %broadcast_in_dim3A_33 : vector<1x1x256xf32> to vector<33x128x256xf32>
    %add3A_35 = arith.addf %mul3A_29, %add3A_34 : vector<33x128x256xf32>
    %max3A = arith.constant 0.000000e+00 : f32
    %max3A_36 = vector.broadcast %max3A : f32 to vector<33x128x256xf32>
    %max3A_37 = arith.maximumf %add3A_35, %max3A_36 : vector<33x128x256xf32>
    %reshape3A = vector.shape_cast %max3A_37 : vector<33x128x256xf32> to vector<4224x256xf32>
    %get3A_38 = arith.constant 0 : index
    %get3A_39 = arith.constant 0 : index
    %get3A_40 = vector.load %arg6[%get3A_38, %get3A_39] : memref<256x256xf32, #tpu.memory_space<vmem>>, vector<256x256xf32>
    %dot_general3A = arith.constant dense<0.000000e+00> : vector<4224x256xf32>
    %dot_general3A_41 = tpu.matmul %reshape3A, %get3A_40, %dot_general3A {dimension_numbers = #tpu.dot_dimension_numbers<[1], [0], [0], [1], [0, 0, 1, 1], [], []>, transpose_lhs_hint = false} : vector<4224x256xf32>, vector<256x256xf32>, vector<4224x256xf32> -> vector<4224x256xf32>
    %get3A_42 = arith.constant 0 : index
    %get3A_43 = arith.constant 0 : index
    %get3A_44 = vector.load %arg7[%get3A_42, %get3A_43] : memref<1x256xf32, #tpu.memory_space<vmem>>, vector<1x256xf32>
    %add3A_45 = vector.broadcast %get3A_44 : vector<1x256xf32> to vector<4224x256xf32>
    %add3A_46 = arith.addf %dot_general3A_41, %add3A_45 : vector<4224x256xf32>
    %reshape3A_47 = vector.shape_cast %add3A_46 : vector<4224x256xf32> to vector<33x128x256xf32>
    %reduce_max3A = arith.constant dense<0xFF800000> : vector<128x256xf32>
    %reduce_max3A_48 = vector.multi_reduction <maximumf>, %reshape3A_47, %reduce_max3A [0] : vector<33x128x256xf32> to vector<128x256xf32>
    %broadcast_in_dim3A_49 = vector.shape_cast %reduce_max3A_48 : vector<128x256xf32> to vector<1x128x256xf32>
    %sub3A_50 = vector.broadcast %broadcast_in_dim3A_49 : vector<1x128x256xf32> to vector<33x128x256xf32>
    %sub3A_51 = arith.subf %reshape3A_47, %sub3A_50 : vector<33x128x256xf32>
    %exp3A = math.exp %sub3A_51 : vector<33x128x256xf32>
    %reduce_sum3A = arith.constant dense<0.000000e+00> : vector<128x256xf32>
    %reduce_sum3A_52 = vector.multi_reduction <add>, %exp3A, %reduce_sum3A [0] : vector<33x128x256xf32> to vector<128x256xf32>
    %broadcast_in_dim3A_53 = vector.shape_cast %reduce_sum3A_52 : vector<128x256xf32> to vector<1x128x256xf32>
    %add3A_54 = arith.constant 1.000000e-16 : f32
    %add3A_55 = vector.broadcast %add3A_54 : f32 to vector<1x128x256xf32>
    %add3A_56 = arith.addf %broadcast_in_dim3A_53, %add3A_55 : vector<1x128x256xf32>
    %div3A_57 = vector.broadcast %add3A_56 : vector<1x128x256xf32> to vector<33x128x256xf32>
    %div3A_58 = arith.divf %exp3A, %div3A_57 : vector<33x128x256xf32>
    %get3A_59 = arith.constant 0 : index
    %get3A_60 = arith.constant 0 : index
    %get3A_61 = arith.constant 0 : index
    %get3A_62 = vector.load %arg8[%get3A_59, %get3A_60, %get3A_61] : memref<33x128x256xf32, #tpu.memory_space<vmem>>, vector<33x128x256xf32>
    %get3A_63 = arith.constant 0 : index
    %get3A_64 = arith.constant 0 : index
    %get3A_65 = vector.load %arg9[%get3A_63, %get3A_64] : memref<128x256xf32, #tpu.memory_space<vmem>>, vector<128x256xf32>
    %broadcast_in_dim3A_66 = vector.shape_cast %get3A_65 : vector<128x256xf32> to vector<1x128x256xf32>
    %add3A_67 = vector.broadcast %broadcast_in_dim3A_66 : vector<1x128x256xf32> to vector<33x128x256xf32>
    %add3A_68 = arith.addf %get3A_62, %add3A_67 : vector<33x128x256xf32>
    %mul3A_69 = arith.mulf %div3A_58, %add3A_68 : vector<33x128x256xf32>
    %reduce_sum3A_70 = arith.constant dense<0.000000e+00> : vector<128x256xf32>
    %reduce_sum3A_71 = vector.multi_reduction <add>, %mul3A_69, %reduce_sum3A_70 [0] : vector<33x128x256xf32> to vector<128x256xf32>
    %get3A_72 = arith.constant 0 : index
    %get3A_73 = arith.constant 0 : index
    %get3A_74 = vector.load %arg10[%get3A_72, %get3A_73] : memref<256x256xf32, #tpu.memory_space<vmem>>, vector<256x256xf32>
    %dot_general3A_75 = arith.constant dense<0.000000e+00> : vector<128x256xf32>
    %dot_general3A_76 = tpu.matmul %reduce_sum3A_71, %get3A_74, %dot_general3A_75 {dimension_numbers = #tpu.dot_dimension_numbers<[1], [0], [0], [1], [0, 0, 1, 1], [], []>, transpose_lhs_hint = false} : vector<128x256xf32>, vector<256x256xf32>, vector<128x256xf32> -> vector<128x256xf32>
    %get3A_77 = arith.constant 0 : index
    %get3A_78 = arith.constant 0 : index
    %get3A_79 = vector.load %arg11[%get3A_77, %get3A_78] : memref<1x256xf32, #tpu.memory_space<vmem>>, vector<1x256xf32>
    %add3A_80 = vector.broadcast %get3A_79 : vector<1x256xf32> to vector<128x256xf32>
    %add3A_81 = arith.addf %dot_general3A_76, %add3A_80 : vector<128x256xf32>
    %get3A_82 = arith.constant 0 : index
    %get3A_83 = arith.constant 0 : index
    %get3A_84 = vector.load %arg12[%get3A_82, %get3A_83] : memref<128x256xf32, #tpu.memory_space<vmem>>, vector<128x256xf32>
    %add3A_85 = arith.addf %add3A_81, %get3A_84 : vector<128x256xf32>
    %swap3A = arith.constant 0 : index
    %swap3A_86 = arith.constant 0 : index
    %swap3A_87 = vector.load %arg13[%swap3A, %swap3A_86] : memref<128x256xf32, #tpu.memory_space<vmem>>, vector<128x256xf32>
    tpu.vector_store %arg13[%swap3A, %swap3A_86], %add3A_85 {strides = array<i32>} : memref<128x256xf32, #tpu.memory_space<vmem>>, vector<128x256xf32>,
    return
  }
  func.func @transform_0(%arg0: i32) -> (i32, i32, i32) {
    %c0_i32 = arith.constant 0 : i32
    %c0_i32_0 = arith.constant 0 : i32
    %c0_i32_1 = arith.constant 0 : i32
    return %c0_i32, %arg0, %c0_i32_0 : i32, i32, i32
  }
  func.func @transform_1(%arg0: i32) -> (i32, i32) {
    %c0_i32 = arith.constant 0 : i32
    %c0_i32_0 = arith.constant 0 : i32
    %c0_i32_1 = arith.constant 0 : i32
    return %c0_i32, %c0_i32_0 : i32, i32
  }
  func.func @transform_2(%arg0: i32) -> (i32, i32) {
    %c0_i32 = arith.constant 0 : i32
    %c0_i32_0 = arith.constant 0 : i32
    %c0_i32_1 = arith.constant 0 : i32
    return %c0_i32, %c0_i32_0 : i32, i32
  }
  func.func @transform_3(%arg0: i32) -> (i32, i32) {
    %c0_i32 = arith.constant 0 : i32
    %c0_i32_0 = arith.constant 0 : i32
    %c0_i32_1 = arith.constant 0 : i32
    return %c0_i32, %c0_i32_0 : i32, i32
  }
  func.func @transform_4(%arg0: i32) -> (i32, i32) {
    %c0_i32 = arith.constant 0 : i32
    %c0_i32_0 = arith.constant 0 : i32
    %c0_i32_1 = arith.constant 0 : i32
    return %c0_i32, %c0_i32_0 : i32, i32
  }
  func.func @transform_5(%arg0: i32) -> (i32, i32) {
    %c0_i32 = arith.constant 0 : i32
    %c0_i32_0 = arith.constant 0 : i32
    %c0_i32_1 = arith.constant 0 : i32
    return %c0_i32, %c0_i32_0 : i32, i32
  }
  func.func @transform_6(%arg0: i32) -> (i32, i32) {
    %c0_i32 = arith.constant 0 : i32
    %c0_i32_0 = arith.constant 0 : i32
    %c0_i32_1 = arith.constant 0 : i32
    return %c0_i32, %c0_i32_0 : i32, i32
  }
  func.func @transform_7(%arg0: i32) -> (i32, i32, i32) {
    %c0_i32 = arith.constant 0 : i32
    %c1_i32 = arith.constant 1 : i32
    %c0_i32_0 = arith.constant 0 : i32
    return %c0_i32, %arg0, %c1_i32 : i32, i32, i32
  }
  func.func @transform_8(%arg0: i32) -> (i32, i32) {
    %c0_i32 = arith.constant 0 : i32
    %c0_i32_0 = arith.constant 0 : i32
    return %arg0, %c0_i32 : i32, i32
  }
  func.func @transform_9(%arg0: i32) -> (i32, i32) {
    %c0_i32 = arith.constant 0 : i32
    %c0_i32_0 = arith.constant 0 : i32
    %c0_i32_1 = arith.constant 0 : i32
    return %c0_i32, %c0_i32_0 : i32, i32
  }
  func.func @transform_10(%arg0: i32) -> (i32, i32) {
    %c0_i32 = arith.constant 0 : i32
    %c0_i32_0 = arith.constant 0 : i32
    %c0_i32_1 = arith.constant 0 : i32
    return %c0_i32, %c0_i32_0 : i32, i32
  }
  func.func @transform_11(%arg0: i32) -> (i32, i32) {
    %c0_i32 = arith.constant 0 : i32
    %c0_i32_0 = arith.constant 0 : i32
    return %arg0, %c0_i32 : i32, i32
  }
  func.func @transform_12(%arg0: i32) -> (i32, i32) {
    %c0_i32 = arith.constant 0 : i32
    %c0_i32_0 = arith.constant 0 : i32
    return %arg0, %c0_i32 : i32, i32
  }
}

</mosaic_0001>

<sc_bundles>
// kernel: gather_offload_async_start.1
scs
__scs_entry_jumppad:
0x0: {  	(pc) =	sbr.rel $0x88, $3  }
0x1: {  	(tag) =	ssettag $0x0;
	lr =	simm.s32 $0x1  }
0x2: {  	[smem:$0x3F87] =	sst lr;
	_ =	strace $0xD0000000  }
0x3: {  	_ = 	snop  }
0x4: {  	_ = 	snop  }
0x5: {  	_ = 	snop  }
0x6: {  	_ = 	snop  }
0x7: {  	_ = 	snop  }
__scs_overlays_trampoline_lowered:
0x8: {  	[smem:$0x3F96] =	sst s0  }
0x9: {  	[smem:$0x3F97] =	sst s1  }
0xa: {  	[smem:$0x3F98] =	sst s2  }
0xb: {  	[smem:$0x3F99] =	sst s3  }
0xc: {  	[smem:$0x3F9A] =	sst s4  }
0xd: {  	[smem:$0x3F9B] =	sst s5  }
0xe: {  	[smem:$0x3F9C] =	sst s6  }
0xf: {  	[smem:$0x3F9D] =	sst s7  }
0x10: {  	[smem:$0x3F9E] =	sst s8  }
0x11: {  	[smem:$0x3F9F] =	sst s9;
	s0 =	simm.s32 @!p0 $0x0  }
0x12: {  	s1 =	sld [smem:$0x3F85];
	s0 =	simm.s32 @p0 $0x1  }
0x13: {  	[smem:$0x3FA0] =	sst s0;
	s0 =	simm.s32 @!p1 $0x0  }
0x14: {  	s2 =	sld [smem:$0x3F84];
	s0 =	simm.s32 @p1 $0x1  }
0x15: {  	[smem:$0x3FA1] =	sst s0;
	s0 =	simm.s32 @!p2 $0x0  }
0x16: {  	s3 =	sld [smem:$0x3FDB];
	s0 =	simm.s32 @p2 $0x1  }
0x17: {  	s4 =	simm.s32 $0x1BF5;
	[smem:$0x3FA3] =	sst s0  }
0x18: {  	s0 =	sld [smem:$0x3F86];
	_ =	swait.ge [sflag:s4], $0x0  }
0x19: {  	s7 =	sld [smem:$0x3F87]  }
0x1a: {  	s8 =	sadd.s32 $0xFFFFE003, lr  }
0x1b: {  	s9 =	sadd.s32 $0xFFFFFEF7, lr;
	s5 =	simm.s32 $0xFFFFFFFF;
	p2 =	slt.u32 s8, $0xFFFFF086  }
0x1c: {  	p1 =	slt.u32 s9, $0xF7A;
	s5 =	simm.s32 @!p2 $0x0  }
0x1d: {  	s5 =	simm.s32 @p1 $0x1;
	p0 =	seq.s32 s7, s2  }
0x1e: {  	s7 =	smul.u32 @!p0 $0xF7A, s2;
	p2 =	seq.s32 @!p0 s5, $0x0  }
0x1f: {  	s9 =	smul.u32 $0xF7A, s1;
	s8 =	simm.s32 @!p0 $0x1BF5;
	p2 =	por !p2, p0  }
0x20: {  	[sflag:s8] =	ssyncset.s32 @!p0 $0xFFFFF086;
	s6 =	sadd.s32 @!p0 s3, s7;
	s7 =	simm.s32 @!p0 $0x108  }
0x21: {  	s3 =	sadd.s32 s3, s9;
	s6 =	sadd.s32 @!p0 $0x88, s6;
	s7 =	simm.s32 @p2 $0x1082  }
0x22: {  	[simem:s7], [sflag:s8] =	dma.local @!p0 [hbm:s6], $0xF7A  }
0x23: {  	s9 =	sor.u32 $0xD0000000, s2;
	s6 =	simm.s32 $0x108;
	_ =	swait.ge @!p0 [sflag:s8], $0x0  }
0x24: {  	s3 =	sadd.s32 $0x88, s3;
	s6 =	simm.s32 @!p1 $0x1082;
	[sflag:s4] =	ssyncset.s32 $0xFFFFF086  }
0x25: {  	[simem:s6], [sflag:s4] =	dma.local [hbm:s3], $0xF7A  }
0x26: {  	[smem:$0x3F87] =	sst s1;
	(tag) =	ssettag s2;
	_ =	strace s9  }
0x27: {  	s1 =	sld [smem:$0x3F97]  }
0x28: {  	s2 =	sld [smem:$0x3F98]  }
0x29: {  	s4 =	sld [smem:$0x3F9A]  }
0x2a: {  	p0 =	seq.s32 s5, $0x0;
	s5 =	sld [smem:$0x3F9B]  }
0x2b: {  	s6 =	sld [smem:$0x3F9C]  }
0x2c: {  	s7 =	sld [smem:$0x3F9D]  }
0x2d: {  	s3 =	simm.s32 $0x108;
	s8 =	sld [smem:$0x3F9E]  }
0x2e: {  	s3 =	simm.s32 @!p0 $0x1082;
	s9 =	sld [smem:$0x3F9F]  }
0x2f: {  	lr =	sadd.s32 s0, s3;
	s0 =	sld [smem:$0x3F96]  }
0x30: {  	s3 =	sld [smem:$0x3F99]  }
0x31: {  	[smem:$0x3FA2] =	sst s10  }
0x32: {  	s10 =	sld [smem:$0x3FA0];
	_ =	sdelay $0x3  }
0x33: {  	p0 =	seq.s32 s10, $0x1;
	s10 =	sld [smem:$0x3FA2];
	_ =	sdelay $0x3  }
0x34: {  	[smem:$0x3FA2] =	sst s10  }
0x35: {  	s10 =	sld [smem:$0x3FA1];
	_ =	sdelay $0x3  }
0x36: {  	p1 =	seq.s32 s10, $0x1;
	s10 =	sld [smem:$0x3FA2];
	_ =	sdelay $0x3  }
0x37: {  	[smem:$0x3FA2] =	sst s10  }
0x38: {  	s10 =	sld [smem:$0x3FA3]  }
0x39: {  	_ = 	snop;
	(pc) =	sbr.ind lr, $3  }
0x3a: {  	_ = 	snop  }
0x3b: {  	_ = 	snop  }
0x3c: {  	p2 =	seq.s32 s10, $0x1;
	s10 =	sld [smem:$0x3FA2]  }
0x3d: {  	_ =	shalt  }
0x3e: {  	_ =	shalt  }
0x3f: {  	_ =	shalt  }
0x40: {  	_ =	shalt  }
0x41: {  	_ =	shalt  }
0x42: {  	_ =	shalt  }
0x43: {  	_ =	shalt  }
0x44: {  	_ =	shalt  }
0x45: {  	_ =	shalt  }
0x46: {  	_ =	shalt  }
0x47: {  	_ =	shalt  }
0x48: {  	_ =	shalt  }
0x49: {  	_ =	shalt  }
0x4a: {  	_ =	shalt  }
0x4b: {  	_ =	shalt  }
0x4c: {  	_ =	shalt  }
0x4d: {  	_ =	shalt  }
0x4e: {  	_ =	shalt  }
0x4f: {  	_ =	shalt  }
0x50: {  	_ =	shalt  }
0x51: {  	_ =	shalt  }
0x52: {  	_ =	shalt  }
0x53: {  	_ =	shalt  }
0x54: {  	_ =	shalt  }
0x55: {  	_ =	shalt  }
0x56: {  	_ =	shalt  }
0x57: {  	_ =	shalt  }
0x58: {  	_ =	shalt  }
0x59: {  	_ =	shalt  }
0x5a: {  	_ =	shalt  }
0x5b: {  	_ =	shalt  }
0x5c: {  	_ =	shalt  }
0x5d: {  	_ =	shalt  }
0x5e: {  	_ =	shalt  }
0x5f: {  	_ =	shalt  }
0x60: {  	_ =	shalt  }
0x61: {  	_ =	shalt  }
0x62: {  	_ =	shalt  }
0x63: {  	_ =	shalt  }
0x64: {  	_ =	shalt  }
0x65: {  	_ =	shalt  }
0x66: {  	_ =	shalt  }
0x67: {  	_ =	shalt  }
0x68: {  	_ =	shalt  }
0x69: {  	_ =	shalt  }
0x6a: {  	_ =	shalt  }
0x6b: {  	_ =	shalt  }
0x6c: {  	_ =	shalt  }
0x6d: {  	_ =	shalt  }
0x6e: {  	_ =	shalt  }
0x6f: {  	_ =	shalt  }
0x70: {  	_ =	shalt  }
0x71: {  	_ =	shalt  }
0x72: {  	_ =	shalt  }
0x73: {  	_ =	shalt  }
0x74: {  	_ =	shalt  }
0x75: {  	_ =	shalt  }
0x76: {  	_ =	shalt  }
0x77: {  	_ =	shalt  }
0x78: {  	_ =	shalt  }
0x79: {  	_ =	shalt  }
0x7a: {  	_ =	shalt  }
0x7b: {  	_ =	shalt  }
0x7c: {  	_ =	shalt  }
0x7d: {  	_ =	shalt  }
0x7e: {  	_ =	shalt  }
0x7f: {  	_ =	shalt  }
0x80: {  	_ =	shalt  }
0x81: {  	_ =	shalt  }
0x82: {  	_ =	shalt  }
0x83: {  	_ =	shalt  }
0x84: {  	_ =	shalt  }
0x85: {  	_ =	shalt  }
0x86: {  	_ =	shalt  }
0x87: {  	_ =	shalt  }
.Lfunc_end0:
.L_simem_size_0:
called_computation.3_lowered:
.L_overlay_start_0:
0x88: {  	s2 =	sld [smem:$0x3FD9]  }
0x89: {  	s3 =	sld [smem:$0x3FFE];
	_ =	sdelay $0x1  }
0x8a: {  	s1 =	srdreg.scid  }
0x8b: {  	s0 =	sand.u32 $0x1, s1  }
0x8c: {  	s17 =	sshll.u32 s0, $0xA;
	s2 =	sadd.s32 s3, s2  }
0x8d: {  	s2 =	sadd.s32 s2, s17  }
0x8e: {  	[smem:$0x3FAE] =	sst s2  }
0x8f: {  	_ = 	snop  }
0x90: {  	s18 =	sld [smem:$0x3FD0];
	(tm) =	ssettm $0x1  }
0x91: {  	s19 =	sld [smem:$0x3FFB];
	_ =	sdelay $0x3  }
0x92: {  	_ =	strace s19  }
0x93: {  	s2 =	sld [smem:$0x3FFC];
	_ =	sdelay $0x3  }
0x94: {  	_ =	strace s2  }
0x95: {  	s2 =	sld [smem:$0x3FFD];
	_ =	sdelay $0x3  }
0x96: {  	_ =	strace s2  }
0x97: {  	_ =	strace $0x8FFFFFFF  }
0x98: {  	s20 =	sld [smem:$0x3FDB];
	_ =	sdelay $0x1  }
0x99: {  	s4 =	simm.s32 $_scs_section_size  }
0x9a: {  	s5 =	simm.s32 $_size__tile_overlayer_lowered;
	s6 =	simm.s32 $_tile_overlayer_lowered  }
0x9b: {  	s7 =	simm.s32 $0x1BFF;
	s21 =	sshll.u32 s6, $0x1;
	s4 =	sadd.s32 s4, s20  }
0x9c: {  	s22 =	simm.s32 $0x0;
	s5 =	sshll.u32 s5, $0x1;
	s6 =	sadd.s32 s21, s4  }
0x9d: {  	[timem:s22], [sflag:s7] =	dma.local [hbm:s6], s5  }
0x9e: {  	_ =	swait.ge [sflag:s7], s5  }
0x9f: {  	s5 =	ssub.s32 $0x0, s5;
	[sflag:s7] =	ssyncset.done $0x0  }
0xa0: {  	[sflag:s7] =	ssyncadd.s32 s5;
	_ =	sdelay $0x1  }
0xa1: {  	s23 =	simm.s32 $0x1B8B  }
0xa2: {  	_ =	swait.ge [sflag:s23], $0x1  }
0xa3: {  	[sflag:s23] =	ssyncset.done $0x0  }
0xa4: {  	[sflag:s23] =	ssyncadd.s32 $0xFFFFFFFF  }
0xa5: {  	s5 =	sld [smem:$0x0]  }
0xa6: {  	s6 =	sand.u32 $0xFFFFFFFE, s1  }
0xa7: {  	p0 =	sne.s32 s1, s6  }
0xa8: {  	s6 =	sshll.u32 @p0 s6, $0xE  }
0xa9: {  	s6 =	sadd.s32 @p0 $0x11B8D, s6;
	s7 =	sshll.u32 @p0 s5, $0x11  }
0xaa: {  	s6 =	sor.u32 @p0 s7, s6  }
0xab: {  	[sflag:s6] =	ssyncadd.remote.s32 @p0 $0x1;
	_ =	sdelay $0x1  }
0xac: {  	s6 =	simm.s32 @p0 $0x1B8D  }
0xad: {  	_ =	swait.eq @p0 [sflag:s6], $0x1  }
0xae: {  	[sflag:s6] =	ssyncadd.s32 @p0 $0xFFFFFFFF  }
0xaf: {  	s7 =	sshll.u32 @!p0 s1, $0xE  }
0xb0: {  	s7 =	sor.u32 @!p0 $0x4000, s7;
	s6 =	simm.s32 @!p0 $0x1B8D  }
0xb1: {  	s5 =	sshll.u32 @!p0 s5, $0x11;
	s7 =	sadd.s32 @!p0 $0x11B8D, s7;
	_ =	swait.eq @!p0 [sflag:s6], $0x1  }
0xb2: {  	s5 =	sor.u32 @!p0 s5, s7;
	[sflag:s6] =	ssyncadd.s32 @!p0 $0xFFFFFFFF  }
0xb3: {  	s25 =	simm.s32 $0x1B8E;
	s24 =	sld [smem:$0x3FFE];
	[sflag:s5] =	ssyncadd.remote.s32 @!p0 $0x1  }
0xb4: {  	s26 =	simm.s32 $execute0_lowered;
	[smem:$0x3FD2] =	sst s25  }
0xb5: {  	s6 =	sshll.u32 s26, $0x1;
	_ =	strace $0x80000049;
	[dreg:$0x1] =	wrdreg $0xFFFFFFFF  }
0xb6: {  	s28 =	simm.s32 $_size_execute0_lowered;
	s4 =	sadd.s32 s4, s6;
	[dreg:$0x0] =	wrdreg $0x0  }
0xb7: {  	s6 =	sshll.u32 s28, $0x1;
	[dreg:$0x2] =	wrdreg s4  }
0xb8: {  	[dreg:$0x3] =	wrdreg s6  }
0xb9: {  	[dreg:$0x4] =	wrdreg $0xC0  }
0xba: {  	_ =	task [dreg:s22], $0x5FFFF  }
0xbb: {  	[dreg:$0x1] =	wrdreg $0xFFFFFFFF  }
0xbc: {  	[dreg:$0x0] =	wrdreg $0x60  }
0xbd: {  	[dreg:$0x2] =	wrdreg s18  }
0xbe: {  	[dreg:$0x3] =	wrdreg s24  }
0xbf: {  	[dreg:$0x4] =	wrdreg $0x9  }
0xc0: {  	_ =	task.clear_ibuf [dreg:s22], $0x5FFFF;
	_ =	strace $0x90000049  }
0xc1: {  	s29 =	simm.s32 $0x9;
	_ =	strace $0x8000004B  }
0xc2: {  	_ =	swait.ge [sflag:s29], $0x1  }
0xc3: {  	[sflag:s29] =	ssyncadd.s32 $0xFFFFFFFF  }
0xc4: {  	_ =	strace $0x9000004B  }
0xc5: {  	_ =	sfence  }
0xc6: {  	s30 =	sld [smem:$0x0];
	_ =	sdelay $0x2  }
0xc7: {  	s31 =	sshll.u32 s1, $0xD;
	s1 =	sshrl.u32 s1, $0x2  }
0xc8: {  	s4 =	sand.u32 $0x4000, s31;
	s1 =	sadd.s32 s1, s30  }
0xc9: {  	s0 =	sor.u32 s4, s0;
	s1 =	sshll.u32 s1, $0x11  }
0xca: {  	s0 =	sor.u32 s1, s0  }
0xcb: {  	s0 =	sadd.s32 $0x8F2B, s0  }
0xcc: {  	[sflag:s0] =	ssyncadd.remote.s32 $0x1  }
0xcd: {  	_ =	sfence.sel $0xFFFF  }
0xce: {  	[dreg:$0x0] =	wrdreg $0xFFFFFFFF;
	(pc) =	sbr.abs _section_cstart, $3  }
0xcf: {  	[dreg:$0x1] =	wrdreg $0xFFFFFFFF  }
0xd0: {  	_ =	task.clear_ibuf [dreg:s22], $0x2FFFF;
	_ =	strace $0x9FFFFFFF  }
0xd1: {  	(tm) =	ssettm $0x7FFFFFFF  }
tec
execute0_lowered:
.L_overlay_start_1:
0x0: {  	(tag) =	ssettag $0x1  }
0x1: {  	s2 =	rddreg [dreg:$0x0]  }
0x2: {  	s7 =	rddreg [dreg:$0x1]  }
0x3: {  	s0 =	rddreg [dreg:$0x2]  }
0x4: {  	s1 =	srdreg.scid;
	_ =	strace $0x8000004A;
	s4 =	simm.s32 $0x1  }
0x5: {  	s9 =	simm.s32 $0x3;
	s12 =	simm.s32 $0x0;
	s5 =	sshll.u32 s1, $0x4  }
.Ltmp0:
0x6: {  	s1 =	stileid.u32;
	s5 =	sand.u32 $0x10, s5;
	(pc) =	sbr.rel .LBB2_1-.Ltmp0, $4  }
0x7: {  	s10 =	simm.s32 $0x0;
	s3 =	sadd.s32 $0x3C00, s7;
	s6 =	sor.u32 s1, s5  }
0x8: {  	[sflag:s4] =	ssyncpa.u1 $0x0;
	s5 =	simm.s32 $0x2;
	s6 =	sshll.u32 s6, $0x7  }
0x9: {  	s7 =	sadd.s32 $0x48C400, s7;
	[sflag:s5] =	ssyncpa.u1 $0x0;
	s8 =	sadd.s32 $0x80, s6  }
0xa: {  	vm0 =	vmmov $0xff;
	vm1 =	vcmask $0x3F20;
	[sflag:s9] =	ssyncpa.u1 $0x0;
	s9 =	simm.s32 $0x80;
	s11 =	smov.u32 s6  }
.LBB2_9:
0xb: {  	p0 =	seq.s32 s10, $0x2  }
.Ltmp1:
0xc: {  	_ = 	snop;
	(pc) =	sbr.rel @p0 .LBB2_11-.Ltmp1, $1  }
0xd: {  	_ =	sdelay $0x3  }
.LBB2_10:
0xe: {  	s12 =	sadd.s32 $0x80, s11  }
0xf: {  	s13 =	smov.u32 s6;
	p0 =	slt.s32 s12, s8  }
0x10: {  	s13 =	smov.u32 @p0 s12  }
0x11: {  	s10 =	sadd.s32 $0x1, s10;
	s12 =	smov.u32 s11;
	s11 =	smov.u32 s13  }
.LBB2_1:
0x12: {  	p0 =	sne.s32 s10, $0x0  }
.Ltmp2:
0x13: {  	_ = 	snop;
	(pc) =	sbr.rel @!p0 .LBB2_2-.Ltmp2, $1  }
0x14: {  	_ =	sdelay $0x3  }
0x15: {  	s13 =	sand.u32 $0x1, s10  }
0x16: {  	p0 =	seq.s32 s13, $0x0  }
.Ltmp3:
0x17: {  	_ = 	snop;
	(pc) =	sbr.rel @p0 .LBB2_9-.Ltmp3, $1  }
0x18: {  	_ =	sdelay $0x3  }
0x19: {  	_ =	swait.ge [sflag:s5], $0x80  }
0x1a: {  	[sflag:s5] =	ssyncset.done $0x0  }
0x1b: {  	s13 =	simm.s32 $0x0;
	[sflag:s5] =	ssyncadd.s32 $0xFFFFFF80  }
0x1c: {  	v0 =	vld.msk [tilespmem:s13+$0x80 ss:$0x1], $0xffff;
	_ =	sdelay $0x4  }
0x1d: {  	vm2 =	vgt.s32 v0, $0x0  }
0x1e: {  	v0 =	vnsel vm2, $0x0, v0  }
0x1f: {  	v0 =	vmin.u32 v0, $0x1FFF  }
0x20: {  	v0 =	vshll.u32 v0, $0x4;
	_ =	sdelay $0x3  }
0x21: {  	s13 =	simm.s32 $0x4100  }
0x22: {  	[tilespmem:s13], [sflag:$0x1] =	stream.indirect_vreg.gather [hbm:s2], $0x80, v0, vm0, $0x38;
	[tilespmem:$0x8100] =	vst v63  }
0x23: {  	s14 =	simm.s32 $0x4500;
	s31 =	simm.s32 $0x10  }
0x24: {  	[tilespmem:s14], [sflag:$0x1] =	stream.indirect_vreg.gather [hbm:s2], $0x80, v0, vm1, $0x38;
	[tilespmem:$0x8100] =	vst v63  }
0x25: {  	s14 =	simm.s32 $0x80;
	v0 =	vld.msk [tilespmem:s31+$0x80 ss:$0x1], $0xffff  }
.LBB2_5:
0x26: {  	p0 =	sne.s32 s14, $0x1C0;
	_ =	sdelay $0x4  }
0x27: {  	vm2 =	vgt.s32 v0, $0x0  }
0x28: {  	v0 =	vnsel vm2, $0x0, v0  }
0x29: {  	v0 =	vmin.u32 v0, $0x1FFF  }
0x2a: {  	v0 =	vshll.u32 v0, $0x4;
	_ =	sdelay $0x3  }
.Ltmp4:
0x2b: {  	s13 =	sadd.s32 $0x800, s13;
	(pc) =	sbr.rel @p0 .LBB2_5-.Ltmp4, $4  }
0x2c: {  	[tilespmem:s13], [sflag:$0x1] =	stream.indirect_vreg.gather [hbm:s2], $0x80, v0, vm0, $0x38;
	[tilespmem:$0x8100] =	vst v63  }
0x2d: {  	s15 =	sshra.s32 s14, $0x2;
	s16 =	sadd.s32 $0x400, s13  }
0x2e: {  	[tilespmem:s16], [sflag:$0x1] =	stream.indirect_vreg.gather [hbm:s2], $0x80, v0, vm1, $0x38;
	[tilespmem:$0x8100] =	vst v63  }
0x2f: {  	s14 =	sadd.s32 $0x40, s14;
	v0 =	vld.msk [tilespmem:s15+$0x80 ss:$0x1], $0xffff  }
0x30: {  	_ =	sdelay $0x3  }
0x31: {  	vm2 =	vgt.s32 v0, $0x0  }
0x32: {  	v0 =	vnsel vm2, $0x0, v0  }
0x33: {  	v0 =	vmin.u32 v0, $0x1FFF  }
0x34: {  	v0 =	vshll.u32 v0, $0x4;
	_ =	sdelay $0x3  }
0x35: {  	s13 =	sadd.s32 $0x800, s13  }
0x36: {  	[tilespmem:s13], [sflag:$0x1] =	stream.indirect_vreg.gather [hbm:s2], $0x80, v0, vm0, $0x38;
	[tilespmem:$0x8100] =	vst v63  }
0x37: {  	s13 =	sadd.s32 $0x400, s13  }
0x38: {  	[tilespmem:s13], [sflag:$0x1] =	stream.indirect_vreg.gather [hbm:s2], $0x80, v0, vm1, $0x38;
	[tilespmem:$0x8100] =	vst v63  }
0x39: {  	s12 =	sshll.u32 s12, $0x4;
	s14 =	simm.s32 $0x80;
	_ =	swait.ge [sflag:s4], $0x4000  }
0x3a: {  	s15 =	simm.s32 $0x4500;
	s12 =	sadd.s32 s12, s7;
	[sflag:s4] =	ssyncset.done $0x0  }
0x3b: {  	s16 =	sadd.s32 $0x0, s12;
	s13 =	simm.s32 $0x4100;
	[sflag:s4] =	ssyncadd.s32 $0xFFFFC000  }
.LBB2_7:
0x3c: {  	[hbm:s16] =	stream.linear.scatter [tilespmem:s13], [sflag:$0x3], $0x400, $0x38;
	[tilespmem:$0x8100] =	vst v63  }
0x3d: {  	s16 =	smov.u32 s14;
	s13 =	smov.u32 s15;
	p0 =	sne.s32 s14, $0x780  }
.Ltmp5:
0x3e: {  	s14 =	sadd.s32 $0x80, s14;
	(pc) =	sbr.rel @p0 .LBB2_7-.Ltmp5, $2  }
0x3f: {  	_ =	sdelay $0x2  }
0x40: {  	s15 =	sadd.s32 $0x400, s15;
	s16 =	sadd.s32 s16, s12  }
.Ltmp6:
0x41: {  	(pc) =	sbr.rel .LBB2_9-.Ltmp6, $2  }
0x42: {  	_ =	sdelay $0x2  }
0x43: {  	[hbm:s16] =	stream.linear.scatter [tilespmem:s13], [sflag:$0x3], $0x400, $0x38;
	[tilespmem:$0x8100] =	vst v63  }
.LBB2_2:
.Ltmp7:
0x44: {  	(pc) =	sbr.rel .LBB2_10-.Ltmp7, $4  }
0x45: {  	_ = 	snop  }
0x46: {  	s12 =	sshrl.u32 s11, $0x3  }
0x47: {  	s13 =	sand.u32 $0x7, s11;
	s12 =	sadd.s32 s3, s12  }
0x48: {  	[tilespmem:s9], [sflag:$0x2] =	stream.linear.gather [hbm4b:s12+s13], $0x80, $0x38;
	[tilespmem:$0x8100] =	vst v63  }
.LBB2_11:
0x49: {  	s2 =	simm.s32 $0x3  }
0x4a: {  	_ =	swait.ge [sflag:s2], $0x4000  }
0x4b: {  	[sflag:s2] =	ssyncset.done $0x0  }
0x4c: {  	[sflag:s2] =	ssyncadd.s32 $0xFFFFC000  }
0x4d: {  	_ =	sfence.sel $0x180000  }
0x4e: {  	s3 =	simm.s32 $0x2;
	[bflag:$0x0] =	sbarrier.arrive $0xFFFF  }
0x4f: {  	[sflag:s3] =	ssyncpa.u1 $0x1  }
0x50: {  	s31 =	simm.s32 $0x1;
	[sflag:s2] =	ssyncpa.u1 $0x1  }
0x51: {  	[sflag:s31] =	ssyncpa.u1 $0x1  }
0x52: {  	p0 =	sne.s32 s1, $0x0;
	_ =	strace $0x9000004A  }
0x53: {  	s0 =	sadd.s32 @!p0 $0x100000, s0;
	[bflag:$0x2] =	sbarrier.arrive $0xFFFF  }
0x54: {  	[sflag:s0] =	ssyncadd.tile.s32 @!p0 $0x1;
	_ =	shalt  }
.Lfunc_end2:
_tile_overlayer_lowered:
.L_overlay_start_2:
0x55: {  	(tag) =	ssettag $0x2  }
0x56: {  	s0 =	rddreg [dreg:$0x0];
	s2 =	stileid.u32  }
0x57: {  	s1 =	rddreg [dreg:$0x1];
	p0 =	sne.s32 s2, $0x0  }
0x58: {  	s3 =	rddreg [dreg:$0x2];
	[bflag:$0x3] =	sbarrier.arrive $0xFFFF;
	s2 =	simm.s32 @!p0 $0x1C01  }
0x59: {  	[timem:s3], [sflag:s2] =	dma.local @!p0 [hbm:s0], s1  }
0x5a: {  	s0 =	simm.s32 @!p0 $0x1  }
0x5b: {  	_ =	swait.ge @!p0 [sflag:s0], s1  }
0x5c: {  	s1 =	ssub.s32 @!p0 $0x0, s1;
	[sflag:s0] =	ssyncset.done @!p0 $0x0  }
0x5d: {  	[sflag:s0] =	ssyncadd.s32 @!p0 s1  }
0x5e: {  	[bflag:$0x3] =	sbarrier.arrive $0xFFFF  }
0x5f: {  	_ =	shalt  }

// kernel: gather_offload_async_start
scs
__scs_entry_jumppad:
0x0: {  	(pc) =	sbr.rel $0x88, $3  }
0x1: {  	(tag) =	ssettag $0x0;
	lr =	simm.s32 $0x1  }
0x2: {  	[smem:$0x3F87] =	sst lr;
	_ =	strace $0xD0000000  }
0x3: {  	_ = 	snop  }
0x4: {  	_ = 	snop  }
0x5: {  	_ = 	snop  }
0x6: {  	_ = 	snop  }
0x7: {  	_ = 	snop  }
__scs_overlays_trampoline_lowered:
0x8: {  	[smem:$0x3F96] =	sst s0  }
0x9: {  	[smem:$0x3F97] =	sst s1  }
0xa: {  	[smem:$0x3F98] =	sst s2  }
0xb: {  	[smem:$0x3F99] =	sst s3  }
0xc: {  	[smem:$0x3F9A] =	sst s4  }
0xd: {  	[smem:$0x3F9B] =	sst s5  }
0xe: {  	[smem:$0x3F9C] =	sst s6  }
0xf: {  	[smem:$0x3F9D] =	sst s7  }
0x10: {  	[smem:$0x3F9E] =	sst s8  }
0x11: {  	[smem:$0x3F9F] =	sst s9;
	s0 =	simm.s32 @!p0 $0x0  }
0x12: {  	s1 =	sld [smem:$0x3F85];
	s0 =	simm.s32 @p0 $0x1  }
0x13: {  	[smem:$0x3FA0] =	sst s0;
	s0 =	simm.s32 @!p1 $0x0  }
0x14: {  	s2 =	sld [smem:$0x3F84];
	s0 =	simm.s32 @p1 $0x1  }
0x15: {  	[smem:$0x3FA1] =	sst s0;
	s0 =	simm.s32 @!p2 $0x0  }
0x16: {  	s3 =	sld [smem:$0x3FDB];
	s0 =	simm.s32 @p2 $0x1  }
0x17: {  	s4 =	simm.s32 $0x1BF5;
	[smem:$0x3FA3] =	sst s0  }
0x18: {  	s0 =	sld [smem:$0x3F86];
	_ =	swait.ge [sflag:s4], $0x0  }
0x19: {  	s7 =	sld [smem:$0x3F87]  }
0x1a: {  	s8 =	sadd.s32 $0xFFFFE003, lr  }
0x1b: {  	s9 =	sadd.s32 $0xFFFFFEF7, lr;
	s5 =	simm.s32 $0xFFFFFFFF;
	p2 =	slt.u32 s8, $0xFFFFF086  }
0x1c: {  	p1 =	slt.u32 s9, $0xF7A;
	s5 =	simm.s32 @!p2 $0x0  }
0x1d: {  	s5 =	simm.s32 @p1 $0x1;
	p0 =	seq.s32 s7, s2  }
0x1e: {  	s7 =	smul.u32 @!p0 $0xF7A, s2;
	p2 =	seq.s32 @!p0 s5, $0x0  }
0x1f: {  	s9 =	smul.u32 $0xF7A, s1;
	s8 =	simm.s32 @!p0 $0x1BF5;
	p2 =	por !p2, p0  }
0x20: {  	[sflag:s8] =	ssyncset.s32 @!p0 $0xFFFFF086;
	s6 =	sadd.s32 @!p0 s3, s7;
	s7 =	simm.s32 @!p0 $0x108  }
0x21: {  	s3 =	sadd.s32 s3, s9;
	s6 =	sadd.s32 @!p0 $0x88, s6;
	s7 =	simm.s32 @p2 $0x1082  }
0x22: {  	[simem:s7], [sflag:s8] =	dma.local @!p0 [hbm:s6], $0xF7A  }
0x23: {  	s9 =	sor.u32 $0xD0000000, s2;
	s6 =	simm.s32 $0x108;
	_ =	swait.ge @!p0 [sflag:s8], $0x0  }
0x24: {  	s3 =	sadd.s32 $0x88, s3;
	s6 =	simm.s32 @!p1 $0x1082;
	[sflag:s4] =	ssyncset.s32 $0xFFFFF086  }
0x25: {  	[simem:s6], [sflag:s4] =	dma.local [hbm:s3], $0xF7A  }
0x26: {  	[smem:$0x3F87] =	sst s1;
	(tag) =	ssettag s2;
	_ =	strace s9  }
0x27: {  	s1 =	sld [smem:$0x3F97]  }
0x28: {  	s2 =	sld [smem:$0x3F98]  }
0x29: {  	s4 =	sld [smem:$0x3F9A]  }
0x2a: {  	p0 =	seq.s32 s5, $0x0;
	s5 =	sld [smem:$0x3F9B]  }
0x2b: {  	s6 =	sld [smem:$0x3F9C]  }
0x2c: {  	s7 =	sld [smem:$0x3F9D]  }
0x2d: {  	s3 =	simm.s32 $0x108;
	s8 =	sld [smem:$0x3F9E]  }
0x2e: {  	s3 =	simm.s32 @!p0 $0x1082;
	s9 =	sld [smem:$0x3F9F]  }
0x2f: {  	lr =	sadd.s32 s0, s3;
	s0 =	sld [smem:$0x3F96]  }
0x30: {  	s3 =	sld [smem:$0x3F99]  }
0x31: {  	[smem:$0x3FA2] =	sst s10  }
0x32: {  	s10 =	sld [smem:$0x3FA0];
	_ =	sdelay $0x3  }
0x33: {  	p0 =	seq.s32 s10, $0x1;
	s10 =	sld [smem:$0x3FA2];
	_ =	sdelay $0x3  }
0x34: {  	[smem:$0x3FA2] =	sst s10  }
0x35: {  	s10 =	sld [smem:$0x3FA1];
	_ =	sdelay $0x3  }
0x36: {  	p1 =	seq.s32 s10, $0x1;
	s10 =	sld [smem:$0x3FA2];
	_ =	sdelay $0x3  }
0x37: {  	[smem:$0x3FA2] =	sst s10  }
0x38: {  	s10 =	sld [smem:$0x3FA3]  }
0x39: {  	_ = 	snop;
	(pc) =	sbr.ind lr, $3  }
0x3a: {  	_ = 	snop  }
0x3b: {  	_ = 	snop  }
0x3c: {  	p2 =	seq.s32 s10, $0x1;
	s10 =	sld [smem:$0x3FA2]  }
0x3d: {  	_ =	shalt  }
0x3e: {  	_ =	shalt  }
0x3f: {  	_ =	shalt  }
0x40: {  	_ =	shalt  }
0x41: {  	_ =	shalt  }
0x42: {  	_ =	shalt  }
0x43: {  	_ =	shalt  }
0x44: {  	_ =	shalt  }
0x45: {  	_ =	shalt  }
0x46: {  	_ =	shalt  }
0x47: {  	_ =	shalt  }
0x48: {  	_ =	shalt  }
0x49: {  	_ =	shalt  }
0x4a: {  	_ =	shalt  }
0x4b: {  	_ =	shalt  }
0x4c: {  	_ =	shalt  }
0x4d: {  	_ =	shalt  }
0x4e: {  	_ =	shalt  }
0x4f: {  	_ =	shalt  }
0x50: {  	_ =	shalt  }
0x51: {  	_ =	shalt  }
0x52: {  	_ =	shalt  }
0x53: {  	_ =	shalt  }
0x54: {  	_ =	shalt  }
0x55: {  	_ =	shalt  }
0x56: {  	_ =	shalt  }
0x57: {  	_ =	shalt  }
0x58: {  	_ =	shalt  }
0x59: {  	_ =	shalt  }
0x5a: {  	_ =	shalt  }
0x5b: {  	_ =	shalt  }
0x5c: {  	_ =	shalt  }
0x5d: {  	_ =	shalt  }
0x5e: {  	_ =	shalt  }
0x5f: {  	_ =	shalt  }
0x60: {  	_ =	shalt  }
0x61: {  	_ =	shalt  }
0x62: {  	_ =	shalt  }
0x63: {  	_ =	shalt  }
0x64: {  	_ =	shalt  }
0x65: {  	_ =	shalt  }
0x66: {  	_ =	shalt  }
0x67: {  	_ =	shalt  }
0x68: {  	_ =	shalt  }
0x69: {  	_ =	shalt  }
0x6a: {  	_ =	shalt  }
0x6b: {  	_ =	shalt  }
0x6c: {  	_ =	shalt  }
0x6d: {  	_ =	shalt  }
0x6e: {  	_ =	shalt  }
0x6f: {  	_ =	shalt  }
0x70: {  	_ =	shalt  }
0x71: {  	_ =	shalt  }
0x72: {  	_ =	shalt  }
0x73: {  	_ =	shalt  }
0x74: {  	_ =	shalt  }
0x75: {  	_ =	shalt  }
0x76: {  	_ =	shalt  }
0x77: {  	_ =	shalt  }
0x78: {  	_ =	shalt  }
0x79: {  	_ =	shalt  }
0x7a: {  	_ =	shalt  }
0x7b: {  	_ =	shalt  }
0x7c: {  	_ =	shalt  }
0x7d: {  	_ =	shalt  }
0x7e: {  	_ =	shalt  }
0x7f: {  	_ =	shalt  }
0x80: {  	_ =	shalt  }
0x81: {  	_ =	shalt  }
0x82: {  	_ =	shalt  }
0x83: {  	_ =	shalt  }
0x84: {  	_ =	shalt  }
0x85: {  	_ =	shalt  }
0x86: {  	_ =	shalt  }
0x87: {  	_ =	shalt  }
.Lfunc_end0:
.L_simem_size_0:
called_computation.2_lowered:
.L_overlay_start_0:
0x88: {  	s2 =	sld [smem:$0x3FD9]  }
0x89: {  	s3 =	sld [smem:$0x3FFE];
	_ =	sdelay $0x1  }
0x8a: {  	s1 =	srdreg.scid  }
0x8b: {  	s0 =	sand.u32 $0x1, s1  }
0x8c: {  	s17 =	sshll.u32 s0, $0xA;
	s2 =	sadd.s32 s3, s2  }
0x8d: {  	s2 =	sadd.s32 s2, s17  }
0x8e: {  	[smem:$0x3FAE] =	sst s2  }
0x8f: {  	_ = 	snop  }
0x90: {  	(tm) =	ssettm $0x1  }
0x91: {  	s18 =	sld [smem:$0x3FFB];
	_ =	sdelay $0x3  }
0x92: {  	_ =	strace s18  }
0x93: {  	s2 =	sld [smem:$0x3FFC];
	_ =	sdelay $0x3  }
0x94: {  	_ =	strace s2  }
0x95: {  	s2 =	sld [smem:$0x3FFD];
	_ =	sdelay $0x3  }
0x96: {  	_ =	strace s2  }
0x97: {  	_ =	strace $0x8FFFFFFF  }
0x98: {  	s19 =	sld [smem:$0x3FDB];
	_ =	sdelay $0x1  }
0x99: {  	s20 =	simm.s32 $_scs_section_size  }
0x9a: {  	s4 =	simm.s32 $_size__tile_overlayer_lowered;
	s5 =	simm.s32 $_tile_overlayer_lowered  }
0x9b: {  	s6 =	simm.s32 $0x1BFF;
	s21 =	sshll.u32 s5, $0x1;
	s3 =	sadd.s32 s20, s19  }
0x9c: {  	s22 =	simm.s32 $0x0;
	s4 =	sshll.u32 s4, $0x1;
	s5 =	sadd.s32 s21, s3  }
0x9d: {  	[timem:s22], [sflag:s6] =	dma.local [hbm:s5], s4  }
0x9e: {  	_ =	swait.ge [sflag:s6], s4  }
0x9f: {  	s4 =	ssub.s32 $0x0, s4;
	[sflag:s6] =	ssyncset.done $0x0  }
0xa0: {  	[sflag:s6] =	ssyncadd.s32 s4;
	_ =	sdelay $0x1  }
0xa1: {  	s23 =	simm.s32 $0x1B8B  }
0xa2: {  	_ =	swait.ge [sflag:s23], $0x1  }
0xa3: {  	[sflag:s23] =	ssyncset.done $0x0  }
0xa4: {  	[sflag:s23] =	ssyncadd.s32 $0xFFFFFFFF  }
0xa5: {  	s4 =	sld [smem:$0x0]  }
0xa6: {  	s5 =	sand.u32 $0xFFFFFFFE, s1  }
0xa7: {  	p0 =	sne.s32 s1, s5  }
0xa8: {  	s5 =	sshll.u32 @p0 s5, $0xE  }
0xa9: {  	s5 =	sadd.s32 @p0 $0x11B8D, s5;
	s6 =	sshll.u32 @p0 s4, $0x11  }
0xaa: {  	s5 =	sor.u32 @p0 s6, s5  }
0xab: {  	[sflag:s5] =	ssyncadd.remote.s32 @p0 $0x1;
	_ =	sdelay $0x1  }
0xac: {  	s5 =	simm.s32 @p0 $0x1B8D  }
0xad: {  	_ =	swait.eq @p0 [sflag:s5], $0x1  }
0xae: {  	[sflag:s5] =	ssyncadd.s32 @p0 $0xFFFFFFFF  }
0xaf: {  	s6 =	sshll.u32 @!p0 s1, $0xE  }
0xb0: {  	s6 =	sor.u32 @!p0 $0x4000, s6;
	s5 =	simm.s32 @!p0 $0x1B8D  }
0xb1: {  	s4 =	sshll.u32 @!p0 s4, $0x11;
	s6 =	sadd.s32 @!p0 $0x11B8D, s6;
	_ =	swait.eq @!p0 [sflag:s5], $0x1  }
0xb2: {  	s4 =	sor.u32 @!p0 s4, s6;
	[sflag:s5] =	ssyncadd.s32 @!p0 $0xFFFFFFFF  }
0xb3: {  	s25 =	simm.s32 $0x1B8E;
	s24 =	sld [smem:$0x3FFE];
	[sflag:s4] =	ssyncadd.remote.s32 @!p0 $0x1  }
0xb4: {  	s26 =	simm.s32 $execute0_lowered;
	[smem:$0x3FD2] =	sst s25  }
0xb5: {  	s5 =	sshll.u32 s26, $0x1;
	_ =	strace $0x8000004C;
	[dreg:$0x1] =	wrdreg $0xFFFFFFFF  }
0xb6: {  	s28 =	simm.s32 $_size_execute0_lowered;
	s3 =	sadd.s32 s3, s5;
	[dreg:$0x0] =	wrdreg $0x0  }
0xb7: {  	s5 =	sshll.u32 s28, $0x1;
	[dreg:$0x2] =	wrdreg s3  }
0xb8: {  	[dreg:$0x3] =	wrdreg s5  }
0xb9: {  	[dreg:$0x4] =	wrdreg $0xC0  }
0xba: {  	_ =	task [dreg:s22], $0x5FFFF  }
0xbb: {  	[dreg:$0x1] =	wrdreg $0xFFFFFFFF  }
0xbc: {  	[dreg:$0x0] =	wrdreg $0x60  }
0xbd: {  	[dreg:$0x2] =	wrdreg s24  }
0xbe: {  	[dreg:$0x3] =	wrdreg $0xA  }
0xbf: {  	_ =	task.clear_ibuf [dreg:s22], $0x4FFFF;
	_ =	strace $0x9000004C  }
0xc0: {  	s29 =	simm.s32 $0xA;
	_ =	strace $0x8000004E  }
0xc1: {  	_ =	swait.ge [sflag:s29], $0x1  }
0xc2: {  	[sflag:s29] =	ssyncadd.s32 $0xFFFFFFFF  }
0xc3: {  	_ =	strace $0x9000004E  }
0xc4: {  	_ =	sfence  }
0xc5: {  	s30 =	sld [smem:$0x0];
	_ =	sdelay $0x2  }
0xc6: {  	s31 =	sshll.u32 s1, $0xD;
	s1 =	sshrl.u32 s1, $0x2  }
0xc7: {  	s4 =	sand.u32 $0x4000, s31;
	s1 =	sadd.s32 s1, s30  }
0xc8: {  	s0 =	sor.u32 s4, s0;
	s1 =	sshll.u32 s1, $0x11  }
0xc9: {  	s0 =	sor.u32 s1, s0  }
0xca: {  	s0 =	sadd.s32 $0x8F2B, s0  }
0xcb: {  	[sflag:s0] =	ssyncadd.remote.s32 $0x1  }
0xcc: {  	_ =	sfence.sel $0xFFFF  }
0xcd: {  	[dreg:$0x0] =	wrdreg $0xFFFFFFFF;
	(pc) =	sbr.abs _section_cstart, $3  }
0xce: {  	[dreg:$0x1] =	wrdreg $0xFFFFFFFF  }
0xcf: {  	_ =	task.clear_ibuf [dreg:s22], $0x2FFFF;
	_ =	strace $0x9FFFFFFF  }
0xd0: {  	(tm) =	ssettm $0x7FFFFFFF  }
0xd1: {  	_ =	shalt  }
tec
execute0_lowered:
.L_overlay_start_1:
0x0: {  	(tag) =	ssettag $0x1  }
0x1: {  	s7 =	rddreg [dreg:$0x0]  }
0x2: {  	s0 =	rddreg [dreg:$0x1];
	_ =	strace $0x8000004D  }
0x3: {  	s1 =	srdreg.scid;
	s4 =	simm.s32 $0x1;
	s9 =	simm.s32 $0x3  }
0x4: {  	s12 =	simm.s32 $0x0;
	s10 =	simm.s32 $0x0;
	s5 =	sshll.u32 s1, $0x4  }
.Ltmp0:
0x5: {  	s1 =	stileid.u32;
	s5 =	sand.u32 $0x10, s5;
	(pc) =	sbr.rel .LBB2_1-.Ltmp0, $4  }
0x6: {  	s2 =	sadd.s32 $0x3E00, s7;
	s3 =	sadd.s32 $0x3C00, s7;
	s6 =	sor.u32 s1, s5  }
0x7: {  	[sflag:s4] =	ssyncpa.u1 $0x0;
	s5 =	simm.s32 $0x2;
	s6 =	sshll.u32 s6, $0x7  }
0x8: {  	s7 =	sadd.s32 $0x43E00, s7;
	[sflag:s5] =	ssyncpa.u1 $0x0;
	s8 =	sadd.s32 $0x80, s6  }
0x9: {  	vm0 =	vmmov $0xff;
	vm1 =	vcmask $0x3F20;
	[sflag:s9] =	ssyncpa.u1 $0x0;
	s9 =	simm.s32 $0x80;
	s11 =	smov.u32 s6  }
.LBB2_10:
0xa: {  	[hbm:s16] =	stream.linear.scatter [tilespmem:s13], [sflag:$0x3], $0x800, $0x38;
	[tilespmem:$0x10100] =	vst v63  }
.LBB2_11:
0xb: {  	p0 =	seq.s32 s10, $0x2  }
.Ltmp1:
0xc: {  	_ = 	snop;
	(pc) =	sbr.rel @p0 .LBB2_13-.Ltmp1, $1  }
0xd: {  	_ =	sdelay $0x3  }
.LBB2_12:
0xe: {  	s12 =	sadd.s32 $0x80, s11  }
0xf: {  	s13 =	smov.u32 s6;
	p0 =	slt.s32 s12, s8  }
0x10: {  	s13 =	smov.u32 @p0 s12  }
0x11: {  	s10 =	sadd.s32 $0x1, s10;
	s12 =	smov.u32 s11;
	s11 =	smov.u32 s13  }
.LBB2_1:
0x12: {  	p0 =	sne.s32 s10, $0x0  }
.Ltmp2:
0x13: {  	_ = 	snop;
	(pc) =	sbr.rel @!p0 .LBB2_2-.Ltmp2, $1  }
0x14: {  	_ =	sdelay $0x3  }
0x15: {  	s13 =	sand.u32 $0x1, s10  }
0x16: {  	p0 =	seq.s32 s13, $0x0  }
.Ltmp3:
0x17: {  	_ = 	snop;
	(pc) =	sbr.rel @p0 .LBB2_11-.Ltmp3, $1  }
0x18: {  	_ =	sdelay $0x3  }
0x19: {  	_ =	swait.ge [sflag:s5], $0x80  }
0x1a: {  	[sflag:s5] =	ssyncset.done $0x0  }
0x1b: {  	s13 =	simm.s32 $0x0;
	[sflag:s5] =	ssyncadd.s32 $0xFFFFFF80  }
.LBB2_5:
0x1c: {  	s14 =	sshll.u32 s13, $0x4  }
0x1d: {  	s14 =	sand.u32 $0x3FFFFFF0, s14  }
0x1e: {  	v0 =	vld.msk [tilespmem:s14+$0x80 ss:$0x1], $0xffff;
	_ =	sdelay $0x4  }
0x1f: {  	vm2 =	vgt.s32 v0, $0x0  }
0x20: {  	v0 =	vnsel vm2, $0x0, v0  }
0x21: {  	v0 =	vmin.u32 v0, $0x1FFF  }
0x22: {  	s31 =	sshll.u32 s13, $0xC;
	v1 =	vshll.u32 v0, $0x5;
	v0 =	vshll.u32 v0, $0x4  }
0x23: {  	s14 =	sand.u32 $0x3FFFF000, s31;
	v1 =	vand.u32 $0x3FF00, v1;
	v0 =	vand.u32 $0x70, v0  }
0x24: {  	p0 =	por $0x1, $0x1;
	s15 =	simm.s32 $0x0;
	s14 =	sadd.s32 $0x8100, s14;
	v0 =	vor.u32 v0, v1  }
.LBB2_6:
0x25: {  	_ =	sdelay $0x1  }
0x26: {  	s15 =	sshra.s32 s15, $0x2;
	p1 =	por p0, p0  }
.Ltmp4:
0x27: {  	s15 =	sadd.s32 s15, s14;
	(pc) =	sbr.rel @p1 .LBB2_6-.Ltmp4, $4  }
0x28: {  	[tilespmem:s15], [sflag:$0x1] =	stream.indirect_vreg.gather [hbm:s2], $0x80, v0, vm0, $0x38;
	[tilespmem:$0x10100] =	vst v63  }
0x29: {  	s15 =	sadd.s32 $0x800, s15  }
0x2a: {  	[tilespmem:s15], [sflag:$0x1] =	stream.indirect_vreg.gather [hbm:s2], $0x80, v0, vm1, $0x38;
	[tilespmem:$0x10100] =	vst v63  }
0x2b: {  	p0 =	por $0x0, $0x0;
	v0 =	vadd.s32 $0x80, v0;
	s15 =	simm.s32 $0x1000  }
0x2c: {  	s13 =	sadd.s32 $0x1, s13  }
0x2d: {  	p0 =	sne.s32 s13, $0x8  }
.Ltmp5:
0x2e: {  	_ = 	snop;
	(pc) =	sbr.rel @p0 .LBB2_5-.Ltmp5, $1  }
0x2f: {  	_ =	sdelay $0x3  }
0x30: {  	s13 =	sshll.u32 s12, $0x5  }
0x31: {  	_ =	swait.ge [sflag:s4], $0x8000;
	s31 =	sshll.u32 s12, $0x4;
	s13 =	sand.u32 $0xFFFFFF00, s13  }
0x32: {  	s14 =	simm.s32 $0x100;
	s12 =	sand.u32 $0x70, s31;
	s13 =	sadd.s32 s13, s7  }
0x33: {  	s15 =	simm.s32 $0x8900;
	[sflag:s4] =	ssyncset.done $0x0;
	s12 =	sadd.s32 s12, s13  }
0x34: {  	[sflag:s4] =	ssyncadd.s32 $0xFFFF8000;
	s13 =	simm.s32 $0x8100;
	s16 =	sadd.s32 $0x0, s12  }
.LBB2_9:
0x35: {  	[hbm:s16] =	stream.linear.scatter [tilespmem:s13], [sflag:$0x3], $0x800, $0x38;
	[tilespmem:$0x10100] =	vst v63  }
0x36: {  	s16 =	smov.u32 s14;
	s13 =	smov.u32 s15;
	p0 =	sne.s32 s14, $0xF00  }
.Ltmp6:
0x37: {  	s14 =	sadd.s32 $0x100, s14;
	(pc) =	sbr.rel @p0 .LBB2_9-.Ltmp6, $2  }
0x38: {  	_ =	sdelay $0x2  }
0x39: {  	s15 =	sadd.s32 $0x800, s15;
	s16 =	sadd.s32 s16, s12  }
.Ltmp7:
0x3a: {  	_ = 	snop;
	(pc) =	sbr.rel .LBB2_10-.Ltmp7, $1  }
0x3b: {  	_ =	sdelay $0x3  }
.LBB2_2:
.Ltmp8:
0x3c: {  	(pc) =	sbr.rel .LBB2_12-.Ltmp8, $4  }
0x3d: {  	_ = 	snop  }
0x3e: {  	s12 =	sshrl.u32 s11, $0x3  }
0x3f: {  	s13 =	sand.u32 $0x7, s11;
	s12 =	sadd.s32 s3, s12  }
0x40: {  	[tilespmem:s9], [sflag:$0x2] =	stream.linear.gather [hbm4b:s12+s13], $0x80, $0x38;
	[tilespmem:$0x10100] =	vst v63  }
.LBB2_13:
0x41: {  	s2 =	simm.s32 $0x3  }
0x42: {  	_ =	swait.ge [sflag:s2], $0x8000  }
0x43: {  	[sflag:s2] =	ssyncset.done $0x0  }
0x44: {  	[sflag:s2] =	ssyncadd.s32 $0xFFFF8000  }
0x45: {  	_ =	sfence.sel $0x180000  }
0x46: {  	s3 =	simm.s32 $0x2;
	[bflag:$0x0] =	sbarrier.arrive $0xFFFF  }
0x47: {  	[sflag:s3] =	ssyncpa.u1 $0x1  }
0x48: {  	s31 =	simm.s32 $0x1;
	[sflag:s2] =	ssyncpa.u1 $0x1  }
0x49: {  	[sflag:s31] =	ssyncpa.u1 $0x1  }
0x4a: {  	p0 =	sne.s32 s1, $0x0;
	_ =	strace $0x9000004D  }
0x4b: {  	s0 =	sadd.s32 @!p0 $0x100000, s0;
	[bflag:$0x2] =	sbarrier.arrive $0xFFFF  }
0x4c: {  	[sflag:s0] =	ssyncadd.tile.s32 @!p0 $0x1;
	_ =	shalt  }
.Lfunc_end2:
_tile_overlayer_lowered:
.L_overlay_start_2:
0x4d: {  	(tag) =	ssettag $0x2  }
0x4e: {  	s0 =	rddreg [dreg:$0x0];
	s2 =	stileid.u32  }
0x4f: {  	s1 =	rddreg [dreg:$0x1];
	p0 =	sne.s32 s2, $0x0  }
0x50: {  	s3 =	rddreg [dreg:$0x2];
	[bflag:$0x3] =	sbarrier.arrive $0xFFFF;
	s2 =	simm.s32 @!p0 $0x1C01  }
0x51: {  	[timem:s3], [sflag:s2] =	dma.local @!p0 [hbm:s0], s1  }
0x52: {  	s0 =	simm.s32 @!p0 $0x1  }
0x53: {  	_ =	swait.ge @!p0 [sflag:s0], s1  }
0x54: {  	s1 =	ssub.s32 @!p0 $0x0, s1;
	[sflag:s0] =	ssyncset.done @!p0 $0x0  }
0x55: {  	[sflag:s0] =	ssyncadd.s32 @!p0 s1  }
0x56: {  	[bflag:$0x3] =	sbarrier.arrive $0xFFFF  }
0x57: {  	_ =	shalt  }

// kernel: kernel.10.cloned.1.call-start
scs
__scs_entry_jumppad:
0x0: {  	(pc) =	sbr.rel $0x88, $3  }
0x1: {  	(tag) =	ssettag $0x0;
	lr =	simm.s32 $0x1  }
0x2: {  	[smem:$0x3F87] =	sst lr;
	_ =	strace $0xD0000000  }
0x3: {  	_ = 	snop  }
0x4: {  	_ = 	snop  }
0x5: {  	_ = 	snop  }
0x6: {  	_ = 	snop  }
0x7: {  	_ = 	snop  }
__scs_overlays_trampoline_lowered:
0x8: {  	[smem:$0x3F96] =	sst s0  }
0x9: {  	[smem:$0x3F97] =	sst s1  }
0xa: {  	[smem:$0x3F98] =	sst s2  }
0xb: {  	[smem:$0x3F99] =	sst s3  }
0xc: {  	[smem:$0x3F9A] =	sst s4  }
0xd: {  	[smem:$0x3F9B] =	sst s5  }
0xe: {  	[smem:$0x3F9C] =	sst s6  }
0xf: {  	[smem:$0x3F9D] =	sst s7  }
0x10: {  	[smem:$0x3F9E] =	sst s8  }
0x11: {  	[smem:$0x3F9F] =	sst s9;
	s0 =	simm.s32 @!p0 $0x0  }
0x12: {  	s1 =	sld [smem:$0x3F85];
	s0 =	simm.s32 @p0 $0x1  }
0x13: {  	[smem:$0x3FA0] =	sst s0;
	s0 =	simm.s32 @!p1 $0x0  }
0x14: {  	s2 =	sld [smem:$0x3F84];
	s0 =	simm.s32 @p1 $0x1  }
0x15: {  	[smem:$0x3FA1] =	sst s0;
	s0 =	simm.s32 @!p2 $0x0  }
0x16: {  	s3 =	sld [smem:$0x3FDB];
	s0 =	simm.s32 @p2 $0x1  }
0x17: {  	s4 =	simm.s32 $0x1BF5;
	[smem:$0x3FA3] =	sst s0  }
0x18: {  	s0 =	sld [smem:$0x3F86];
	_ =	swait.ge [sflag:s4], $0x0  }
0x19: {  	s7 =	sld [smem:$0x3F87]  }
0x1a: {  	s8 =	sadd.s32 $0xFFFFE003, lr  }
0x1b: {  	s9 =	sadd.s32 $0xFFFFFEF7, lr;
	s5 =	simm.s32 $0xFFFFFFFF;
	p2 =	slt.u32 s8, $0xFFFFF086  }
0x1c: {  	p1 =	slt.u32 s9, $0xF7A;
	s5 =	simm.s32 @!p2 $0x0  }
0x1d: {  	s5 =	simm.s32 @p1 $0x1;
	p0 =	seq.s32 s7, s2  }
0x1e: {  	s7 =	smul.u32 @!p0 $0xF7A, s2;
	p2 =	seq.s32 @!p0 s5, $0x0  }
0x1f: {  	s9 =	smul.u32 $0xF7A, s1;
	s8 =	simm.s32 @!p0 $0x1BF5;
	p2 =	por !p2, p0  }
0x20: {  	[sflag:s8] =	ssyncset.s32 @!p0 $0xFFFFF086;
	s6 =	sadd.s32 @!p0 s3, s7;
	s7 =	simm.s32 @!p0 $0x108  }
0x21: {  	s3 =	sadd.s32 s3, s9;
	s6 =	sadd.s32 @!p0 $0x88, s6;
	s7 =	simm.s32 @p2 $0x1082  }
0x22: {  	[simem:s7], [sflag:s8] =	dma.local @!p0 [hbm:s6], $0xF7A  }
0x23: {  	s9 =	sor.u32 $0xD0000000, s2;
	s6 =	simm.s32 $0x108;
	_ =	swait.ge @!p0 [sflag:s8], $0x0  }
0x24: {  	s3 =	sadd.s32 $0x88, s3;
	s6 =	simm.s32 @!p1 $0x1082;
	[sflag:s4] =	ssyncset.s32 $0xFFFFF086  }
0x25: {  	[simem:s6], [sflag:s4] =	dma.local [hbm:s3], $0xF7A  }
0x26: {  	[smem:$0x3F87] =	sst s1;
	(tag) =	ssettag s2;
	_ =	strace s9  }
0x27: {  	s1 =	sld [smem:$0x3F97]  }
0x28: {  	s2 =	sld [smem:$0x3F98]  }
0x29: {  	s4 =	sld [smem:$0x3F9A]  }
0x2a: {  	p0 =	seq.s32 s5, $0x0;
	s5 =	sld [smem:$0x3F9B]  }
0x2b: {  	s6 =	sld [smem:$0x3F9C]  }
0x2c: {  	s7 =	sld [smem:$0x3F9D]  }
0x2d: {  	s3 =	simm.s32 $0x108;
	s8 =	sld [smem:$0x3F9E]  }
0x2e: {  	s3 =	simm.s32 @!p0 $0x1082;
	s9 =	sld [smem:$0x3F9F]  }
0x2f: {  	lr =	sadd.s32 s0, s3;
	s0 =	sld [smem:$0x3F96]  }
0x30: {  	s3 =	sld [smem:$0x3F99]  }
0x31: {  	[smem:$0x3FA2] =	sst s10  }
0x32: {  	s10 =	sld [smem:$0x3FA0];
	_ =	sdelay $0x3  }
0x33: {  	p0 =	seq.s32 s10, $0x1;
	s10 =	sld [smem:$0x3FA2];
	_ =	sdelay $0x3  }
0x34: {  	[smem:$0x3FA2] =	sst s10  }
0x35: {  	s10 =	sld [smem:$0x3FA1];
	_ =	sdelay $0x3  }
0x36: {  	p1 =	seq.s32 s10, $0x1;
	s10 =	sld [smem:$0x3FA2];
	_ =	sdelay $0x3  }
0x37: {  	[smem:$0x3FA2] =	sst s10  }
0x38: {  	s10 =	sld [smem:$0x3FA3]  }
0x39: {  	_ = 	snop;
	(pc) =	sbr.ind lr, $3  }
0x3a: {  	_ = 	snop  }
0x3b: {  	_ = 	snop  }
0x3c: {  	p2 =	seq.s32 s10, $0x1;
	s10 =	sld [smem:$0x3FA2]  }
0x3d: {  	_ =	shalt  }
0x3e: {  	_ =	shalt  }
0x3f: {  	_ =	shalt  }
0x40: {  	_ =	shalt  }
0x41: {  	_ =	shalt  }
0x42: {  	_ =	shalt  }
0x43: {  	_ =	shalt  }
0x44: {  	_ =	shalt  }
0x45: {  	_ =	shalt  }
0x46: {  	_ =	shalt  }
0x47: {  	_ =	shalt  }
0x48: {  	_ =	shalt  }
0x49: {  	_ =	shalt  }
0x4a: {  	_ =	shalt  }
0x4b: {  	_ =	shalt  }
0x4c: {  	_ =	shalt  }
0x4d: {  	_ =	shalt  }
0x4e: {  	_ =	shalt  }
0x4f: {  	_ =	shalt  }
0x50: {  	_ =	shalt  }
0x51: {  	_ =	shalt  }
0x52: {  	_ =	shalt  }
0x53: {  	_ =	shalt  }
0x54: {  	_ =	shalt  }
0x55: {  	_ =	shalt  }
0x56: {  	_ =	shalt  }
0x57: {  	_ =	shalt  }
0x58: {  	_ =	shalt  }
0x59: {  	_ =	shalt  }
0x5a: {  	_ =	shalt  }
0x5b: {  	_ =	shalt  }
0x5c: {  	_ =	shalt  }
0x5d: {  	_ =	shalt  }
0x5e: {  	_ =	shalt  }
0x5f: {  	_ =	shalt  }
0x60: {  	_ =	shalt  }
0x61: {  	_ =	shalt  }
0x62: {  	_ =	shalt  }
0x63: {  	_ =	shalt  }
0x64: {  	_ =	shalt  }
0x65: {  	_ =	shalt  }
0x66: {  	_ =	shalt  }
0x67: {  	_ =	shalt  }
0x68: {  	_ =	shalt  }
0x69: {  	_ =	shalt  }
0x6a: {  	_ =	shalt  }
0x6b: {  	_ =	shalt  }
0x6c: {  	_ =	shalt  }
0x6d: {  	_ =	shalt  }
0x6e: {  	_ =	shalt  }
0x6f: {  	_ =	shalt  }
0x70: {  	_ =	shalt  }
0x71: {  	_ =	shalt  }
0x72: {  	_ =	shalt  }
0x73: {  	_ =	shalt  }
0x74: {  	_ =	shalt  }
0x75: {  	_ =	shalt  }
0x76: {  	_ =	shalt  }
0x77: {  	_ =	shalt  }
0x78: {  	_ =	shalt  }
0x79: {  	_ =	shalt  }
0x7a: {  	_ =	shalt  }
0x7b: {  	_ =	shalt  }
0x7c: {  	_ =	shalt  }
0x7d: {  	_ =	shalt  }
0x7e: {  	_ =	shalt  }
0x7f: {  	_ =	shalt  }
0x80: {  	_ =	shalt  }
0x81: {  	_ =	shalt  }
0x82: {  	_ =	shalt  }
0x83: {  	_ =	shalt  }
0x84: {  	_ =	shalt  }
0x85: {  	_ =	shalt  }
0x86: {  	_ =	shalt  }
0x87: {  	_ =	shalt  }
.Lfunc_end0:
.L_simem_size_0:
called_computation.4_lowered:
.L_overlay_start_0:
0x88: {  	s2 =	sld [smem:$0x3FD9]  }
0x89: {  	s3 =	sld [smem:$0x3FFE];
	_ =	sdelay $0x1  }
0x8a: {  	s1 =	srdreg.scid  }
0x8b: {  	s0 =	sand.u32 $0x1, s1  }
0x8c: {  	s16 =	sshll.u32 s0, $0xA;
	s2 =	sadd.s32 s3, s2  }
0x8d: {  	s2 =	sadd.s32 s2, s16  }
0x8e: {  	[smem:$0x3FAE] =	sst s2  }
0x8f: {  	_ = 	snop  }
0x90: {  	(tm) =	ssettm $0x1  }
0x91: {  	s17 =	sld [smem:$0x3FFB];
	_ =	sdelay $0x3  }
0x92: {  	_ =	strace s17  }
0x93: {  	s2 =	sld [smem:$0x3FFC];
	_ =	sdelay $0x3  }
0x94: {  	_ =	strace s2  }
0x95: {  	s2 =	sld [smem:$0x3FFD];
	_ =	sdelay $0x3  }
0x96: {  	_ =	strace s2  }
0x97: {  	_ =	strace $0x8FFFFFFF  }
0x98: {  	s18 =	sld [smem:$0x3FDB];
	_ =	sdelay $0x1  }
0x99: {  	s19 =	simm.s32 $_scs_section_size  }
0x9a: {  	s4 =	simm.s32 $_size__tile_overlayer_lowered;
	s5 =	simm.s32 $_tile_overlayer_lowered  }
0x9b: {  	s22 =	simm.s32 $0x1BFF;
	s21 =	sshll.u32 s5, $0x1;
	s2 =	sadd.s32 s19, s18  }
0x9c: {  	s6 =	simm.s32 $0x0;
	s20 =	sshll.u32 s4, $0x1;
	s4 =	sadd.s32 s21, s2  }
0x9d: {  	[timem:s6], [sflag:s22] =	dma.local [hbm:s4], s20  }
0x9e: {  	_ =	swait.ge [sflag:s22], s20  }
0x9f: {  	s3 =	ssub.s32 $0x0, s20;
	[sflag:s22] =	ssyncset.done $0x0  }
0xa0: {  	[sflag:s22] =	ssyncadd.s32 s3;
	_ =	sdelay $0x1  }
0xa1: {  	s23 =	simm.s32 $0x1B8B  }
0xa2: {  	_ =	swait.ge [sflag:s23], $0x1  }
0xa3: {  	[sflag:s23] =	ssyncset.done $0x0  }
0xa4: {  	s25 =	simm.s32 $0x1B8E;
	s24 =	sld [smem:$0x3FFE];
	[sflag:s23] =	ssyncadd.s32 $0xFFFFFFFF  }
0xa5: {  	s26 =	simm.s32 $execute0_lowered;
	[smem:$0x3FD2] =	sst s25  }
0xa6: {  	s4 =	sshll.u32 s26, $0x1;
	_ =	strace $0x80000052;
	[dreg:$0x1] =	wrdreg $0xFFFFFFFF  }
0xa7: {  	s28 =	simm.s32 $_size_execute0_lowered;
	s2 =	sadd.s32 s2, s4;
	[dreg:$0x0] =	wrdreg $0x0  }
0xa8: {  	s4 =	sshll.u32 s28, $0x1;
	[dreg:$0x2] =	wrdreg s2  }
0xa9: {  	[dreg:$0x3] =	wrdreg s4  }
0xaa: {  	[dreg:$0x4] =	wrdreg $0xC0  }
0xab: {  	_ =	task [dreg:s6], $0x5FFFF  }
0xac: {  	[dreg:$0x1] =	wrdreg $0xFFFFFFFF  }
0xad: {  	[dreg:$0x0] =	wrdreg $0x60  }
0xae: {  	[dreg:$0x2] =	wrdreg s24  }
0xaf: {  	[dreg:$0x3] =	wrdreg $0x9  }
0xb0: {  	_ =	task.clear_ibuf [dreg:s6], $0x4FFFF;
	_ =	strace $0x90000052  }
0xb1: {  	s29 =	simm.s32 $0x9;
	_ =	strace $0x80000054  }
0xb2: {  	_ =	swait.ge [sflag:s29], $0x1  }
0xb3: {  	[sflag:s29] =	ssyncadd.s32 $0xFFFFFFFF  }
0xb4: {  	_ =	strace $0x90000054  }
0xb5: {  	_ =	sfence  }
0xb6: {  	s30 =	sld [smem:$0x0];
	_ =	sdelay $0x2  }
0xb7: {  	s31 =	sshll.u32 s1, $0xD;
	s1 =	sshrl.u32 s1, $0x2  }
0xb8: {  	s3 =	sand.u32 $0x4000, s31;
	s1 =	sadd.s32 s1, s30  }
0xb9: {  	s0 =	sor.u32 s3, s0;
	s1 =	sshll.u32 s1, $0x11  }
0xba: {  	s0 =	sor.u32 s1, s0  }
0xbb: {  	s0 =	sadd.s32 $0x8F2B, s0  }
0xbc: {  	[sflag:s0] =	ssyncadd.remote.s32 $0x1  }
0xbd: {  	_ =	sfence.sel $0xFFFF  }
0xbe: {  	[dreg:$0x0] =	wrdreg $0xFFFFFFFF;
	(pc) =	sbr.abs _section_cstart, $3  }
0xbf: {  	[dreg:$0x1] =	wrdreg $0xFFFFFFFF  }
0xc0: {  	_ =	task.clear_ibuf [dreg:s6], $0x2FFFF;
	_ =	strace $0x9FFFFFFF  }
0xc1: {  	(tm) =	ssettm $0x7FFFFFFF  }
tec
execute0_lowered:
.L_overlay_start_1:
0x0: {  	(tag) =	ssettag $0x1  }
0x1: {  	s1 =	srdreg.scid;
	s0 =	stileid.u32  }
0x2: {  	s4 =	rddreg [dreg:$0x0];
	s2 =	simm.s32 $0x0;
	s10 =	simm.s32 $0x880  }
0x3: {  	s11 =	simm.s32 $0x1080;
	s12 =	simm.s32 $0x1880;
	s13 =	simm.s32 $0x2080  }
0x4: {  	s14 =	simm.s32 $0x2880;
	s15 =	simm.s32 $0x3080;
	s16 =	simm.s32 $0x3880  }
0x5: {  	s17 =	simm.s32 $0x4080;
	s18 =	simm.s32 $0x4880;
	s19 =	simm.s32 $0x5080  }
0x6: {  	s20 =	simm.s32 $0x5880;
	s21 =	simm.s32 $0x6080;
	s22 =	simm.s32 $0x6880  }
0x7: {  	s23 =	simm.s32 $0x7080;
	s24 =	simm.s32 $0x7880;
	s25 =	simm.s32 $0x1  }
0x8: {  	s3 =	sand.u32 $0x1, s1;
	s5 =	smul.u32 $0x2100, s0;
	s1 =	rddreg [dreg:$0x1]  }
0x9: {  	s26 =	simm.s32 $0x0;
	[smem:$0x7FF] =	sst s2;
	s6 =	smul.u32 $0x1080, s3  }
0xa: {  	s30 =	smul.u32 $0x84000, s0;
	_ =	strace $0x80000053;
	s7 =	ssub.s32 $0x2, s3  }
0xb: {  	s9 =	smul.u32 $0x42000, s3;
	s3 =	sadd.s32 $0x1E9400, s4;
	s5 =	sadd.s32 s6, s5  }
0xc: {  	s31 =	sshrl.u32 s7, $0x1;
	s6 =	sadd.s32 s30, s4;
	s5 =	sshrl.u32 s5, $0x3  }
0xd: {  	v2 =	vlaneseq.u32;
	s6 =	sadd.s32 s9, s6;
	s9 =	simm.s32 $0x80;
	s8 =	sadd.s32 s5, s4  }
0xe: {  	vm0 =	vmmov $0xffff;
	v1 =	vshrl.u32 v2, $0x3;
	s5 =	ssub.s32 s7, s31;
	s4 =	sadd.s32 $0x1E9500, s4;
	s6 =	sadd.s32 $0x229400, s6  }
0xf: {  	v0 =	vand.u32 $0x7, v2;
	v2 =	vor.u32 $0x8, v2;
	v1 =	vmul.u32 $0x8, v1;
	s5 =	smax.u32 s5, $0x1;
	s7 =	sadd.s32 $0x36C00, s8;
	s8 =	simm.s32 $0x2  }
.LBB2_1:
0x10: {  	s28 =	smov.u32 s6;
	s29 =	simm.s32 $0x0  }
.LBB2_2:
0x11: {  	s30 =	sadd.s32 s29, s7  }
0x12: {  	[tilespmem:s2], [sflag:$0x2] =	stream.linear.gather [hbm4b:s30+s2], $0x40, $0x38;
	[tilespmem:$0x8080] =	vst v63  }
0x13: {  	_ =	swait.ge [sflag:s8], $0x40  }
0x14: {  	[sflag:s8] =	ssyncset.done $0x0  }
0x15: {  	[sflag:s8] =	ssyncadd.s32 $0xFFFFFFC0  }
0x16: {  	v3 =	vld [tilespmem:$0x0];
	_ =	sdelay $0x4  }
0x17: {  	v4 =	vshll.u32 v3, $0x2  }
0x18: {  	v3 =	vand.u32 $0x7, v3;
	v4 =	vand.u32 $0xFFFFFFE0, v4  }
0x19: {  	v3 =	vor.u32 v3, v4  }
0x1a: {  	v4 =	vperm.xlane v3, v0;
	_ =	sdelay $0x1  }
0x1b: {  	v4 =	vadd.s32 v1, v4;
	_ =	sdelay $0x1  }
0x1c: {  	v3 =	vperm.xlane v3, v2;
	_ =	sdelay $0x1  }
0x1d: {  	v3 =	vadd.s32 v1, v3  }
0x1e: {  	[tilespmem:s9], [sflag:$0x1] =	stream.indirect_vreg.gather [hbm4b:s3+s2], $0x80, v4, vm0, $0xb8;
	[tilespmem:$0x8080] =	vst v63  }
0x1f: {  	_ = 	snop  }
0x20: {  	[tilespmem:s10], [sflag:$0x1] =	stream.indirect_vreg.gather [hbm4b:s4+s2], $0x80, v4, vm0, $0xb8;
	[tilespmem:$0x8080] =	vst v63  }
0x21: {  	_ = 	snop  }
0x22: {  	[tilespmem:s11], [sflag:$0x1] =	stream.indirect_vreg.gather [hbm4b:s3+s2], $0x80, v3, vm0, $0xb8;
	[tilespmem:$0x8080] =	vst v63  }
0x23: {  	_ = 	snop  }
0x24: {  	[tilespmem:s12], [sflag:$0x1] =	stream.indirect_vreg.gather [hbm4b:s4+s2], $0x80, v3, vm0, $0xb8;
	[tilespmem:$0x8080] =	vst v63  }
0x25: {  	v3 =	vld [tilespmem:$0x10];
	_ =	sdelay $0x4  }
0x26: {  	v61 =	vshll.u32 v3, $0x2  }
0x27: {  	v3 =	vand.u32 $0x7, v3;
	v4 =	vand.u32 $0xFFFFFFE0, v61  }
0x28: {  	v3 =	vor.u32 v3, v4  }
0x29: {  	v4 =	vperm.xlane v3, v0;
	_ =	sdelay $0x1  }
0x2a: {  	v4 =	vadd.s32 v1, v4;
	_ =	sdelay $0x1  }
0x2b: {  	v3 =	vperm.xlane v3, v2;
	_ =	sdelay $0x1  }
0x2c: {  	v3 =	vadd.s32 v1, v3  }
0x2d: {  	[tilespmem:s13], [sflag:$0x1] =	stream.indirect_vreg.gather [hbm4b:s3+s2], $0x80, v4, vm0, $0xb8;
	[tilespmem:$0x8080] =	vst v63  }
0x2e: {  	_ = 	snop  }
0x2f: {  	[tilespmem:s14], [sflag:$0x1] =	stream.indirect_vreg.gather [hbm4b:s4+s2], $0x80, v4, vm0, $0xb8;
	[tilespmem:$0x8080] =	vst v63  }
0x30: {  	_ = 	snop  }
0x31: {  	[tilespmem:s15], [sflag:$0x1] =	stream.indirect_vreg.gather [hbm4b:s3+s2], $0x80, v3, vm0, $0xb8;
	[tilespmem:$0x8080] =	vst v63  }
0x32: {  	_ = 	snop  }
0x33: {  	[tilespmem:s16], [sflag:$0x1] =	stream.indirect_vreg.gather [hbm4b:s4+s2], $0x80, v3, vm0, $0xb8;
	[tilespmem:$0x8080] =	vst v63  }
0x34: {  	v3 =	vld [tilespmem:$0x20];
	_ =	sdelay $0x4  }
0x35: {  	v62 =	vshll.u32 v3, $0x2  }
0x36: {  	v3 =	vand.u32 $0x7, v3;
	v4 =	vand.u32 $0xFFFFFFE0, v62  }
0x37: {  	v3 =	vor.u32 v3, v4  }
0x38: {  	v4 =	vperm.xlane v3, v0;
	_ =	sdelay $0x1  }
0x39: {  	v4 =	vadd.s32 v1, v4;
	_ =	sdelay $0x1  }
0x3a: {  	v3 =	vperm.xlane v3, v2;
	_ =	sdelay $0x1  }
0x3b: {  	v3 =	vadd.s32 v1, v3  }
0x3c: {  	[tilespmem:s17], [sflag:$0x1] =	stream.indirect_vreg.gather [hbm4b:s3+s2], $0x80, v4, vm0, $0xb8;
	[tilespmem:$0x8080] =	vst v63  }
0x3d: {  	_ = 	snop  }
0x3e: {  	[tilespmem:s18], [sflag:$0x1] =	stream.indirect_vreg.gather [hbm4b:s4+s2], $0x80, v4, vm0, $0xb8;
	[tilespmem:$0x8080] =	vst v63  }
0x3f: {  	_ = 	snop  }
0x40: {  	[tilespmem:s19], [sflag:$0x1] =	stream.indirect_vreg.gather [hbm4b:s3+s2], $0x80, v3, vm0, $0xb8;
	[tilespmem:$0x8080] =	vst v63  }
0x41: {  	_ = 	snop  }
0x42: {  	[tilespmem:s20], [sflag:$0x1] =	stream.indirect_vreg.gather [hbm4b:s4+s2], $0x80, v3, vm0, $0xb8;
	[tilespmem:$0x8080] =	vst v63  }
0x43: {  	v3 =	vld [tilespmem:$0x30];
	_ =	sdelay $0x4  }
0x44: {  	v63 =	vshll.u32 v3, $0x2  }
0x45: {  	v3 =	vand.u32 $0x7, v3;
	v4 =	vand.u32 $0xFFFFFFE0, v63  }
0x46: {  	v3 =	vor.u32 v3, v4  }
0x47: {  	v4 =	vperm.xlane v3, v0;
	_ =	sdelay $0x1  }
0x48: {  	v4 =	vadd.s32 v1, v4;
	_ =	sdelay $0x1  }
0x49: {  	v3 =	vperm.xlane v3, v2;
	_ =	sdelay $0x1  }
0x4a: {  	v3 =	vadd.s32 v1, v3  }
0x4b: {  	[tilespmem:s21], [sflag:$0x1] =	stream.indirect_vreg.gather [hbm4b:s3+s2], $0x80, v4, vm0, $0xb8;
	[tilespmem:$0x8080] =	vst v63  }
0x4c: {  	_ = 	snop  }
0x4d: {  	[tilespmem:s22], [sflag:$0x1] =	stream.indirect_vreg.gather [hbm4b:s4+s2], $0x80, v4, vm0, $0xb8;
	[tilespmem:$0x8080] =	vst v63  }
0x4e: {  	_ = 	snop  }
0x4f: {  	[tilespmem:s23], [sflag:$0x1] =	stream.indirect_vreg.gather [hbm4b:s3+s2], $0x80, v3, vm0, $0xb8;
	[tilespmem:$0x8080] =	vst v63  }
0x50: {  	_ = 	snop  }
0x51: {  	[tilespmem:s24], [sflag:$0x1] =	stream.indirect_vreg.gather [hbm4b:s4+s2], $0x80, v3, vm0, $0xb8;
	[tilespmem:$0x8080] =	vst v63  }
0x52: {  	_ =	swait.ge [sflag:s25], $0x8000  }
0x53: {  	p0 =	sne.s32 s29, $0x208;
	[sflag:s25] =	ssyncset.done $0x0  }
.Ltmp0:
0x54: {  	[sflag:s25] =	ssyncadd.s32 $0xFFFF8000;
	(pc) =	sbr.rel @p0 .LBB2_2-.Ltmp0, $4  }
0x55: {  	[hbm4b:s28+s2] =	stream.linear.scatter [tilespmem:s9], [sflag:$0x2], $0x8000, $0x38;
	[tilespmem:$0x8080] =	vst v63  }
0x56: {  	_ =	swait.ge [sflag:s8], $0x8000  }
0x57: {  	[sflag:s8] =	ssyncset.done $0x0  }
0x58: {  	s29 =	sadd.s32 $0x8, s29;
	s28 =	sadd.s32 $0x1000, s28;
	[sflag:s8] =	ssyncadd.s32 $0xFFFF8000  }
0x59: {  	s26 =	sadd.s32 $0x1, s26  }
0x5a: {  	p0 =	sne.s32 s26, s5  }
.Ltmp1:
0x5b: {  	_ = 	snop;
	(pc) =	sbr.rel @p0 .LBB2_1-.Ltmp1, $1  }
0x5c: {  	_ =	sdelay $0x3  }
0x5d: {  	_ =	sfence.sel $0x180000  }
0x5e: {  	[bflag:$0x0] =	sbarrier.arrive $0xFFFF  }
0x5f: {  	p0 =	sne.s32 s0, $0x0;
	_ =	strace $0x90000053  }
0x60: {  	s0 =	sadd.s32 @!p0 $0x100000, s1;
	[bflag:$0x2] =	sbarrier.arrive $0xFFFF  }
0x61: {  	[sflag:s0] =	ssyncadd.tile.s32 @!p0 $0x1;
	_ =	shalt  }
.Lfunc_end2:
_tile_overlayer_lowered:
.L_overlay_start_2:
0x62: {  	(tag) =	ssettag $0x2  }
0x63: {  	s0 =	rddreg [dreg:$0x0];
	s2 =	stileid.u32  }
0x64: {  	s1 =	rddreg [dreg:$0x1];
	p0 =	sne.s32 s2, $0x0  }
0x65: {  	s3 =	rddreg [dreg:$0x2];
	[bflag:$0x3] =	sbarrier.arrive $0xFFFF;
	s2 =	simm.s32 @!p0 $0x1C02  }
0x66: {  	[timem:s3], [sflag:s2] =	dma.local @!p0 [hbm:s0], s1  }
0x67: {  	s0 =	simm.s32 @!p0 $0x2  }
0x68: {  	_ =	swait.ge @!p0 [sflag:s0], s1  }
0x69: {  	s1 =	ssub.s32 @!p0 $0x0, s1;
	[sflag:s0] =	ssyncset.done @!p0 $0x0  }
0x6a: {  	[sflag:s0] =	ssyncadd.s32 @!p0 s1  }
0x6b: {  	[bflag:$0x3] =	sbarrier.arrive $0xFFFF  }
0x6c: {  	_ =	shalt  }

// kernel: scatter_offload_async_start
scs
__scs_entry_jumppad:
0x0: {  	(pc) =	sbr.rel $0x88, $3  }
0x1: {  	(tag) =	ssettag $0x0;
	lr =	simm.s32 $0x1  }
0x2: {  	[smem:$0x3F87] =	sst lr;
	_ =	strace $0xD0000000  }
0x3: {  	_ = 	snop  }
0x4: {  	_ = 	snop  }
0x5: {  	_ = 	snop  }
0x6: {  	_ = 	snop  }
0x7: {  	_ = 	snop  }
__scs_overlays_trampoline_lowered:
0x8: {  	[smem:$0x3F96] =	sst s0  }
0x9: {  	[smem:$0x3F97] =	sst s1  }
0xa: {  	[smem:$0x3F98] =	sst s2  }
0xb: {  	[smem:$0x3F99] =	sst s3  }
0xc: {  	[smem:$0x3F9A] =	sst s4  }
0xd: {  	[smem:$0x3F9B] =	sst s5  }
0xe: {  	[smem:$0x3F9C] =	sst s6  }
0xf: {  	[smem:$0x3F9D] =	sst s7  }
0x10: {  	[smem:$0x3F9E] =	sst s8  }
0x11: {  	[smem:$0x3F9F] =	sst s9;
	s0 =	simm.s32 @!p0 $0x0  }
0x12: {  	s1 =	sld [smem:$0x3F85];
	s0 =	simm.s32 @p0 $0x1  }
0x13: {  	[smem:$0x3FA0] =	sst s0;
	s0 =	simm.s32 @!p1 $0x0  }
0x14: {  	s2 =	sld [smem:$0x3F84];
	s0 =	simm.s32 @p1 $0x1  }
0x15: {  	[smem:$0x3FA1] =	sst s0;
	s0 =	simm.s32 @!p2 $0x0  }
0x16: {  	s3 =	sld [smem:$0x3FDB];
	s0 =	simm.s32 @p2 $0x1  }
0x17: {  	s4 =	simm.s32 $0x1BF5;
	[smem:$0x3FA3] =	sst s0  }
0x18: {  	s0 =	sld [smem:$0x3F86];
	_ =	swait.ge [sflag:s4], $0x0  }
0x19: {  	s7 =	sld [smem:$0x3F87]  }
0x1a: {  	s8 =	sadd.s32 $0xFFFFE003, lr  }
0x1b: {  	s9 =	sadd.s32 $0xFFFFFEF7, lr;
	s5 =	simm.s32 $0xFFFFFFFF;
	p2 =	slt.u32 s8, $0xFFFFF086  }
0x1c: {  	p1 =	slt.u32 s9, $0xF7A;
	s5 =	simm.s32 @!p2 $0x0  }
0x1d: {  	s5 =	simm.s32 @p1 $0x1;
	p0 =	seq.s32 s7, s2  }
0x1e: {  	s7 =	smul.u32 @!p0 $0xF7A, s2;
	p2 =	seq.s32 @!p0 s5, $0x0  }
0x1f: {  	s9 =	smul.u32 $0xF7A, s1;
	s8 =	simm.s32 @!p0 $0x1BF5;
	p2 =	por !p2, p0  }
0x20: {  	[sflag:s8] =	ssyncset.s32 @!p0 $0xFFFFF086;
	s6 =	sadd.s32 @!p0 s3, s7;
	s7 =	simm.s32 @!p0 $0x108  }
0x21: {  	s3 =	sadd.s32 s3, s9;
	s6 =	sadd.s32 @!p0 $0x88, s6;
	s7 =	simm.s32 @p2 $0x1082  }
0x22: {  	[simem:s7], [sflag:s8] =	dma.local @!p0 [hbm:s6], $0xF7A  }
0x23: {  	s9 =	sor.u32 $0xD0000000, s2;
	s6 =	simm.s32 $0x108;
	_ =	swait.ge @!p0 [sflag:s8], $0x0  }
0x24: {  	s3 =	sadd.s32 $0x88, s3;
	s6 =	simm.s32 @!p1 $0x1082;
	[sflag:s4] =	ssyncset.s32 $0xFFFFF086  }
0x25: {  	[simem:s6], [sflag:s4] =	dma.local [hbm:s3], $0xF7A  }
0x26: {  	[smem:$0x3F87] =	sst s1;
	(tag) =	ssettag s2;
	_ =	strace s9  }
0x27: {  	s1 =	sld [smem:$0x3F97]  }
0x28: {  	s2 =	sld [smem:$0x3F98]  }
0x29: {  	s4 =	sld [smem:$0x3F9A]  }
0x2a: {  	p0 =	seq.s32 s5, $0x0;
	s5 =	sld [smem:$0x3F9B]  }
0x2b: {  	s6 =	sld [smem:$0x3F9C]  }
0x2c: {  	s7 =	sld [smem:$0x3F9D]  }
0x2d: {  	s3 =	simm.s32 $0x108;
	s8 =	sld [smem:$0x3F9E]  }
0x2e: {  	s3 =	simm.s32 @!p0 $0x1082;
	s9 =	sld [smem:$0x3F9F]  }
0x2f: {  	lr =	sadd.s32 s0, s3;
	s0 =	sld [smem:$0x3F96]  }
0x30: {  	s3 =	sld [smem:$0x3F99]  }
0x31: {  	[smem:$0x3FA2] =	sst s10  }
0x32: {  	s10 =	sld [smem:$0x3FA0];
	_ =	sdelay $0x3  }
0x33: {  	p0 =	seq.s32 s10, $0x1;
	s10 =	sld [smem:$0x3FA2];
	_ =	sdelay $0x3  }
0x34: {  	[smem:$0x3FA2] =	sst s10  }
0x35: {  	s10 =	sld [smem:$0x3FA1];
	_ =	sdelay $0x3  }
0x36: {  	p1 =	seq.s32 s10, $0x1;
	s10 =	sld [smem:$0x3FA2];
	_ =	sdelay $0x3  }
0x37: {  	[smem:$0x3FA2] =	sst s10  }
0x38: {  	s10 =	sld [smem:$0x3FA3]  }
0x39: {  	_ = 	snop;
	(pc) =	sbr.ind lr, $3  }
0x3a: {  	_ = 	snop  }
0x3b: {  	_ = 	snop  }
0x3c: {  	p2 =	seq.s32 s10, $0x1;
	s10 =	sld [smem:$0x3FA2]  }
0x3d: {  	_ =	shalt  }
0x3e: {  	_ =	shalt  }
0x3f: {  	_ =	shalt  }
0x40: {  	_ =	shalt  }
0x41: {  	_ =	shalt  }
0x42: {  	_ =	shalt  }
0x43: {  	_ =	shalt  }
0x44: {  	_ =	shalt  }
0x45: {  	_ =	shalt  }
0x46: {  	_ =	shalt  }
0x47: {  	_ =	shalt  }
0x48: {  	_ =	shalt  }
0x49: {  	_ =	shalt  }
0x4a: {  	_ =	shalt  }
0x4b: {  	_ =	shalt  }
0x4c: {  	_ =	shalt  }
0x4d: {  	_ =	shalt  }
0x4e: {  	_ =	shalt  }
0x4f: {  	_ =	shalt  }
0x50: {  	_ =	shalt  }
0x51: {  	_ =	shalt  }
0x52: {  	_ =	shalt  }
0x53: {  	_ =	shalt  }
0x54: {  	_ =	shalt  }
0x55: {  	_ =	shalt  }
0x56: {  	_ =	shalt  }
0x57: {  	_ =	shalt  }
0x58: {  	_ =	shalt  }
0x59: {  	_ =	shalt  }
0x5a: {  	_ =	shalt  }
0x5b: {  	_ =	shalt  }
0x5c: {  	_ =	shalt  }
0x5d: {  	_ =	shalt  }
0x5e: {  	_ =	shalt  }
0x5f: {  	_ =	shalt  }
0x60: {  	_ =	shalt  }
0x61: {  	_ =	shalt  }
0x62: {  	_ =	shalt  }
0x63: {  	_ =	shalt  }
0x64: {  	_ =	shalt  }
0x65: {  	_ =	shalt  }
0x66: {  	_ =	shalt  }
0x67: {  	_ =	shalt  }
0x68: {  	_ =	shalt  }
0x69: {  	_ =	shalt  }
0x6a: {  	_ =	shalt  }
0x6b: {  	_ =	shalt  }
0x6c: {  	_ =	shalt  }
0x6d: {  	_ =	shalt  }
0x6e: {  	_ =	shalt  }
0x6f: {  	_ =	shalt  }
0x70: {  	_ =	shalt  }
0x71: {  	_ =	shalt  }
0x72: {  	_ =	shalt  }
0x73: {  	_ =	shalt  }
0x74: {  	_ =	shalt  }
0x75: {  	_ =	shalt  }
0x76: {  	_ =	shalt  }
0x77: {  	_ =	shalt  }
0x78: {  	_ =	shalt  }
0x79: {  	_ =	shalt  }
0x7a: {  	_ =	shalt  }
0x7b: {  	_ =	shalt  }
0x7c: {  	_ =	shalt  }
0x7d: {  	_ =	shalt  }
0x7e: {  	_ =	shalt  }
0x7f: {  	_ =	shalt  }
0x80: {  	_ =	shalt  }
0x81: {  	_ =	shalt  }
0x82: {  	_ =	shalt  }
0x83: {  	_ =	shalt  }
0x84: {  	_ =	shalt  }
0x85: {  	_ =	shalt  }
0x86: {  	_ =	shalt  }
0x87: {  	_ =	shalt  }
.Lfunc_end0:
.L_simem_size_0:
called_computation_lowered:
.L_overlay_start_0:
0x88: {  	s2 =	sld [smem:$0x3FD9]  }
0x89: {  	s3 =	sld [smem:$0x3FFE];
	_ =	sdelay $0x1  }
0x8a: {  	s1 =	srdreg.scid  }
0x8b: {  	s0 =	sand.u32 $0x1, s1  }
0x8c: {  	s15 =	sshll.u32 s0, $0xA;
	s2 =	sadd.s32 s3, s2  }
0x8d: {  	s2 =	sadd.s32 s2, s15  }
0x8e: {  	[smem:$0x3FAE] =	sst s2  }
0x8f: {  	_ = 	snop  }
0x90: {  	(tm) =	ssettm $0x1  }
0x91: {  	s16 =	sld [smem:$0x3FFB];
	_ =	sdelay $0x3  }
0x92: {  	_ =	strace s16  }
0x93: {  	s2 =	sld [smem:$0x3FFC];
	_ =	sdelay $0x3  }
0x94: {  	_ =	strace s2  }
0x95: {  	s2 =	sld [smem:$0x3FFD];
	_ =	sdelay $0x3  }
0x96: {  	_ =	strace s2  }
0x97: {  	_ =	strace $0x8FFFFFFF  }
0x98: {  	s17 =	sld [smem:$0x3FDB];
	_ =	sdelay $0x1  }
0x99: {  	s18 =	simm.s32 $_scs_section_size  }
0x9a: {  	s4 =	simm.s32 $_size__tile_overlayer_lowered;
	s5 =	simm.s32 $_tile_overlayer_lowered  }
0x9b: {  	s21 =	simm.s32 $0x1BFF;
	s20 =	sshll.u32 s5, $0x1;
	s2 =	sadd.s32 s18, s17  }
0x9c: {  	s6 =	simm.s32 $0x0;
	s19 =	sshll.u32 s4, $0x1;
	s4 =	sadd.s32 s20, s2  }
0x9d: {  	[timem:s6], [sflag:s21] =	dma.local [hbm:s4], s19  }
0x9e: {  	_ =	swait.ge [sflag:s21], s19  }
0x9f: {  	s3 =	ssub.s32 $0x0, s19;
	[sflag:s21] =	ssyncset.done $0x0  }
0xa0: {  	[sflag:s21] =	ssyncadd.s32 s3;
	_ =	sdelay $0x1  }
0xa1: {  	s22 =	simm.s32 $0x1B8B  }
0xa2: {  	_ =	swait.ge [sflag:s22], $0x1  }
0xa3: {  	[sflag:s22] =	ssyncset.done $0x0  }
0xa4: {  	s23 =	sld [smem:$0x3FFE];
	[sflag:s22] =	ssyncadd.s32 $0xFFFFFFFF  }
0xa5: {  	s25 =	simm.s32 $0x1B8E;
	s24 =	sld [smem:$0x0]  }
0xa6: {  	s26 =	simm.s32 $execute0_lowered;
	[smem:$0x3FD2] =	sst s25  }
0xa7: {  	s5 =	sshll.u32 s26, $0x1;
	_ =	strace $0x80000046;
	[dreg:$0x1] =	wrdreg $0xFFFFFFFF  }
0xa8: {  	s28 =	simm.s32 $_size_execute0_lowered;
	s2 =	sadd.s32 s2, s5;
	[dreg:$0x0] =	wrdreg $0x0  }
0xa9: {  	s5 =	sshll.u32 s28, $0x1;
	[dreg:$0x2] =	wrdreg s2  }
0xaa: {  	[dreg:$0x3] =	wrdreg s5  }
0xab: {  	[dreg:$0x4] =	wrdreg $0xC0  }
0xac: {  	_ =	task [dreg:s6], $0x5FFFF  }
0xad: {  	[dreg:$0x1] =	wrdreg $0xFFFFFFFF  }
0xae: {  	[dreg:$0x0] =	wrdreg $0x60  }
0xaf: {  	[dreg:$0x2] =	wrdreg s23  }
0xb0: {  	[dreg:$0x3] =	wrdreg s1  }
0xb1: {  	[dreg:$0x4] =	wrdreg s24  }
0xb2: {  	[dreg:$0x5] =	wrdreg $0xA  }
0xb3: {  	_ =	task.clear_ibuf [dreg:s6], $0x6FFFF;
	_ =	strace $0x90000046  }
0xb4: {  	s29 =	simm.s32 $0xA;
	_ =	strace $0x80000048  }
0xb5: {  	_ =	swait.ge [sflag:s29], $0x1  }
0xb6: {  	[sflag:s29] =	ssyncadd.s32 $0xFFFFFFFF  }
0xb7: {  	_ =	strace $0x90000048  }
0xb8: {  	_ =	sfence  }
0xb9: {  	s30 =	sld [smem:$0x0];
	_ =	sdelay $0x2  }
0xba: {  	s31 =	sshll.u32 s1, $0xD;
	s1 =	sshrl.u32 s1, $0x2  }
0xbb: {  	s3 =	sand.u32 $0x4000, s31;
	s1 =	sadd.s32 s1, s30  }
0xbc: {  	s0 =	sor.u32 s3, s0;
	s1 =	sshll.u32 s1, $0x11  }
0xbd: {  	s0 =	sor.u32 s1, s0  }
0xbe: {  	s0 =	sadd.s32 $0x8F2B, s0  }
0xbf: {  	[sflag:s0] =	ssyncadd.remote.s32 $0x1  }
0xc0: {  	_ =	sfence.sel $0xFFFF  }
0xc1: {  	[dreg:$0x0] =	wrdreg $0xFFFFFFFF;
	(pc) =	sbr.abs _section_cstart, $3  }
0xc2: {  	[dreg:$0x1] =	wrdreg $0xFFFFFFFF  }
0xc3: {  	_ =	task.clear_ibuf [dreg:s6], $0x2FFFF;
	_ =	strace $0x9FFFFFFF  }
0xc4: {  	(tm) =	ssettm $0x7FFFFFFF  }
0xc5: {  	_ =	shalt  }
tec
execute0_lowered:
.L_overlay_start_1:
0x0: {  	(tag) =	ssettag $0x1  }
0x1: {  	s2 =	rddreg [dreg:$0x0]  }
0x2: {  	s3 =	rddreg [dreg:$0x1];
	_ =	strace $0x80000047;
	s0 =	simm.s32 $0x1  }
0x3: {  	s9 =	simm.s32 $0x208;
	v0 =	vimm.s32 $0x0;
	[sflag:s0] =	ssyncpa.u1 $0x0  }
0x4: {  	[tilespmem:s9+$0x70] =	vst v0  }
0x5: {  	[tilespmem:s9+$0x60] =	vst v0  }
0x6: {  	[tilespmem:s9+$0x50] =	vst v0  }
0x7: {  	[tilespmem:s9+$0x40] =	vst v0  }
0x8: {  	s1 =	sadd.s32 $0x44C000, s2;
	s0 =	sadd.s32 $0x4000, s2;
	[tilespmem:s9+$0x30] =	vst v0  }
0x9: {  	s6 =	sadd.s32 $0x4C000, s2;
	s3 =	sand.u32 $0x1, s3;
	s4 =	sadd.s32 $0x8000, s2;
	[tilespmem:s9+$0x20] =	vst v0  }
0xa: {  	s2 =	simm.s32 $0x40;
	[dreg:$0x4] =	wrdreg s3;
	s5 =	sshll.u32 s3, $0xD;
	[tilespmem:s9+$0x10] =	vst v0  }
.LBB2_1:
0xb: {  	s2 =	sadd.s32 $0x40, s2;
	[tilespmem:s9+$0x0] =	vst v0;
	s9 =	sadd.s32 $0x80, s9  }
0xc: {  	p0 =	slt.u32 s2, $0x3880;
	[tilespmem:s9+$0x70] =	vst v0  }
0xd: {  	[tilespmem:s9+$0x60] =	vst v0  }
.Ltmp0:
0xe: {  	[tilespmem:s9+$0x50] =	vst v0;
	(pc) =	sbr.rel @p0 .LBB2_1-.Ltmp0, $4  }
0xf: {  	[tilespmem:s9+$0x40] =	vst v0  }
0x10: {  	[tilespmem:s9+$0x30] =	vst v0  }
0x11: {  	[tilespmem:s9+$0x20] =	vst v0  }
0x12: {  	[tilespmem:s9+$0x10] =	vst v0  }
0x13: {  	s11 =	stileid.u32  }
0x14: {  	s2 =	smul.u32 $0x24, s11  }
0x15: {  	s3 =	smin.u32 s11, $0xA  }
0x16: {  	s2 =	sadd.s32 s3, s2  }
0x17: {  	p0 =	slt.u32 s11, $0xA;
	s20 =	smul.u32 $0x70, s2;
	s2 =	simm.s32 $0x1030  }
0x18: {  	s2 =	simm.s32 @!p0 $0xFC0  }
0x19: {  	s2 =	sadd.s32 s2, s20  }
0x1a: {  	s8 =	smin.u32 s2, $0x10000  }
0x1b: {  	s2 =	ssub.s32 s8, s20  }
0x1c: {  	s28 =	simm.s32 $0x2;
	p0 =	sgt.s32 s2, $0x0  }
0x1d: {  	s10 =	simm.s32 $0x9;
	s30 =	simm.s32 $0xA;
	s2 =	simm.s32 @!p0 $0x0  }
0x1e: {  	s31 =	simm.s32 $0xB;
	s12 =	simm.s32 $0x1;
	s26 =	smulhi.u32 $0x92492493, s2  }
0x1f: {  	s14 =	sadd.s32 s5, s4;
	s15 =	sadd.s32 s5, s0;
	s0 =	simm.s32 $0x0  }
0x20: {  	p1 =	por $0x0, $0x0;
	s18 =	simm.s32 $0x80;
	s3 =	sshrl.u32 s26, $0x6  }
0x21: {  	s19 =	simm.s32 $0x400;
	s17 =	simm.s32 $0xC;
	s29 =	smul.u32 $0x70, s3  }
.Ltmp1:
0x22: {  	[tilespmem:s9+$0x0] =	vst v0;
	v0 =	vimm.s32 $0xFFFFFFFF;
	s21 =	simm.s32 $0x0;
	[sflag:s28] =	ssyncpa.u1 $0x0;
	(pc) =	sbr.rel .LBB2_3-.Ltmp1, $4  }
0x23: {  	[tilespmem:$0xE408] =	vst v0;
	[sflag:s10] =	ssyncpa.u1 $0x0;
	p0 =	sne.s32 s2, s29;
	s2 =	simm.s32 $0x1  }
0x24: {  	s23 =	simm.s32 $0x0;
	[sflag:s30] =	ssyncpa.u1 $0x0;
	s2 =	simm.s32 @!p0 $0x0  }
0x25: {  	s16 =	sshll.u32 s11, $0x9;
	[sflag:s31] =	ssyncpa.u1 $0x0;
	s13 =	sadd.s32 s2, s3  }
0x26: {  	v0 =	vlaneseq.u32;
	s22 =	smov.u32 s20;
	p0 =	por $0x1, $0x1;
	s11 =	sadd.s32 $0x1, s13  }
.LBB2_24:
0x27: {  	s0 =	sshrl.u32 s0, $0x2  }
.LBB2_26:
0x28: {  	_ =	swait.ge [sflag:s17], s0  }
0x29: {  	s31 =	ssub.s32 $0x0, s0;
	v1 =	vmov s26;
	vm0 =	veq.s32 v0, $0x0;
	[sflag:s17] =	ssyncset.done $0x0  }
0x2a: {  	vm15 =	veq.s32 v0, $0x2;
	v1 =	vsel vm0, s4, v1;
	[sflag:s17] =	ssyncadd.s32 s31  }
0x2b: {  	v1 =	vsel vm15, s24, v1;
	[sflag:s17] =	ssyncpa.u1 $0x1  }
0x2c: {  	[tilespmem:$0xE408] =	vst v1  }
.LBB2_27:
0x2d: {  	s2 =	sadd.s32 $0x70, s22  }
0x2e: {  	s3 =	smov.u32 s20;
	p2 =	slt.s32 s2, s8  }
0x2f: {  	s3 =	smov.u32 @p2 s2;
	p2 =	sne.s32 s23, s11  }
.Ltmp2:
0x30: {  	_ = 	snop;
	(pc) =	sbr.rel @!p2 .LBB2_28-.Ltmp2, $4  }
0x31: {  	_ = 	snop  }
0x32: {  	s0 =	smov.u32 s21  }
0x33: {  	s31 =	sadd.s32 $0x1, s23;
	s21 =	smov.u32 s22;
	p0 =	por !p0, !p0  }
0x34: {  	p1 =	por !p1, !p1;
	s23 =	smov.u32 s31;
	s22 =	smov.u32 s3  }
.LBB2_3:
0x35: {  	p2 =	sge.u32 s23, s13  }
0x36: {  	s2 =	smulhi.u32 @!p2 $0xAAAAAAAB, s23  }
0x37: {  	s3 =	smov.u32 s22;
	p3 =	sgt.s32 @!p2 s22, $0xFF90  }
0x38: {  	s4 =	sshra.s32 @!p2 s22, $0x1F;
	p3 =	por !p3, p2;
	s2 =	sshrl.u32 @!p2 s2, $0x1  }
0x39: {  	s4 =	sand.u32 @!p2 s4, s22;
	s3 =	simm.s32 @p3 $0xFF90;
	s2 =	smul.u32 @!p2 $0x3, s2  }
0x3a: {  	s3 =	ssub.s32 @!p2 s3, s4  }
0x3b: {  	s3 =	sadd.s32 @!p2 $0xFFFF0070, s3;
	s2 =	ssub.s32 @!p2 s23, s2  }
0x3c: {  	s4 =	sshll.u32 @!p2 s3, $0x2;
	p3 =	sgt.s32 @!p2 s3, $0x6F;
	s2 =	smul.u32 @!p2 $0x1C0, s2  }
0x3d: {  	s5 =	sand.u32 @!p2 $0x7, s22;
	s3 =	ssub.s32 @!p2 $0x1C0, s4;
	p3 =	por !p3, p2  }
0x3e: {  	s4 =	sshrl.u32 @!p2 s22, $0x3;
	s3 =	sshrl.u32 @!p2 s3, $0x2;
	s2 =	sshrl.u32 @!p2 s2, $0x2  }
0x3f: {  	s4 =	sadd.s32 @!p2 s4, s14;
	s3 =	simm.s32 @!p3 $0x0;
	s2 =	sadd.s32 @!p2 $0x10448, s2  }
0x40: {  	[tilespmem:s2], [sflag:$0xA] =	stream.linear.gather @!p2 [hbm4b:s4+s5], s3, $0x38;
	[tilespmem:$0x1E678] =	vst v63  }
0x41: {  	s2 =	sadd.s32 $0xFFFFFFFF, s23  }
0x42: {  	p2 =	sge.u32 s2, s13  }
0x43: {  	p3 =	sgt.s32 @!p2 s21, $0xFF90  }
0x44: {  	s3 =	smov.u32 s21;
	s4 =	sshra.s32 @!p2 s21, $0x1F;
	p3 =	por !p3, p2  }
0x45: {  	s4 =	sand.u32 @!p2 s4, s21;
	s3 =	simm.s32 @p3 $0xFF90  }
0x46: {  	s3 =	ssub.s32 @!p2 s3, s4  }
0x47: {  	s3 =	sadd.s32 @!p2 $0xFFFF0070, s3  }
0x48: {  	s4 =	sshll.u32 @!p2 s3, $0x2  }
0x49: {  	p3 =	sgt.s32 @!p2 s3, $0x6F;
	s3 =	ssub.s32 @!p2 $0x1C0, s4  }
0x4a: {  	p3 =	por !p3, p2;
	s3 =	sshrl.u32 @!p2 s3, $0x2  }
0x4b: {  	s5 =	simm.s32 @!p2 $0xA;
	s4 =	sand.u32 @!p2 $0x1, s2;
	s3 =	simm.s32 @!p3 $0x0  }
0x4c: {  	s4 =	smul.u32 @!p2 $0x1C0, s4;
	_ =	swait.ge @!p2 [sflag:s5], s3  }
0x4d: {  	s9 =	ssub.s32 @!p2 $0x0, s3;
	[sflag:s5] =	ssyncset.done @!p2 $0x0  }
0x4e: {  	s4 =	sshrl.u32 @!p2 s4, $0x2;
	[sflag:s5] =	ssyncadd.s32 @!p2 s9;
	s5 =	sshrl.u32 @!p2 s21, $0x3  }
0x4f: {  	s4 =	sadd.s32 @!p2 $0x10598, s4;
	s9 =	sand.u32 @!p2 $0x7, s21;
	s5 =	sadd.s32 @!p2 s5, s15  }
0x50: {  	[tilespmem:s4], [sflag:$0xB] =	stream.linear.gather @!p2 [hbm4b:s5+s9], s3, $0x38;
	[tilespmem:$0x1E678] =	vst v63  }
0x51: {  	s4 =	ssub.s32 @!p2 $0x10000, s21  }
0x52: {  	p3 =	slt.s32 @!p2 s4, $0x1  }
0x53: {  	p3 =	por p2, p3  }
.Ltmp3:
0x54: {  	_ = 	snop;
	(pc) =	sbr.rel @p3 .LBB2_9-.Ltmp3, $1  }
0x55: {  	_ =	sdelay $0x3  }
0x56: {  	s3 =	smulhi.u32 $0xAAAAAAAB, s2;
	_ =	sdelay $0x1  }
0x57: {  	s3 =	sshrl.u32 s3, $0x1  }
0x58: {  	s3 =	smul.u32 $0x3, s3;
	_ =	sdelay $0x1  }
0x59: {  	s30 =	ssub.s32 s2, s3  }
0x5a: {  	s5 =	simm.s32 $0x1;
	s2 =	smul.u32 $0x1C0, s30  }
.Ltmp4:
0x5b: {  	s5 =	simm.s32 @!p0 $0x0;
	(pc) =	sbr.rel .LBB2_6-.Ltmp4, $4  }
0x5c: {  	s31 =	smul.u32 $0x1C000, s5  }
0x5d: {  	p3 =	slt.s32 @!p2 s4, $0x70;
	s2 =	sshrl.u32 s2, $0x2  }
0x5e: {  	p2 =	por !p3, p2;
	s3 =	sshrl.u32 s31, $0x2;
	s9 =	sadd.s32 $0x10448, s2  }
0x5f: {  	s4 =	simm.s32 @p2 $0x70;
	s5 =	sor.u32 $0x10678, s3;
	s2 =	simm.s32 $0x0;
	v1 =	vmov s9  }
.LBB2_5:
0x60: {  	p2 =	sge.s32 s2, s4  }
.Ltmp5:
0x61: {  	_ = 	snop;
	(pc) =	sbr.rel @p2 .LBB2_9-.Ltmp5, $2  }
0x62: {  	_ =	sdelay $0x2  }
0x63: {  	s5 =	sadd.s32 $0x1000, s5  }
.LBB2_6:
0x64: {  	p2 =	sle.s32 s4, s2  }
.Ltmp6:
0x65: {  	_ = 	snop;
	(pc) =	sbr.rel @p2 .LBB2_5-.Ltmp6, $2  }
0x66: {  	_ =	sdelay $0x2  }
0x67: {  	s24 =	smov.u32 s2;
	s2 =	sadd.s32 $0x10, s2  }
0x68: {  	s3 =	ssub.s32 s4, s24  }
0x69: {  	p2 =	slt.s32 s3, $0x10  }
0x6a: {  	s3 =	simm.s32 @!p2 $0x10  }
0x6b: {  	v2 =	vmov s3  }
0x6c: {  	vm0 =	vgt.s32 v2, v0;
	_ =	sdelay $0x5  }
0x6d: {  	v2 =	vld.idx.msk [tilespmem:v1+s24+$0x0 ss:$0x1], vm0;
	_ =	sdelay $0x2  }
0x6e: {  	p2 =	slt.s32 s2, s4;
	s3 =	smov.u32 s4  }
0x6f: {  	s9 =	smov.u32 s5;
	s25 =	simm.s32 $0x0;
	s3 =	smov.u32 @p2 s2  }
.LBB2_8:
0x70: {  	(v2sf) =	vpush v2, s25;
	_ =	sdelay $0xe  }
0x71: {  	s25 =	sadd.s32 $0x1, s25;
	s10 =	spop (v2sf)  }
0x72: {  	s31 =	sadd.s32 s25, s24;
	s26 =	sshll.u32 s10, $0x8;
	s10 =	sshll.u32 s10, $0x7  }
0x73: {  	p2 =	slt.s32 s31, s3;
	s26 =	sand.u32 $0xFFFFF800, s26;
	s10 =	sand.u32 $0x380, s10  }
.Ltmp7:
0x74: {  	s10 =	sor.u32 s10, s26;
	(pc) =	sbr.rel @p2 .LBB2_8-.Ltmp7, $4  }
0x75: {  	s10 =	sshrl.u32 s10, $0x3  }
0x76: {  	s10 =	sadd.s32 s6, s10  }
0x77: {  	[tilespmem:s9], [sflag:$0x9] =	stream.strided.gather [hbm4b:s10+s18], $0x100, s19, s18, $0x38;
	[tilespmem:$0x1E678] =	vst v63  }
0x78: {  	s9 =	sadd.s32 $0x100, s9  }
.Ltmp8:
0x79: {  	_ = 	snop;
	(pc) =	sbr.rel .LBB2_5-.Ltmp8, $1  }
0x7a: {  	_ =	sdelay $0x3  }
.LBB2_9:
0x7b: {  	p2 =	slt.u32 s23, $0x2  }
.Ltmp9:
0x7c: {  	_ = 	snop;
	(pc) =	sbr.rel @p2 .LBB2_27-.Ltmp9, $1  }
0x7d: {  	_ =	sdelay $0x3  }
0x7e: {  	p2 =	sgt.s32 s0, $0xFF90  }
0x7f: {  	s2 =	smov.u32 s0;
	s3 =	sshra.s32 s0, $0x1F;
	s4 =	ssub.s32 $0x10000, s0  }
0x80: {  	s2 =	simm.s32 @!p2 $0xFF90;
	s3 =	sand.u32 s3, s0;
	p2 =	slt.s32 s4, $0x70  }
0x81: {  	s2 =	ssub.s32 s2, s3;
	s4 =	simm.s32 @!p2 $0x70  }
0x82: {  	s2 =	sadd.s32 $0xFFFF0070, s2;
	s24 =	sshll.u32 s4, $0x8  }
0x83: {  	s29 =	simm.s32 $0x9;
	s25 =	sshll.u32 s2, $0x2;
	s3 =	sand.u32 $0x3FFFFF00, s24  }
0x84: {  	p2 =	sgt.s32 s2, $0x6F;
	s26 =	ssub.s32 $0x1C0, s25;
	_ =	swait.ge [sflag:s29], s3  }
0x85: {  	s3 =	ssub.s32 $0x0, s3;
	[sflag:s29] =	ssyncset.done $0x0;
	s2 =	sshrl.u32 s26, $0x2  }
0x86: {  	s30 =	simm.s32 $0xB;
	[sflag:s29] =	ssyncadd.s32 s3;
	s2 =	simm.s32 @p2 $0x0  }
0x87: {  	_ =	swait.ge [sflag:s30], s2  }
0x88: {  	s2 =	ssub.s32 $0x0, s2;
	[sflag:s30] =	ssyncset.done $0x0  }
0x89: {  	[sflag:s30] =	ssyncadd.s32 s2  }
0x8a: {  	v1 =	vld [tilespmem:$0xE408];
	_ =	sdelay $0x4  }
0x8b: {  	(v2sf) =	vpush v1, $0x0  }
0x8c: {  	(v2sf) =	vpush v1, $0x1  }
0x8d: {  	(v2sf) =	vpush v1, $0x2;
	_ =	sdelay $0x3  }
0x8e: {  	s2 =	sadd.s32 $0x70, s0  }
0x8f: {  	s3 =	ssub.s32 $0x20000, s0;
	p2 =	slt.s32 s8, s2  }
0x90: {  	s2 =	smov.u32 @p2 s8;
	p2 =	sgt.s32 s3, $0x0  }
0x91: {  	s0 =	ssub.s32 s2, s0;
	s3 =	simm.s32 @!p2 $0x0  }
0x92: {  	p2 =	slt.s32 s3, s0  }
0x93: {  	s0 =	smov.u32 @p2 s3  }
0x94: {  	s4 =	simm.s32 $0x1;
	p2 =	slt.s32 s0, $0x1  }
.Ltmp10:
0x95: {  	s4 =	simm.s32 @!p1 $0x0;
	(pc) =	sbr.rel @p2 .LBB2_14-.Ltmp10, $4  }
0x96: {  	s31 =	smul.u32 $0x1C0, s4  }
0x97: {  	s5 =	spop (v2sf)  }
0x98: {  	s2 =	sshrl.u32 s31, $0x2;
	s28 =	spop (v2sf)  }
0x99: {  	s25 =	sadd.s32 $0x10598, s2;
	s24 =	spop (v2sf)  }
0x9a: {  	s2 =	smin.u32 s0, $0x10  }
0x9b: {  	v1 =	vmov s2  }
0x9c: {  	vm1 =	vgt.u32 v1, v0  }
0x9d: {  	p3 =	sgt.s32 s0, $0x10  }
.Ltmp11:
0x9e: {  	_ = 	snop;
	(pc) =	sbr.rel @!p3 .LBB2_13-.Ltmp11, $2  }
0x9f: {  	_ =	sdelay $0x2  }
0xa0: {  	s26 =	simm.s32 $0x10;
	s29 =	sadd.s32 $0xFFFFFFF0, s0;
	s2 =	smov.u32 s25;
	vm0 =	vmmov vm1;
	v1 =	vld.msk [tilespmem:s25+$0x0 ss:$0x1], vm1  }
.LBB2_12:
0xa1: {  	s3 =	smin.u32 s29, $0x10;
	s26 =	sadd.s32 $0x10, s26  }
0xa2: {  	v2 =	vmov s3;
	p3 =	slt.s32 s26, s0  }
0xa3: {  	vm1 =	vgt.u32 v2, v0;
	_ =	sdelay $0x1  }
0xa4: {  	v2 =	vshll.u32 v1, $0x5;
	v1 =	vshll.u32 v1, $0x4  }
.Ltmp12:
0xa5: {  	v2 =	vand.u32 $0xFFFFFF00, v2;
	v1 =	vand.u32 $0x70, v1;
	(pc) =	sbr.rel @p3 .LBB2_12-.Ltmp12, $4  }
0xa6: {  	v1 =	vor.u32 v1, v2  }
0xa7: {  	[tilespmem:s2+$0x0] =	vst.msk vm0, v1;
	s2 =	sadd.s32 $0x10, s2;
	vm0 =	vmmov vm1  }
0xa8: {  	v1 =	vld.msk [tilespmem:s2+$0x0 ss:$0x1], vm1  }
0xa9: {  	s29 =	sadd.s32 $0xFFFFFFF0, s29  }
.LBB2_13:
0xaa: {  	_ =	sdelay $0x3  }
0xab: {  	v2 =	vshll.u32 v1, $0x5;
	v1 =	vshll.u32 v1, $0x4  }
0xac: {  	v2 =	vand.u32 $0xFFFFFF00, v2;
	v1 =	vand.u32 $0x70, v1  }
0xad: {  	v1 =	vor.u32 v1, v2  }
0xae: {  	[tilespmem:s2+$0x0] =	vst.msk vm0, v1  }
.LBB2_14:
0xaf: {  	s2 =	sand.u32 $0x1, s23  }
0xb0: {  	s3 =	smul.u32 $0x7000, s2  }
0xb1: {  	p3 =	sne.s32 s28, $0xFFFFFFFF  }
0xb2: {  	v1 =	vld @!p3 [tilespmem:s3+$0x10678];
	_ =	sdelay $0x2  }
0xb3: {  	s2 =	smul.u32 $0x70, s2;
	_ =	sdelay $0x1  }
0xb4: {  	v2 =	vld.msk @!p3 [tilespmem:s2+$0x10598], $0x1;
	[tilespmem:$0x208] =	vst @!p3 v1  }
0xb5: {  	v1 =	vld @!p3 [tilespmem:s3+$0x10688];
	_ =	sdelay $0x4  }
0xb6: {  	[tilespmem:$0x218] =	vst @!p3 v1  }
0xb7: {  	v1 =	vld @!p3 [tilespmem:s3+$0x10698];
	_ =	sdelay $0x4  }
0xb8: {  	[tilespmem:$0x228] =	vst @!p3 v1  }
0xb9: {  	v1 =	vld @!p3 [tilespmem:s3+$0x106A8];
	_ =	sdelay $0x4  }
0xba: {  	[tilespmem:$0x238] =	vst @!p3 v1  }
0xbb: {  	v1 =	vld @!p3 [tilespmem:s3+$0x106B8];
	_ =	sdelay $0x4  }
0xbc: {  	[tilespmem:$0x248] =	vst @!p3 v1  }
0xbd: {  	v1 =	vld @!p3 [tilespmem:s3+$0x106C8];
	_ =	sdelay $0x4  }
0xbe: {  	[tilespmem:$0x258] =	vst @!p3 v1  }
0xbf: {  	v1 =	vld @!p3 [tilespmem:s3+$0x106D8];
	_ =	sdelay $0x4  }
0xc0: {  	[tilespmem:$0x268] =	vst @!p3 v1  }
0xc1: {  	v1 =	vld @!p3 [tilespmem:s3+$0x106E8];
	_ =	sdelay $0x4  }
0xc2: {  	[tilespmem:$0x278] =	vst @!p3 v1  }
0xc3: {  	v1 =	vld @!p3 [tilespmem:s3+$0x106F8];
	_ =	sdelay $0x4  }
0xc4: {  	[tilespmem:$0x288] =	vst @!p3 v1  }
0xc5: {  	v1 =	vld @!p3 [tilespmem:s3+$0x10708];
	_ =	sdelay $0x4  }
0xc6: {  	[tilespmem:$0x298] =	vst @!p3 v1  }
0xc7: {  	v1 =	vld @!p3 [tilespmem:s3+$0x10718];
	_ =	sdelay $0x4  }
0xc8: {  	[tilespmem:$0x2A8] =	vst @!p3 v1  }
0xc9: {  	v1 =	vld @!p3 [tilespmem:s3+$0x10728];
	_ =	sdelay $0x4  }
0xca: {  	[tilespmem:$0x2B8] =	vst @!p3 v1  }
0xcb: {  	v1 =	vld @!p3 [tilespmem:s3+$0x10738];
	_ =	sdelay $0x4  }
0xcc: {  	[tilespmem:$0x2C8] =	vst @!p3 v1  }
0xcd: {  	(v2sf) =	vpush @!p3 v2, $0x0;
	v1 =	vld @!p3 [tilespmem:s3+$0x10748];
	_ =	sdelay $0x4  }
0xce: {  	[tilespmem:$0x2D8] =	vst @!p3 v1  }
0xcf: {  	v1 =	vld @!p3 [tilespmem:s3+$0x10758];
	_ =	sdelay $0x4  }
0xd0: {  	[tilespmem:$0x2E8] =	vst @!p3 v1  }
0xd1: {  	v1 =	vld @!p3 [tilespmem:s3+$0x10768]  }
.Ltmp13:
0xd2: {  	_ = 	snop;
	(pc) =	sbr.rel @p2 .LBB2_25-.Ltmp13, $4  }
0xd3: {  	_ = 	snop  }
0xd4: {  	s31 =	spop @!p3 (v2sf)  }
0xd5: {  	s24 =	simm.s32 @!p3 $0x0;
	s26 =	smov.u32 s31  }
0xd6: {  	s31 =	smov.u32 @p3 s5;
	s26 =	smov.u32 @p3 s28;
	[tilespmem:$0x2F8] =	vst @!p3 v1;
	[sflag:s17] =	ssyncpa.u1 $0x0  }
0xd7: {  	v1 =	vld.msk [tilespmem:s25+$0x0], $0x1;
	_ =	sdelay $0x4  }
0xd8: {  	(v2sf) =	vpush v1, $0x0;
	_ =	sdelay $0xe  }
0xd9: {  	s7 =	smov.u32 s11;
	s5 =	spop (v2sf)  }
0xda: {  	s17 =	smov.u32 s15;
	s2 =	smul.u32 $0x1C000, s4;
	p2 =	seq.s32 s31, s5  }
0xdb: {  	s3 =	smov.u32 s31;
	s29 =	ssub.s32 $0x0, s0;
	p3 =	sgt.s32 @!p2 s31, $0x0  }
0xdc: {  	s30 =	simm.s32 $0x0;
	s2 =	sshrl.u32 s2, $0x2;
	p3 =	por !p3, p2  }
0xdd: {  	s0 =	sadd.s32 $0x1, s29;
	s28 =	sor.u32 $0x106F8, s2;
	s3 =	simm.s32 @p3 $0x0  }
0xde: {  	s2 =	simm.s32 @!p2 $0x1;
	p3 =	seq.s32 s0, $0x0;
	s3 =	smin.u32 @!p2 s3, $0x3FF70  }
.Ltmp14:
0xdf: {  	s4 =	simm.s32 @!p2 $0x7308;
	s9 =	sand.u32 @!p2 $0x3FFF8, s3;
	(pc) =	sbr.rel @p3 .LBB2_17-.Ltmp14, $4  }
0xe0: {  	s10 =	sadd.s32 @!p2 $0x80, s3;
	s11 =	sadd.s32 @!p2 s1, s9;
	s9 =	sand.u32 @!p2 $0x7, s3  }
0xe1: {  	[tilespmem:s4], [sflag:$0x2] =	stream.linear.gather @!p2 [hbm4b:s11+s9], $0x80, $0x38;
	[tilespmem:$0x1E678] =	vst v63  }
0xe2: {  	s15 =	smov.u32 s14;
	s2 =	smov.u32 @p2 s30;
	s4 =	sand.u32 @!p2 $0x7FFF8, s10  }
0xe3: {  	s3 =	simm.s32 @!p2 $0x7388;
	s10 =	sadd.s32 @!p2 s1, s4;
	s4 =	sadd.s32 $0x1, s25  }
.LBB2_16:
0xe4: {  	s11 =	smov.u32 s2  }
0xe5: {  	[tilespmem:s3], [sflag:$0x2] =	stream.linear.gather @!p2 [hbm4b:s10+s9], $0x80, $0x38;
	[tilespmem:$0x1E678] =	vst v63  }
0xe6: {  	s0 =	sadd.s32 $0x1, s0;
	s9 =	smov.u32 s5;
	v1 =	vld.msk [tilespmem:s4+$0x0], $0x1  }
0xe7: {  	p3 =	seq.s32 s0, $0x0;
	_ =	sdelay $0x3  }
0xe8: {  	(v2sf) =	vpush v1, $0x0;
	_ =	sdelay $0xe  }
0xe9: {  	s5 =	spop (v2sf)  }
0xea: {  	p2 =	seq.s32 s9, s5  }
0xeb: {  	p4 =	sgt.s32 @!p2 s9, $0x0;
	s3 =	sshll.u32 @!p2 s2, $0xA;
	s2 =	sadd.s32 @!p2 $0x1, s2  }
0xec: {  	p4 =	por !p4, p2;
	s3 =	sshra.s32 @!p2 s3, $0x2;
	s2 =	smov.u32 @p2 s11  }
0xed: {  	s9 =	simm.s32 @p4 $0x0;
	s10 =	sadd.s32 @!p2 $0x7308, s3;
	s3 =	sadd.s32 @!p2 $0x7388, s3  }
.Ltmp15:
0xee: {  	s9 =	smin.u32 @!p2 s9, $0x3FF70;
	(pc) =	sbr.rel @!p3 .LBB2_16-.Ltmp15, $4  }
0xef: {  	s11 =	sand.u32 @!p2 $0x3FFF8, s9;
	s14 =	sadd.s32 @!p2 $0x80, s9  }
0xf0: {  	s9 =	sand.u32 @!p2 $0x7, s9;
	s11 =	sadd.s32 @!p2 s1, s11;
	s14 =	sand.u32 @!p2 $0x7FFF8, s14  }
0xf1: {  	[tilespmem:s10], [sflag:$0x2] =	stream.linear.gather @!p2 [hbm4b:s11+s9], $0x80, $0x38;
	[tilespmem:$0x1E678] =	vst v63  }
0xf2: {  	s4 =	sadd.s32 $0x1, s4;
	s10 =	sadd.s32 @!p2 s1, s14  }
.LBB2_17:
0xf3: {  	[tilespmem:s3], [sflag:$0x2] =	stream.linear.gather @!p2 [hbm4b:s10+s9], $0x80, $0x38;
	[tilespmem:$0x1E678] =	vst v63  }
0xf4: {  	s0 =	sshll.u32 s2, $0x8  }
.Ltmp16:
0xf5: {  	s14 =	simm.s32 $0x2;
	s0 =	sand.u32 $0x3FFFFF00, s0;
	(pc) =	sbr.rel .LBB2_18-.Ltmp16, $4  }
0xf6: {  	_ =	swait.ge [sflag:s14], s0  }
0xf7: {  	s0 =	ssub.s32 $0x0, s0;
	[sflag:s14] =	ssyncset.done $0x0  }
0xf8: {  	s11 =	smov.u32 s7;
	[sflag:s14] =	ssyncadd.s32 s0;
	s0 =	simm.s32 $0x0  }
0xf9: {  	s14 =	smov.u32 s15;
	s15 =	smov.u32 s17;
	s17 =	simm.s32 $0xC  }
.LBB2_19:
0xfa: {  	v1 =	vld [tilespmem:s28+$0xFFFFFF80]  }
0xfb: {  	v2 =	vld [tilespmem:s5+$0x208];
	_ =	sdelay $0x4  }
0xfc: {  	v1 =	vmax.f32 v1, v2  }
0xfd: {  	v2 =	vld [tilespmem:s5+$0x218];
	[tilespmem:s5+$0x208] =	vst v1  }
0xfe: {  	v1 =	vld [tilespmem:s28+$0xFFFFFF90];
	_ =	sdelay $0x4  }
0xff: {  	v1 =	vmax.f32 v1, v2  }
0x100: {  	v2 =	vld [tilespmem:s5+$0x228];
	[tilespmem:s5+$0x218] =	vst v1  }
0x101: {  	v1 =	vld [tilespmem:s28+$0xFFFFFFA0];
	_ =	sdelay $0x4  }
0x102: {  	v1 =	vmax.f32 v1, v2  }
0x103: {  	v2 =	vld [tilespmem:s5+$0x238];
	[tilespmem:s5+$0x228] =	vst v1  }
0x104: {  	v1 =	vld [tilespmem:s28+$0xFFFFFFB0];
	_ =	sdelay $0x4  }
0x105: {  	v1 =	vmax.f32 v1, v2  }
0x106: {  	v2 =	vld [tilespmem:s5+$0x248];
	[tilespmem:s5+$0x238] =	vst v1  }
0x107: {  	v1 =	vld [tilespmem:s28+$0xFFFFFFC0];
	_ =	sdelay $0x4  }
0x108: {  	v1 =	vmax.f32 v1, v2  }
0x109: {  	v2 =	vld [tilespmem:s5+$0x258];
	[tilespmem:s5+$0x248] =	vst v1  }
0x10a: {  	v1 =	vld [tilespmem:s28+$0xFFFFFFD0];
	_ =	sdelay $0x4  }
0x10b: {  	v1 =	vmax.f32 v1, v2  }
0x10c: {  	v2 =	vld [tilespmem:s5+$0x268];
	[tilespmem:s5+$0x258] =	vst v1  }
0x10d: {  	v1 =	vld [tilespmem:s28+$0xFFFFFFE0];
	_ =	sdelay $0x4  }
0x10e: {  	v1 =	vmax.f32 v1, v2  }
0x10f: {  	v2 =	vld [tilespmem:s5+$0x278];
	[tilespmem:s5+$0x268] =	vst v1  }
0x110: {  	v1 =	vld [tilespmem:s28+$0xFFFFFFF0];
	_ =	sdelay $0x4  }
0x111: {  	v1 =	vmax.f32 v1, v2  }
0x112: {  	v2 =	vld [tilespmem:s5+$0x288];
	[tilespmem:s5+$0x278] =	vst v1  }
0x113: {  	v1 =	vld [tilespmem:s28+$0x0];
	_ =	sdelay $0x4  }
0x114: {  	v1 =	vmax.f32 v1, v2  }
0x115: {  	v2 =	vld [tilespmem:s5+$0x298];
	[tilespmem:s5+$0x288] =	vst v1  }
0x116: {  	v1 =	vld [tilespmem:s28+$0x10];
	_ =	sdelay $0x4  }
0x117: {  	v1 =	vmax.f32 v1, v2  }
0x118: {  	v2 =	vld [tilespmem:s5+$0x2A8];
	[tilespmem:s5+$0x298] =	vst v1  }
0x119: {  	v1 =	vld [tilespmem:s28+$0x20];
	_ =	sdelay $0x4  }
0x11a: {  	v1 =	vmax.f32 v1, v2  }
0x11b: {  	v2 =	vld [tilespmem:s5+$0x2B8];
	[tilespmem:s5+$0x2A8] =	vst v1  }
0x11c: {  	v1 =	vld [tilespmem:s28+$0x30];
	_ =	sdelay $0x4  }
0x11d: {  	v1 =	vmax.f32 v1, v2  }
0x11e: {  	v2 =	vld [tilespmem:s5+$0x2C8];
	[tilespmem:s5+$0x2B8] =	vst v1  }
0x11f: {  	v1 =	vld [tilespmem:s28+$0x40];
	_ =	sdelay $0x4  }
0x120: {  	v1 =	vmax.f32 v1, v2  }
0x121: {  	v2 =	vld [tilespmem:s5+$0x2D8];
	[tilespmem:s5+$0x2C8] =	vst v1  }
0x122: {  	v1 =	vld [tilespmem:s28+$0x50];
	_ =	sdelay $0x4  }
0x123: {  	v1 =	vmax.f32 v1, v2  }
0x124: {  	v2 =	vld [tilespmem:s5+$0x2E8];
	[tilespmem:s5+$0x2D8] =	vst v1  }
0x125: {  	v1 =	vld [tilespmem:s28+$0x60];
	_ =	sdelay $0x4  }
0x126: {  	v1 =	vmax.f32 v1, v2  }
0x127: {  	v2 =	vld [tilespmem:s5+$0x2F8];
	[tilespmem:s5+$0x2E8] =	vst v1  }
0x128: {  	v1 =	vld [tilespmem:s28+$0x70];
	_ =	sdelay $0x4  }
0x129: {  	v1 =	vmax.f32 v1, v2  }
0x12a: {  	[tilespmem:s5+$0x2F8] =	vst v1  }
.LBB2_23:
0x12b: {  	s29 =	sadd.s32 $0x1, s29  }
0x12c: {  	p2 =	seq.s32 s29, $0x0  }
.Ltmp17:
0x12d: {  	_ = 	snop;
	(pc) =	sbr.rel @p2 .LBB2_24-.Ltmp17, $2  }
0x12e: {  	_ =	sdelay $0x2  }
0x12f: {  	s25 =	sadd.s32 $0x1, s25;
	s28 =	sadd.s32 $0x100, s28;
	s31 =	smov.u32 s4  }
.LBB2_18:
0x130: {  	v1 =	vld.msk [tilespmem:s25+$0x0], $0x1;
	_ =	sdelay $0x4  }
0x131: {  	(v2sf) =	vpush v1, $0x0;
	_ =	sdelay $0xe  }
0x132: {  	s4 =	spop (v2sf)  }
0x133: {  	p2 =	sne.s32 s31, s4  }
.Ltmp18:
0x134: {  	_ = 	snop;
	(pc) =	sbr.rel @!p2 .LBB2_19-.Ltmp18, $3  }
0x135: {  	_ =	sdelay $0x1  }
0x136: {  	s2 =	sshll.u32 s24, $0xA  }
0x137: {  	s5 =	sshra.s32 s2, $0x2  }
0x138: {  	p2 =	seq.s32 s31, s26  }
.Ltmp19:
0x139: {  	_ = 	snop;
	(pc) =	sbr.rel @!p2 .LBB2_21-.Ltmp19, $1  }
0x13a: {  	_ =	sdelay $0x3  }
.Ltmp20:
0x13b: {  	s2 =	sadd.s32 $0x208, s5;
	(pc) =	sbr.rel .LBB2_22-.Ltmp20, $4  }
0x13c: {  	[spmem:s16] =	stream.linear.scatter [tilespmem:s2], [sflag:$0x1], $0x100, $0x38;
	[tilespmem:$0x1E678] =	vst v63  }
0x13d: {  	_ =	swait.ge [sflag:s12], $0x100  }
0x13e: {  	[sflag:s12] =	ssyncset.done $0x0  }
0x13f: {  	[sflag:s12] =	ssyncadd.s32 $0xFFFFFF00  }
.LBB2_21:
0x140: {  	s2 =	sshll.u32 s30, $0xA  }
0x141: {  	v2 =	vld [tilespmem:s5+$0x208];
	s2 =	sshra.s32 s2, $0x2  }
0x142: {  	v1 =	vld [tilespmem:s2+$0x7308];
	_ =	sdelay $0x4  }
0x143: {  	v1 =	vmax.f32 v1, v2  }
0x144: {  	v2 =	vld [tilespmem:s5+$0x218];
	[tilespmem:s5+$0x208] =	vst v1  }
0x145: {  	v1 =	vld [tilespmem:s2+$0x7318];
	_ =	sdelay $0x4  }
0x146: {  	v1 =	vmax.f32 v1, v2  }
0x147: {  	v2 =	vld [tilespmem:s5+$0x228];
	[tilespmem:s5+$0x218] =	vst v1  }
0x148: {  	v1 =	vld [tilespmem:s2+$0x7328];
	_ =	sdelay $0x4  }
0x149: {  	v1 =	vmax.f32 v1, v2  }
0x14a: {  	v2 =	vld [tilespmem:s5+$0x238];
	[tilespmem:s5+$0x228] =	vst v1  }
0x14b: {  	v1 =	vld [tilespmem:s2+$0x7338];
	_ =	sdelay $0x4  }
0x14c: {  	v1 =	vmax.f32 v1, v2  }
0x14d: {  	v2 =	vld [tilespmem:s5+$0x248];
	[tilespmem:s5+$0x238] =	vst v1  }
0x14e: {  	v1 =	vld [tilespmem:s2+$0x7348];
	_ =	sdelay $0x4  }
0x14f: {  	v1 =	vmax.f32 v1, v2  }
0x150: {  	v2 =	vld [tilespmem:s5+$0x258];
	[tilespmem:s5+$0x248] =	vst v1  }
0x151: {  	v1 =	vld [tilespmem:s2+$0x7358];
	_ =	sdelay $0x4  }
0x152: {  	v1 =	vmax.f32 v1, v2  }
0x153: {  	v2 =	vld [tilespmem:s5+$0x268];
	[tilespmem:s5+$0x258] =	vst v1  }
0x154: {  	v1 =	vld [tilespmem:s2+$0x7368];
	_ =	sdelay $0x4  }
0x155: {  	v1 =	vmax.f32 v1, v2  }
0x156: {  	v2 =	vld [tilespmem:s5+$0x278];
	[tilespmem:s5+$0x268] =	vst v1  }
0x157: {  	v1 =	vld [tilespmem:s2+$0x7378];
	_ =	sdelay $0x4  }
0x158: {  	v1 =	vmax.f32 v1, v2  }
0x159: {  	v2 =	vld [tilespmem:s5+$0x288];
	[tilespmem:s5+$0x278] =	vst v1  }
0x15a: {  	v1 =	vld [tilespmem:s2+$0x7388];
	_ =	sdelay $0x4  }
0x15b: {  	v1 =	vmax.f32 v1, v2  }
0x15c: {  	v2 =	vld [tilespmem:s5+$0x298];
	[tilespmem:s5+$0x288] =	vst v1  }
0x15d: {  	v1 =	vld [tilespmem:s2+$0x7398];
	_ =	sdelay $0x4  }
0x15e: {  	v1 =	vmax.f32 v1, v2  }
0x15f: {  	v2 =	vld [tilespmem:s5+$0x2A8];
	[tilespmem:s5+$0x298] =	vst v1  }
0x160: {  	v1 =	vld [tilespmem:s2+$0x73A8];
	_ =	sdelay $0x4  }
0x161: {  	v1 =	vmax.f32 v1, v2  }
0x162: {  	v2 =	vld [tilespmem:s5+$0x2B8];
	[tilespmem:s5+$0x2A8] =	vst v1  }
0x163: {  	v1 =	vld [tilespmem:s2+$0x73B8];
	_ =	sdelay $0x4  }
0x164: {  	v1 =	vmax.f32 v1, v2  }
0x165: {  	v2 =	vld [tilespmem:s5+$0x2C8];
	[tilespmem:s5+$0x2B8] =	vst v1  }
0x166: {  	v1 =	vld [tilespmem:s2+$0x73C8];
	_ =	sdelay $0x4  }
0x167: {  	v1 =	vmax.f32 v1, v2  }
0x168: {  	v2 =	vld [tilespmem:s5+$0x2D8];
	[tilespmem:s5+$0x2C8] =	vst v1  }
0x169: {  	v1 =	vld [tilespmem:s2+$0x73D8];
	_ =	sdelay $0x4  }
0x16a: {  	v1 =	vmax.f32 v1, v2  }
0x16b: {  	v2 =	vld [tilespmem:s5+$0x2E8];
	[tilespmem:s5+$0x2D8] =	vst v1  }
0x16c: {  	v1 =	vld [tilespmem:s2+$0x73E8];
	_ =	sdelay $0x4  }
0x16d: {  	v1 =	vmax.f32 v1, v2  }
0x16e: {  	v2 =	vld [tilespmem:s5+$0x2F8];
	[tilespmem:s5+$0x2E8] =	vst v1  }
0x16f: {  	v1 =	vld [tilespmem:s2+$0x73F8];
	_ =	sdelay $0x3  }
0x170: {  	p2 =	sgt.u32 s31, $0x3FF70  }
0x171: {  	s2 =	sand.u32 @!p2 $0x3FFF8, s31;
	v1 =	vmax.f32 v1, v2  }
0x172: {  	s3 =	sadd.s32 $0x208, s5;
	s9 =	sand.u32 @!p2 $0x7, s31;
	s2 =	sadd.s32 @!p2 s1, s2;
	[tilespmem:s5+$0x2F8] =	vst v1  }
0x173: {  	[hbm4b:s2+s9] =	stream.linear.scatter @!p2 [tilespmem:s3], [sflag:$0xC], $0x80, $0x38;
	[tilespmem:$0x1E678] =	vst v63  }
0x174: {  	s2 =	sadd.s32 @!p2 $0x80, s31  }
0x175: {  	s2 =	sand.u32 @!p2 $0x7FFF8, s2  }
0x176: {  	s3 =	sadd.s32 $0x288, s5;
	s2 =	sadd.s32 @!p2 s1, s2  }
0x177: {  	[hbm4b:s2+s9] =	stream.linear.scatter @!p2 [tilespmem:s3], [sflag:$0xC], $0x80, $0x38;
	[tilespmem:$0x1E678] =	vst v63  }
0x178: {  	s2 =	simm.s32 $0x0  }
0x179: {  	s2 =	simm.s32 @!p2 $0x400  }
0x17a: {  	s0 =	sadd.s32 s2, s0  }
.LBB2_22:
0x17b: {  	s2 =	sadd.s32 $0x1, s24  }
0x17c: {  	s3 =	sshrl.u32 s2, $0x4  }
0x17d: {  	s3 =	smulhi.u32 $0x24924925, s3  }
0x17e: {  	v1 =	vld [tilespmem:s28+$0xFFFFFF80]  }
0x17f: {  	s3 =	smul.u32 $0x70, s3;
	_ =	sdelay $0x1  }
0x180: {  	s24 =	ssub.s32 s2, s3  }
0x181: {  	s2 =	sshll.u32 s24, $0x8  }
0x182: {  	[tilespmem:s2+$0x208] =	vst v1  }
0x183: {  	v1 =	vld [tilespmem:s28+$0xFFFFFF90];
	_ =	sdelay $0x4  }
0x184: {  	[tilespmem:s2+$0x218] =	vst v1  }
0x185: {  	v1 =	vld [tilespmem:s28+$0xFFFFFFA0];
	_ =	sdelay $0x4  }
0x186: {  	[tilespmem:s2+$0x228] =	vst v1  }
0x187: {  	v1 =	vld [tilespmem:s28+$0xFFFFFFB0];
	_ =	sdelay $0x4  }
0x188: {  	[tilespmem:s2+$0x238] =	vst v1  }
0x189: {  	v1 =	vld [tilespmem:s28+$0xFFFFFFC0];
	_ =	sdelay $0x4  }
0x18a: {  	[tilespmem:s2+$0x248] =	vst v1  }
0x18b: {  	v1 =	vld [tilespmem:s28+$0xFFFFFFD0];
	_ =	sdelay $0x4  }
0x18c: {  	[tilespmem:s2+$0x258] =	vst v1  }
0x18d: {  	v1 =	vld [tilespmem:s28+$0xFFFFFFE0];
	_ =	sdelay $0x4  }
0x18e: {  	[tilespmem:s2+$0x268] =	vst v1  }
0x18f: {  	v1 =	vld [tilespmem:s28+$0xFFFFFFF0];
	_ =	sdelay $0x4  }
0x190: {  	[tilespmem:s2+$0x278] =	vst v1  }
0x191: {  	v1 =	vld [tilespmem:s28+$0x0];
	_ =	sdelay $0x4  }
0x192: {  	[tilespmem:s2+$0x288] =	vst v1  }
0x193: {  	v1 =	vld [tilespmem:s28+$0x10];
	_ =	sdelay $0x4  }
0x194: {  	[tilespmem:s2+$0x298] =	vst v1  }
0x195: {  	v1 =	vld [tilespmem:s28+$0x20];
	_ =	sdelay $0x4  }
0x196: {  	[tilespmem:s2+$0x2A8] =	vst v1  }
0x197: {  	v1 =	vld [tilespmem:s28+$0x30];
	_ =	sdelay $0x4  }
0x198: {  	[tilespmem:s2+$0x2B8] =	vst v1  }
0x199: {  	v1 =	vld [tilespmem:s28+$0x40];
	_ =	sdelay $0x4  }
0x19a: {  	[tilespmem:s2+$0x2C8] =	vst v1  }
0x19b: {  	v1 =	vld [tilespmem:s28+$0x50];
	_ =	sdelay $0x4  }
0x19c: {  	[tilespmem:s2+$0x2D8] =	vst v1  }
0x19d: {  	v1 =	vld [tilespmem:s28+$0x60];
	_ =	sdelay $0x4  }
0x19e: {  	[tilespmem:s2+$0x2E8] =	vst v1  }
0x19f: {  	v1 =	vld [tilespmem:s28+$0x70]  }
.Ltmp21:
0x1a0: {  	_ = 	snop;
	(pc) =	sbr.rel .LBB2_23-.Ltmp21, $2  }
0x1a1: {  	_ =	sdelay $0x2  }
0x1a2: {  	s30 =	sadd.s32 $0x1, s30;
	[tilespmem:s2+$0x2F8] =	vst v1  }
.LBB2_25:
.Ltmp22:
0x1a3: {  	(pc) =	sbr.rel .LBB2_26-.Ltmp22, $4  }
0x1a4: {  	_ = 	snop  }
0x1a5: {  	s0 =	simm.s32 $0x2  }
0x1a6: {  	_ =	swait.ge [sflag:s0], $0x0  }
0x1a7: {  	s4 =	smov.u32 s31;
	[sflag:s0] =	ssyncset.done $0x0;
	s0 =	simm.s32 $0x0  }
.LBB2_28:
0x1a8: {  	_ =	sfence.sel $0x180000  }
0x1a9: {  	s0 =	simm.s32 $0x9;
	[bflag:$0x0] =	sbarrier.arrive $0xFFFF  }
0x1aa: {  	s24 =	simm.s32 $0xA;
	[sflag:s0] =	ssyncpa.u1 $0x1  }
0x1ab: {  	s25 =	simm.s32 $0xB;
	[sflag:s24] =	ssyncpa.u1 $0x1  }
0x1ac: {  	s26 =	simm.s32 $0x2;
	[sflag:s25] =	ssyncpa.u1 $0x1  }
0x1ad: {  	[sflag:s26] =	ssyncpa.u1 $0x1  }
0x1ae: {  	v0 =	vld [tilespmem:$0xE408];
	_ =	sdelay $0x4  }
0x1af: {  	(v2sf) =	vpush v0, $0x0  }
0x1b0: {  	(v2sf) =	vpush v0, $0x1;
	_ =	sdelay $0x1  }
0x1b1: {  	(v2sf) =	vpush v0, $0x2;
	_ =	sdelay $0xb  }
0x1b2: {  	s0 =	spop (v2sf)  }
0x1b3: {  	s2 =	spop (v2sf)  }
0x1b4: {  	s3 =	smov.u32 s0;
	p0 =	sne.s32 s0, s2  }
0x1b5: {  	s4 =	spop (v2sf);
	s3 =	simm.s32 @!p0 $0xFFFFFFFF  }
0x1b6: {  	v2 =	vimm.s32 $0x1;
	v3 =	vlaneseq.u32;
	p0 =	seq.s32 s4, $0xFFFFFFFF;
	v1 =	vmov s3  }
0x1b7: {  	s15 =	stileid.u32;
	v0 =	vperm.xlane v0, v2;
	p1 =	sne.s32 @!p0 s0, s2;
	v1 =	vperm.xlane v1, v3  }
0x1b8: {  	vm0 =	vcmask $0x3F04;
	s6 =	simm.s32 $0xE408;
	s0 =	simm.s32 @!p0 $0x1;
	p1 =	por !p1, p0  }
0x1b9: {  	s3 =	sshll.u32 s15, $0x1;
	s2 =	sshll.u32 @!p0 s4, $0xA;
	s0 =	simm.s32 @p1 $0x0;
	v0 =	vsel vm0, v1, v0  }
0x1ba: {  	s5 =	sor.u32 $0x2000, s3;
	s2 =	sshra.s32 @!p0 s2, $0x2;
	s0 =	sor.u32 @!p0 s0, s3;
	[tilespmem:$0xE408] =	vst v0  }
0x1bb: {  	[spmem:s5] =	stream.linear.scatter [tilespmem:s6], [sflag:$0x1], $0x2, $0x38;
	[tilespmem:$0x1E678] =	vst v63  }
0x1bc: {  	s2 =	sadd.s32 @!p0 $0x208, s2;
	s0 =	sshll.u32 @!p0 s0, $0x8  }
0x1bd: {  	[spmem:s0] =	stream.linear.scatter @!p0 [tilespmem:s2], [sflag:$0x1], $0x100, $0x38;
	[tilespmem:$0x1E678] =	vst v63  }
0x1be: {  	s0 =	simm.s32 @!p0 $0x102  }
0x1bf: {  	s28 =	simm.s32 $0x1;
	s0 =	simm.s32 @p0 $0x2  }
0x1c0: {  	_ =	swait.ge [sflag:s28], s0  }
0x1c1: {  	s0 =	ssub.s32 $0x0, s0;
	[sflag:s28] =	ssyncset.done $0x0  }
0x1c2: {  	p0 =	sne.s32 s15, $0x0;
	[sflag:s28] =	ssyncadd.s32 s0  }
.Ltmp23:
0x1c3: {  	_ =	sfence.stream.spmem;
	(pc) =	sbr.rel @p0 .LBB2_48-.Ltmp23, $4  }
0x1c4: {  	s29 =	simm.s32 $0x3;
	[bflag:$0x0] =	sbarrier.arrive $0xFFFF  }
0x1c5: {  	s30 =	simm.s32 $0x4;
	[sflag:s29] =	ssyncpa.u1 $0x1  }
0x1c6: {  	s31 =	simm.s32 $0x3C;
	[sflag:s30] =	ssyncpa.u1 $0x1  }
0x1c7: {  	s14 =	rddreg [dreg:$0x4];
	[sflag:s31] =	ssyncpa.u1 $0x1  }
0x1c8: {  	_ =	sfence.stream.spmem;
	s0 =	simm.s32 $0x5  }
0x1c9: {  	s2 =	simm.s32 $0x2000;
	s3 =	simm.s32 $0xE418;
	[sflag:s0] =	ssyncpa.u1 $0x0  }
0x1ca: {  	[tilespmem:s3], [sflag:$0x5] =	stream.linear.gather [spmem:s2], $0x20, $0x38;
	[tilespmem:$0x1E678] =	vst v63  }
0x1cb: {  	s26 =	simm.s32 $0x0;
	s28 =	simm.s32 $0xE438  }
0x1cc: {  	[tilespmem:s28], [sflag:$0x5] =	stream.linear.gather [spmem:s26], $0x2000, $0x38;
	[tilespmem:$0x1E678] =	vst v63  }
0x1cd: {  	_ =	swait.ge [sflag:s0], $0x2020  }
0x1ce: {  	[sflag:s0] =	ssyncset.done $0x0  }
0x1cf: {  	s29 =	simm.s32 $0x0;
	[sflag:s0] =	ssyncadd.s32 $0xFFFFDFE0  }
0x1d0: {  	v0 =	vld.msk [tilespmem:s29+$0xE418], $0x1;
	_ =	sdelay $0x1  }
0x1d1: {  	s30 =	simm.s32 $0x1  }
0x1d2: {  	v1 =	vld.msk [tilespmem:s30+$0xE418], $0x1;
	_ =	sdelay $0x1  }
0x1d3: {  	(v2sf) =	vpush v0, $0x0;
	_ =	sdelay $0x2  }
0x1d4: {  	(v2sf) =	vpush v1, $0x0;
	_ =	sdelay $0x2  }
0x1d5: {  	s31 =	simm.s32 $0x2  }
0x1d6: {  	v0 =	vld.msk [tilespmem:s31+$0xE418], $0x1;
	_ =	sdelay $0x2  }
0x1d7: {  	s2 =	simm.s32 $0xFFFFFFFF;
	s3 =	simm.s32 $0xFFFFFFFF;
	s0 =	simm.s32 $0xC  }
.LBB2_30:
0x1d8: {  	s4 =	smov.u32 s3;
	s5 =	smov.u32 s2  }
0x1d9: {  	s2 =	sshra.s32 s0, $0x2;
	p1 =	sne.s32 s0, $0x7C;
	s0 =	sadd.s32 $0x4, s0;
	(v2sf) =	vpush v0, $0x0  }
0x1da: {  	v0 =	vld.msk [tilespmem:s2+$0xE418], $0x1  }
.Ltmp24:
0x1db: {  	(pc) =	sbr.rel @p1 .LBB2_30-.Ltmp24, $4  }
0x1dc: {  	s3 =	spop (v2sf)  }
0x1dd: {  	p2 =	sne.s32 s5, $0xFFFFFFFF;
	s2 =	smov.u32 s3  }
0x1de: {  	p3 =	seq.s32 s3, $0xFFFFFFFF;
	s2 =	smov.u32 @p2 s5  }
0x1df: {  	s3 =	smov.u32 @p3 s4;
	s2 =	smov.u32 @p3 s5  }
0x1e0: {  	(v2sf) =	vpush v0, $0x0;
	_ =	sdelay $0x8  }
0x1e1: {  	s0 =	spop (v2sf)  }
0x1e2: {  	p1 =	sne.s32 s2, $0xFFFFFFFF;
	s9 =	simm.s32 $0x6;
	s4 =	smov.u32 s0  }
0x1e3: {  	s6 =	simm.s32 $0x0;
	p2 =	seq.s32 s0, $0xFFFFFFFF;
	s4 =	smov.u32 @p1 s2  }
0x1e4: {  	s10 =	simm.s32 $0xE308;
	s4 =	smov.u32 @p2 s2;
	s2 =	spop (v2sf)  }
0x1e5: {  	s0 =	smov.u32 @p2 s3;
	p1 =	sne.s32 s4, $0xFFFFFFFF;
	s5 =	smov.u32 s2  }
.Ltmp25:
0x1e6: {  	p2 =	seq.s32 s2, $0xFFFFFFFF;
	s5 =	smov.u32 @p1 s4;
	(pc) =	sbr.rel .LBB2_32-.Ltmp25, $4  }
0x1e7: {  	s11 =	simm.s32 $0xE388;
	s5 =	smov.u32 @p2 s4;
	s7 =	spop (v2sf)  }
0x1e8: {  	s12 =	simm.s32 $0x0;
	p1 =	sne.s32 s5, $0xFFFFFFFF;
	s8 =	smov.u32 s7  }
0x1e9: {  	s2 =	smov.u32 @p2 s0;
	p2 =	seq.s32 s7, $0xFFFFFFFF;
	s8 =	smov.u32 @p1 s5  }
0x1ea: {  	[sflag:s9] =	ssyncpa.u1 $0x0;
	s7 =	smov.u32 @p2 s2;
	s8 =	smov.u32 @p2 s5  }
.LBB2_37:
0x1eb: {  	s0 =	sshll.u32 s12, $0x8  }
0x1ec: {  	s31 =	sshll.u32 s5, $0xA;
	s4 =	sand.u32 $0x3FFFFF00, s0  }
0x1ed: {  	s0 =	sshra.s32 s31, $0x2;
	v0 =	vld [tilespmem:s4+$0xE438]  }
0x1ee: {  	v1 =	vld [tilespmem:s0+$0xE438];
	_ =	sdelay $0x4  }
0x1ef: {  	v0 =	vmax.f32 v0, v1  }
0x1f0: {  	v49 =	vld [tilespmem:s0+$0xE448];
	[tilespmem:s0+$0xE438] =	vst v0  }
0x1f1: {  	v0 =	vld [tilespmem:s4+$0xE448];
	_ =	sdelay $0x4  }
0x1f2: {  	v0 =	vmax.f32 v0, v49  }
0x1f3: {  	v50 =	vld [tilespmem:s0+$0xE458];
	[tilespmem:s0+$0xE448] =	vst v0  }
0x1f4: {  	v0 =	vld [tilespmem:s4+$0xE458];
	_ =	sdelay $0x4  }
0x1f5: {  	v0 =	vmax.f32 v0, v50  }
0x1f6: {  	v51 =	vld [tilespmem:s0+$0xE468];
	[tilespmem:s0+$0xE458] =	vst v0  }
0x1f7: {  	v0 =	vld [tilespmem:s4+$0xE468];
	_ =	sdelay $0x4  }
0x1f8: {  	v0 =	vmax.f32 v0, v51  }
0x1f9: {  	v52 =	vld [tilespmem:s0+$0xE478];
	[tilespmem:s0+$0xE468] =	vst v0  }
0x1fa: {  	v0 =	vld [tilespmem:s4+$0xE478];
	_ =	sdelay $0x4  }
0x1fb: {  	v0 =	vmax.f32 v0, v52  }
0x1fc: {  	v53 =	vld [tilespmem:s0+$0xE488];
	[tilespmem:s0+$0xE478] =	vst v0  }
0x1fd: {  	v0 =	vld [tilespmem:s4+$0xE488];
	_ =	sdelay $0x4  }
0x1fe: {  	v0 =	vmax.f32 v0, v53  }
0x1ff: {  	v54 =	vld [tilespmem:s0+$0xE498];
	[tilespmem:s0+$0xE488] =	vst v0  }
0x200: {  	v0 =	vld [tilespmem:s4+$0xE498];
	_ =	sdelay $0x4  }
0x201: {  	v0 =	vmax.f32 v0, v54  }
0x202: {  	v55 =	vld [tilespmem:s0+$0xE4A8];
	[tilespmem:s0+$0xE498] =	vst v0  }
0x203: {  	v0 =	vld [tilespmem:s4+$0xE4A8];
	_ =	sdelay $0x4  }
0x204: {  	v0 =	vmax.f32 v0, v55  }
0x205: {  	v56 =	vld [tilespmem:s0+$0xE4B8];
	[tilespmem:s0+$0xE4A8] =	vst v0  }
0x206: {  	v0 =	vld [tilespmem:s4+$0xE4B8];
	_ =	sdelay $0x4  }
0x207: {  	v0 =	vmax.f32 v0, v56  }
0x208: {  	v57 =	vld [tilespmem:s0+$0xE4C8];
	[tilespmem:s0+$0xE4B8] =	vst v0  }
0x209: {  	v0 =	vld [tilespmem:s4+$0xE4C8];
	_ =	sdelay $0x4  }
0x20a: {  	v0 =	vmax.f32 v0, v57  }
0x20b: {  	v58 =	vld [tilespmem:s0+$0xE4D8];
	[tilespmem:s0+$0xE4C8] =	vst v0  }
0x20c: {  	v0 =	vld [tilespmem:s4+$0xE4D8];
	_ =	sdelay $0x4  }
0x20d: {  	v0 =	vmax.f32 v0, v58  }
0x20e: {  	v59 =	vld [tilespmem:s0+$0xE4E8];
	[tilespmem:s0+$0xE4D8] =	vst v0  }
0x20f: {  	v0 =	vld [tilespmem:s4+$0xE4E8];
	_ =	sdelay $0x4  }
0x210: {  	v0 =	vmax.f32 v0, v59  }
0x211: {  	v60 =	vld [tilespmem:s0+$0xE4F8];
	[tilespmem:s0+$0xE4E8] =	vst v0  }
0x212: {  	v0 =	vld [tilespmem:s4+$0xE4F8];
	_ =	sdelay $0x4  }
0x213: {  	v0 =	vmax.f32 v0, v60  }
0x214: {  	v61 =	vld [tilespmem:s0+$0xE508];
	[tilespmem:s0+$0xE4F8] =	vst v0  }
0x215: {  	v0 =	vld [tilespmem:s4+$0xE508];
	_ =	sdelay $0x4  }
0x216: {  	v0 =	vmax.f32 v0, v61  }
0x217: {  	v62 =	vld [tilespmem:s0+$0xE518];
	[tilespmem:s0+$0xE508] =	vst v0  }
0x218: {  	v0 =	vld [tilespmem:s4+$0xE518];
	_ =	sdelay $0x4  }
0x219: {  	v0 =	vmax.f32 v0, v62  }
0x21a: {  	v63 =	vld [tilespmem:s0+$0xE528];
	[tilespmem:s0+$0xE518] =	vst v0  }
0x21b: {  	v0 =	vld [tilespmem:s4+$0xE528];
	_ =	sdelay $0x4  }
0x21c: {  	v0 =	vmax.f32 v0, v63  }
0x21d: {  	[tilespmem:s0+$0xE528] =	vst v0  }
.LBB2_42:
0x21e: {  	s12 =	sadd.s32 $0x1, s12  }
0x21f: {  	p1 =	sne.s32 s12, $0x20  }
.Ltmp26:
0x220: {  	_ = 	snop;
	(pc) =	sbr.rel @!p1 .LBB2_43-.Ltmp26, $1  }
0x221: {  	_ =	sdelay $0x3  }
.LBB2_32:
0x222: {  	v0 =	vld.msk [tilespmem:s12+$0xE418], $0x1;
	_ =	sdelay $0x4  }
0x223: {  	(v2sf) =	vpush v0, $0x0;
	_ =	sdelay $0xe  }
0x224: {  	s0 =	spop (v2sf)  }
0x225: {  	p1 =	seq.s32 s0, $0xFFFFFFFF  }
.Ltmp27:
0x226: {  	_ = 	snop;
	(pc) =	sbr.rel @p1 .LBB2_42-.Ltmp27, $1  }
0x227: {  	_ =	sdelay $0x3  }
0x228: {  	p1 =	slt.s32 s6, $0x1  }
.Ltmp28:
0x229: {  	_ = 	snop;
	(pc) =	sbr.rel @p1 .LBB2_38-.Ltmp28, $1  }
0x22a: {  	_ =	sdelay $0x3  }
0x22b: {  	s4 =	simm.s32 $0xE418;
	p1 =	por $0x0, $0x0  }
0x22c: {  	v1 =	vld.msk @!p1 [tilespmem:s4+$0x0], $0x1;
	_ =	sdelay $0x4  }
0x22d: {  	(v2sf) =	vpush @!p1 v1, $0x0;
	_ =	sdelay $0xd  }
0x22e: {  	p3 =	sne.s32 s6, $0x1  }
.Ltmp29:
0x22f: {  	s2 =	spop @!p1 (v2sf);
	(pc) =	sbr.rel @!p3 .LBB2_36-.Ltmp29, $4  }
0x230: {  	p2 =	seq.s32 @!p1 s0, s2  }
0x231: {  	s5 =	simm.s32 $0x0;
	p2 =	por !p2, p1  }
0x232: {  	s2 =	simm.s32 $0xFFFFFFFF;
	s5 =	simm.s32 @p2 $0xFFFFFFFF  }
0x233: {  	s13 =	simm.s32 $0x1;
	s5 =	smov.u32 @p1 s2  }
.LBB2_35:
0x234: {  	s2 =	smov.u32 s5;
	p1 =	sne.s32 s5, $0xFFFFFFFF  }
0x235: {  	s4 =	sadd.s32 $0x1, s4;
	s5 =	smov.u32 s13;
	s13 =	sadd.s32 $0x1, s13  }
0x236: {  	p2 =	sne.s32 s6, s13;
	v1 =	vld.msk @!p1 [tilespmem:s4+$0x0], $0x1;
	_ =	sdelay $0x4  }
0x237: {  	(v2sf) =	vpush @!p1 v1, $0x0;
	_ =	sdelay $0xe  }
.Ltmp30:
0x238: {  	s3 =	spop @!p1 (v2sf);
	(pc) =	sbr.rel @p2 .LBB2_35-.Ltmp30, $4  }
0x239: {  	p3 =	seq.s32 @!p1 s0, s3  }
0x23a: {  	p3 =	por !p3, p1  }
0x23b: {  	s5 =	simm.s32 @p3 $0xFFFFFFFF  }
0x23c: {  	s5 =	smov.u32 @p1 s2  }
.LBB2_36:
0x23d: {  	p1 =	seq.s32 s5, $0xFFFFFFFF  }
.Ltmp31:
0x23e: {  	_ = 	snop;
	(pc) =	sbr.rel @!p1 .LBB2_37-.Ltmp31, $1  }
0x23f: {  	_ =	sdelay $0x3  }
.LBB2_38:
0x240: {  	p1 =	sgt.u32 s0, $0x3FF70  }
0x241: {  	p2 =	seq.s32 @!p1 s0, s8  }
0x242: {  	p1 =	por p1, p2  }
0x243: {  	p2 =	sne.s32 @!p1 s0, s7  }
0x244: {  	p1 =	por p1, !p2  }
.Ltmp32:
0x245: {  	_ = 	snop;
	(pc) =	sbr.rel @p1 .LBB2_39-.Ltmp32, $1  }
0x246: {  	_ =	sdelay $0x3  }
0x247: {  	s2 =	sand.u32 $0x3FFF8, s0;
	s31 =	sadd.s32 $0x80, s0  }
0x248: {  	s3 =	sand.u32 $0x7, s0;
	s2 =	sadd.s32 s1, s2;
	s0 =	sand.u32 $0x7FFF8, s31  }
0x249: {  	[tilespmem:s10], [sflag:$0x6] =	stream.linear.gather [hbm4b:s2+s3], $0x80, $0x38;
	[tilespmem:$0x1E678] =	vst v63  }
0x24a: {  	s0 =	sadd.s32 s1, s0  }
0x24b: {  	[tilespmem:s11], [sflag:$0x6] =	stream.linear.gather [hbm4b:s0+s3], $0x80, $0x38;
	[tilespmem:$0x1E678] =	vst v63  }
0x24c: {  	_ =	swait.ge [sflag:s9], $0x100  }
0x24d: {  	[sflag:s9] =	ssyncset.done $0x0  }
0x24e: {  	s0 =	sshll.u32 s12, $0xA;
	[sflag:s9] =	ssyncadd.s32 $0xFFFFFF00  }
0x24f: {  	s4 =	sshrl.u32 s0, $0x2;
	v1 =	vld [tilespmem:$0xE308]  }
0x250: {  	v2 =	vld [tilespmem:s4+$0xE438];
	_ =	sdelay $0x4  }
0x251: {  	v1 =	vmax.f32 v1, v2  }
0x252: {  	v2 =	vld [tilespmem:s4+$0xE448];
	[tilespmem:s4+$0xE438] =	vst v1  }
0x253: {  	v1 =	vld [tilespmem:$0xE318];
	_ =	sdelay $0x4  }
0x254: {  	v1 =	vmax.f32 v1, v2  }
0x255: {  	v2 =	vld [tilespmem:s4+$0xE458];
	[tilespmem:s4+$0xE448] =	vst v1  }
0x256: {  	v1 =	vld [tilespmem:$0xE328];
	_ =	sdelay $0x4  }
0x257: {  	v1 =	vmax.f32 v1, v2  }
0x258: {  	v2 =	vld [tilespmem:s4+$0xE468];
	[tilespmem:s4+$0xE458] =	vst v1  }
0x259: {  	v1 =	vld [tilespmem:$0xE338];
	_ =	sdelay $0x4  }
0x25a: {  	v1 =	vmax.f32 v1, v2  }
0x25b: {  	v2 =	vld [tilespmem:s4+$0xE478];
	[tilespmem:s4+$0xE468] =	vst v1  }
0x25c: {  	v1 =	vld [tilespmem:$0xE348];
	_ =	sdelay $0x4  }
0x25d: {  	v1 =	vmax.f32 v1, v2  }
0x25e: {  	v2 =	vld [tilespmem:s4+$0xE488];
	[tilespmem:s4+$0xE478] =	vst v1  }
0x25f: {  	v1 =	vld [tilespmem:$0xE358];
	_ =	sdelay $0x4  }
0x260: {  	v1 =	vmax.f32 v1, v2  }
0x261: {  	v2 =	vld [tilespmem:s4+$0xE498];
	[tilespmem:s4+$0xE488] =	vst v1  }
0x262: {  	v1 =	vld [tilespmem:$0xE368];
	_ =	sdelay $0x4  }
0x263: {  	v1 =	vmax.f32 v1, v2  }
0x264: {  	v2 =	vld [tilespmem:s4+$0xE4A8];
	[tilespmem:s4+$0xE498] =	vst v1  }
0x265: {  	v1 =	vld [tilespmem:$0xE378];
	_ =	sdelay $0x4  }
0x266: {  	v1 =	vmax.f32 v1, v2  }
0x267: {  	v2 =	vld [tilespmem:s4+$0xE4B8];
	[tilespmem:s4+$0xE4A8] =	vst v1  }
0x268: {  	v1 =	vld [tilespmem:$0xE388];
	_ =	sdelay $0x4  }
0x269: {  	v1 =	vmax.f32 v1, v2  }
0x26a: {  	v2 =	vld [tilespmem:s4+$0xE4C8];
	[tilespmem:s4+$0xE4B8] =	vst v1  }
0x26b: {  	v1 =	vld [tilespmem:$0xE398];
	_ =	sdelay $0x4  }
0x26c: {  	v1 =	vmax.f32 v1, v2  }
0x26d: {  	v2 =	vld [tilespmem:s4+$0xE4D8];
	[tilespmem:s4+$0xE4C8] =	vst v1  }
0x26e: {  	v1 =	vld [tilespmem:$0xE3A8];
	_ =	sdelay $0x4  }
0x26f: {  	v1 =	vmax.f32 v1, v2  }
0x270: {  	v2 =	vld [tilespmem:s4+$0xE4E8];
	[tilespmem:s4+$0xE4D8] =	vst v1  }
0x271: {  	v1 =	vld [tilespmem:$0xE3B8];
	_ =	sdelay $0x4  }
0x272: {  	v1 =	vmax.f32 v1, v2  }
0x273: {  	v2 =	vld [tilespmem:s4+$0xE4F8];
	[tilespmem:s4+$0xE4E8] =	vst v1  }
0x274: {  	v1 =	vld [tilespmem:$0xE3C8];
	_ =	sdelay $0x4  }
0x275: {  	v1 =	vmax.f32 v1, v2  }
0x276: {  	v2 =	vld [tilespmem:s4+$0xE508];
	[tilespmem:s4+$0xE4F8] =	vst v1  }
0x277: {  	v1 =	vld [tilespmem:$0xE3D8];
	_ =	sdelay $0x4  }
0x278: {  	v1 =	vmax.f32 v1, v2  }
0x279: {  	v2 =	vld [tilespmem:s4+$0xE518];
	[tilespmem:s4+$0xE508] =	vst v1  }
0x27a: {  	v1 =	vld [tilespmem:$0xE3E8];
	_ =	sdelay $0x4  }
0x27b: {  	v1 =	vmax.f32 v1, v2  }
0x27c: {  	v2 =	vld [tilespmem:s4+$0xE528];
	[tilespmem:s4+$0xE518] =	vst v1  }
0x27d: {  	v1 =	vld [tilespmem:$0xE3F8];
	_ =	sdelay $0x4  }
0x27e: {  	v1 =	vmax.f32 v1, v2  }
0x27f: {  	[tilespmem:s4+$0xE528] =	vst v1  }
.LBB2_41:
0x280: {  	[tilespmem:s6+$0xE418] =	vst.msk $0x1, v0;
	s0 =	sshrl.u32 s0, $0x2  }
0x281: {  	v0 =	vld [tilespmem:s0+$0xE438];
	_ =	sdelay $0x2  }
0x282: {  	s2 =	sshll.u32 s6, $0xA  }
0x283: {  	s2 =	sshra.s32 s2, $0x2  }
0x284: {  	[tilespmem:s2+$0xE438] =	vst v0  }
0x285: {  	v0 =	vld [tilespmem:s0+$0xE448];
	_ =	sdelay $0x4  }
0x286: {  	[tilespmem:s2+$0xE448] =	vst v0  }
0x287: {  	v0 =	vld [tilespmem:s0+$0xE458];
	_ =	sdelay $0x4  }
0x288: {  	[tilespmem:s2+$0xE458] =	vst v0  }
0x289: {  	v0 =	vld [tilespmem:s0+$0xE468];
	_ =	sdelay $0x4  }
0x28a: {  	[tilespmem:s2+$0xE468] =	vst v0  }
0x28b: {  	v0 =	vld [tilespmem:s0+$0xE478];
	_ =	sdelay $0x4  }
0x28c: {  	[tilespmem:s2+$0xE478] =	vst v0  }
0x28d: {  	v0 =	vld [tilespmem:s0+$0xE488];
	_ =	sdelay $0x4  }
0x28e: {  	[tilespmem:s2+$0xE488] =	vst v0  }
0x28f: {  	v0 =	vld [tilespmem:s0+$0xE498];
	_ =	sdelay $0x4  }
0x290: {  	[tilespmem:s2+$0xE498] =	vst v0  }
0x291: {  	v0 =	vld [tilespmem:s0+$0xE4A8];
	_ =	sdelay $0x4  }
0x292: {  	[tilespmem:s2+$0xE4A8] =	vst v0  }
0x293: {  	v0 =	vld [tilespmem:s0+$0xE4B8];
	_ =	sdelay $0x4  }
0x294: {  	[tilespmem:s2+$0xE4B8] =	vst v0  }
0x295: {  	v0 =	vld [tilespmem:s0+$0xE4C8];
	_ =	sdelay $0x4  }
0x296: {  	[tilespmem:s2+$0xE4C8] =	vst v0  }
0x297: {  	v0 =	vld [tilespmem:s0+$0xE4D8];
	_ =	sdelay $0x4  }
0x298: {  	[tilespmem:s2+$0xE4D8] =	vst v0  }
0x299: {  	v0 =	vld [tilespmem:s0+$0xE4E8];
	_ =	sdelay $0x4  }
0x29a: {  	[tilespmem:s2+$0xE4E8] =	vst v0  }
0x29b: {  	v0 =	vld [tilespmem:s0+$0xE4F8];
	_ =	sdelay $0x4  }
0x29c: {  	[tilespmem:s2+$0xE4F8] =	vst v0  }
0x29d: {  	v0 =	vld [tilespmem:s0+$0xE508];
	_ =	sdelay $0x4  }
0x29e: {  	[tilespmem:s2+$0xE508] =	vst v0  }
0x29f: {  	v0 =	vld [tilespmem:s0+$0xE518];
	_ =	sdelay $0x4  }
0x2a0: {  	[tilespmem:s2+$0xE518] =	vst v0  }
0x2a1: {  	v0 =	vld [tilespmem:s0+$0xE528]  }
.Ltmp33:
0x2a2: {  	_ = 	snop;
	(pc) =	sbr.rel .LBB2_42-.Ltmp33, $2  }
0x2a3: {  	_ =	sdelay $0x2  }
0x2a4: {  	s6 =	sadd.s32 $0x1, s6;
	[tilespmem:s2+$0xE528] =	vst v0  }
.LBB2_39:
.Ltmp34:
0x2a5: {  	(pc) =	sbr.rel .LBB2_41-.Ltmp34, $2  }
0x2a6: {  	_ =	sdelay $0x2  }
0x2a7: {  	s0 =	sshll.u32 s12, $0xA  }
.LBB2_43:
0x2a8: {  	s0 =	simm.s32 $0x6;
	p1 =	seq.s32 s6, $0x0  }
0x2a9: {  	[sflag:s0] =	ssyncpa.u1 $0x1;
	v0 =	vimm.s32 @p1 $0xFFFFFFFF  }
0x2aa: {  	s0 =	sadd.s32 $0xFFFFFFFF, s6;
	[tilespmem:$0x10438] =	vst @p1 v0  }
0x2ab: {  	v0 =	vld.msk @!p1 [tilespmem:s0+$0xE418], $0x1;
	_ =	sdelay $0x1  }
0x2ac: {  	v1 =	vld.msk @!p1 [tilespmem:$0xE418], $0x1;
	_ =	sdelay $0x2  }
0x2ad: {  	p2 =	seq.s32 @!p1 s0, $0x0;
	v0 =	vbroadcast @!p1 v0, $0x0  }
0x2ae: {  	vm0 =	vmmov @!p1 $0x1;
	p2 =	por !p2, p1  }
0x2af: {  	v1 =	vnsel @!p1 vm0, $0xFFFFFFFF, v1;
	vm0 =	vcmask @!p1 $0x308;
	v0 =	vpsel !p2, $0xFFFFFFFF, v0  }
0x2b0: {  	p2 =	sne.s32 @!p1 s8, s7;
	v0 =	vsel @!p1 vm0, v1, v0  }
0x2b1: {  	s2 =	simm.s32 @!p1 $0xE438;
	s3 =	simm.s32 @!p1 $0x0;
	p3 =	por !p2, p1;
	[tilespmem:$0x10438] =	vst @!p1 v0  }
0x2b2: {  	[spmem:s3] =	stream.linear.scatter @!p1 [tilespmem:s2], [sflag:$0x1], $0x100, $0x38;
	[tilespmem:$0x1E678] =	vst v63  }
0x2b3: {  	s2 =	sshll.u32 @!p3 s0, $0xA  }
0x2b4: {  	s2 =	sshra.s32 @!p3 s2, $0x2  }
0x2b5: {  	s3 =	simm.s32 @!p3 $0x100;
	s2 =	sadd.s32 @!p3 $0xE438, s2  }
0x2b6: {  	[spmem:s3] =	stream.linear.scatter @!p3 [tilespmem:s2], [sflag:$0x1], $0x100, $0x38;
	[tilespmem:$0x1E678] =	vst v63  }
0x2b7: {  	s2 =	simm.s32 @!p3 $0x1  }
0x2b8: {  	_ =	swait.ge @!p3 [sflag:s2], $0x200  }
0x2b9: {  	p1 =	por p2, p1;
	[sflag:s2] =	ssyncset.done @!p3 $0x0  }
0x2ba: {  	[sflag:s2] =	ssyncadd.s32 @!p3 $0xFFFFFE00;
	s2 =	simm.s32 @!p1 $0x1  }
0x2bb: {  	_ =	swait.ge @!p1 [sflag:s2], $0x100  }
0x2bc: {  	s29 =	simm.s32 $0x10438;
	[sflag:s2] =	ssyncset.done @!p1 $0x0  }
0x2bd: {  	s30 =	simm.s32 $0x2000;
	s31 =	simm.s32 $0x1;
	[sflag:s2] =	ssyncadd.s32 @!p1 $0xFFFFFF00  }
0x2be: {  	[spmem:s30] =	stream.linear.scatter [tilespmem:s29], [sflag:$0x1], $0x10, $0x38;
	[tilespmem:$0x1E678] =	vst v63  }
0x2bf: {  	_ =	swait.ge [sflag:s31], $0x10  }
0x2c0: {  	[sflag:s31] =	ssyncset.done $0x0  }
0x2c1: {  	p1 =	seq.s32 s14, $0x0;
	s9 =	rddreg [dreg:$0x1];
	[sflag:s31] =	ssyncadd.s32 $0xFFFFFFF0  }
0x2c2: {  	s3 =	sshll.u32 @p1 s9, $0xE;
	s8 =	rddreg [dreg:$0x2]  }
0x2c3: {  	s2 =	sadd.s32 @p1 $0x15C3C, s3;
	s3 =	sshll.u32 @p1 s8, $0x11  }
0x2c4: {  	_ =	sfence.stream.spmem;
	s2 =	sor.u32 @p1 s3, s2  }
0x2c5: {  	[sflag:s2] =	ssyncadd.remote.s32 @p1 $0x1;
	s2 =	simm.s32 @p1 $0x4  }
0x2c6: {  	s4 =	simm.s32 @!p1 $0x3C;
	s3 =	sand.u32 $0xFFFFFFFE, s9;
	_ =	swait.ge @p1 [sflag:s2], $0x42  }
0x2c7: {  	s5 =	simm.s32 @!p1 $0x0;
	s3 =	sadd.s32 @!p1 $0x4, s3;
	[sflag:s2] =	ssyncset.done @p1 $0x0  }
0x2c8: {  	s7 =	simm.s32 @!p1 $0x200;
	[sflag:s2] =	ssyncadd.s32 @p1 $0xFFFFFFBE;
	s2 =	sshll.u32 @!p1 s3, $0x1A  }
0x2c9: {  	s3 =	sshll.u32 @!p1 s3, $0xD;
	s2 =	sor.u32 @!p1 s2, s8;
	_ =	swait.eq @!p1 [sflag:s4], $0x1  }
0x2ca: {  	s3 =	sor.u32 @!p1 $0x1C04, s3;
	s4 =	simm.s32 @!p1 $0x1C03;
	s2 =	sor.u32 @!p1 $0x80004000, s2  }
0x2cb: {  	[spmem:s7], [sflag:s3] =	dma.general @!p1 [spmem:s5], [sflag:s4], length:$0x40, [dreg:$0x0], stride_count:$0x0, ici_dest:s2, dma_misc:DstOpCode:WRITE  }
0x2cc: {  	p2 =	slt.s32 s0, $0x2;
	s5 =	simm.s32 @!p1 $0x400;
	s7 =	simm.s32 @!p1 $0x402  }
0x2cd: {  	[spmem:s7], [sflag:s3] =	dma.general @!p1 [spmem:s5], [sflag:s4], length:$0x2, [dreg:$0x0], stride_count:$0x0, ici_dest:s2, dma_misc:DstOpCode:WRITE  }
.Ltmp35:
0x2ce: {  	s2 =	simm.s32 @!p1 $0x3;
	(pc) =	sbr.rel @p2 .LBB2_47-.Ltmp35, $4  }
0x2cf: {  	s3 =	sshll.u32 @!p1 s9, $0xE;
	_ =	swait.ge @!p1 [sflag:s2], $0x42  }
0x2d0: {  	s4 =	sshll.u32 @!p1 s8, $0x11;
	s3 =	sadd.s32 @!p1 $0x11C3C, s3;
	[sflag:s2] =	ssyncset.done @!p1 $0x0  }
0x2d1: {  	[sflag:s2] =	ssyncadd.s32 @!p1 $0xFFFFFFBE;
	s2 =	sor.u32 @!p1 s4, s3  }
0x2d2: {  	s0 =	simm.s32 $0x0;
	[sflag:s2] =	ssyncadd.remote.s32 @!p1 $0xFFFFFFFF  }
0x2d3: {  	s0 =	simm.s32 $0xE419  }
0x2d4: {  	v0 =	vld.msk [tilespmem:s0+$0x0], $0x1;
	_ =	sdelay $0x4  }
0x2d5: {  	(v2sf) =	vpush v0, $0x0;
	_ =	sdelay $0xd  }
0x2d6: {  	s31 =	sadd.s32 $0xFFFFFFFE, s6  }
0x2d7: {  	s6 =	simm.s32 $0x0;
	s0 =	sadd.s32 $0xFFFFFFFF, s31;
	s2 =	spop (v2sf)  }
0x2d8: {  	s3 =	simm.s32 $0xE538;
	p1 =	sne.s32 s0, $0x0;
	p2 =	sgt.u32 s2, $0x3FF70  }
.Ltmp36:
0x2d9: {  	s4 =	simm.s32 $0xE638;
	s5 =	sand.u32 @!p2 $0x3FFF8, s2;
	(pc) =	sbr.rel @!p1 .LBB2_46-.Ltmp36, $4  }
0x2da: {  	s7 =	sadd.s32 @!p2 $0x80, s2;
	s2 =	sand.u32 @!p2 $0x7, s2;
	s6 =	simm.s32 @!p2 $0x400  }
0x2db: {  	s5 =	sadd.s32 @!p2 s1, s5;
	s7 =	sand.u32 @!p2 $0x7FFF8, s7;
	s6 =	sadd.s32 $0x0, s6  }
0x2dc: {  	[hbm4b:s5+s2] =	stream.linear.scatter @!p2 [tilespmem:s3], [sflag:$0x5], $0x80, $0x38;
	[tilespmem:$0x1E678] =	vst v63  }
0x2dd: {  	s5 =	simm.s32 $0xE41A;
	s3 =	simm.s32 @!p2 $0xE5B8;
	s7 =	sadd.s32 @!p2 s1, s7  }
.LBB2_45:
0x2de: {  	[hbm4b:s7+s2] =	stream.linear.scatter @!p2 [tilespmem:s3], [sflag:$0x5], $0x80, $0x38;
	[tilespmem:$0x1E678] =	vst v63  }
0x2df: {  	s0 =	sadd.s32 $0xFFFFFFFF, s0;
	s3 =	smov.u32 s4;
	v0 =	vld.msk [tilespmem:s5+$0x0], $0x1  }
0x2e0: {  	p1 =	sne.s32 s0, $0x0;
	_ =	sdelay $0x3  }
0x2e1: {  	(v2sf) =	vpush v0, $0x0;
	_ =	sdelay $0xe  }
0x2e2: {  	s4 =	sadd.s32 $0x100, s4;
	s8 =	simm.s32 $0x0;
	s2 =	spop (v2sf)  }
.Ltmp37:
0x2e3: {  	s5 =	sadd.s32 $0x1, s5;
	p2 =	sgt.u32 s2, $0x3FF70;
	(pc) =	sbr.rel @p1 .LBB2_45-.Ltmp37, $4  }
0x2e4: {  	s8 =	simm.s32 @!p2 $0x400;
	s7 =	sand.u32 @!p2 $0x3FFF8, s2;
	s9 =	sadd.s32 @!p2 $0x80, s2  }
0x2e5: {  	s2 =	sand.u32 @!p2 $0x7, s2;
	s7 =	sadd.s32 @!p2 s1, s7;
	s9 =	sand.u32 @!p2 $0x7FFF8, s9  }
0x2e6: {  	[hbm4b:s7+s2] =	stream.linear.scatter @!p2 [tilespmem:s3], [sflag:$0x5], $0x80, $0x38;
	[tilespmem:$0x1E678] =	vst v63  }
0x2e7: {  	s6 =	sadd.s32 s6, s8;
	s3 =	sadd.s32 @!p2 $0x80, s3;
	s7 =	sadd.s32 @!p2 s1, s9  }
.LBB2_46:
0x2e8: {  	[hbm4b:s7+s2] =	stream.linear.scatter @!p2 [tilespmem:s3], [sflag:$0x5], $0x80, $0x38;
	[tilespmem:$0x1E678] =	vst v63  }
0x2e9: {  	s0 =	sshrl.u32 s6, $0x2  }
.LBB2_47:
0x2ea: {  	s2 =	simm.s32 $0x5  }
0x2eb: {  	_ =	swait.ge [sflag:s2], s0  }
0x2ec: {  	s31 =	ssub.s32 $0x0, s0;
	[sflag:s2] =	ssyncset.done $0x0  }
0x2ed: {  	[sflag:s2] =	ssyncadd.s32 s31  }
0x2ee: {  	[sflag:s2] =	ssyncpa.u1 $0x1  }
.LBB2_48:
0x2ef: {  	s0 =	sor.u32 s14, s15  }
0x2f0: {  	p1 =	sne.s32 s0, $0x0  }
.Ltmp38:
0x2f1: {  	_ = 	snop;
	(pc) =	sbr.rel @p1 .LBB2_66-.Ltmp38, $3  }
0x2f2: {  	_ =	sdelay $0x1  }
0x2f3: {  	[bflag:$0x0] =	sbarrier.arrive $0xFFFF  }
0x2f4: {  	_ =	sfence  }
0x2f5: {  	s0 =	simm.s32 $0x7  }
0x2f6: {  	s2 =	simm.s32 $0x2000;
	s3 =	simm.s32 $0xE418;
	[sflag:s0] =	ssyncpa.u1 $0x0  }
0x2f7: {  	[tilespmem:s3], [sflag:$0x7] =	stream.linear.gather [spmem:s2], $0x20, $0x38;
	[tilespmem:$0x1E678] =	vst v63  }
0x2f8: {  	s31 =	simm.s32 $0xE438;
	s2 =	simm.s32 $0x0  }
0x2f9: {  	[tilespmem:s31], [sflag:$0x7] =	stream.linear.gather [spmem:s2], $0x2000, $0x38;
	[tilespmem:$0x1E678] =	vst v63  }
.Ltmp39:
0x2fa: {  	_ = 	snop;
	(pc) =	sbr.rel .LBB2_50-.Ltmp39, $4  }
0x2fb: {  	_ =	swait.ge [sflag:s0], $0x2020  }
0x2fc: {  	[sflag:s0] =	ssyncset.done $0x0  }
0x2fd: {  	s4 =	simm.s32 $0xE308;
	s3 =	simm.s32 $0x8;
	[sflag:s0] =	ssyncadd.s32 $0xFFFFDFE0  }
0x2fe: {  	s5 =	simm.s32 $0xE388;
	s6 =	simm.s32 $0x0;
	[sflag:s3] =	ssyncpa.u1 $0x0  }
.LBB2_58:
0x2ff: {  	s7 =	sand.u32 $0x3FFF8, s0;
	s30 =	sadd.s32 $0x80, s0  }
0x300: {  	s8 =	sand.u32 $0x7, s0;
	s7 =	sadd.s32 s1, s7;
	s0 =	sand.u32 $0x7FFF8, s30  }
0x301: {  	[tilespmem:s4], [sflag:$0x8] =	stream.linear.gather [hbm4b:s7+s8], $0x80, $0x38;
	[tilespmem:$0x1E678] =	vst v63  }
0x302: {  	s0 =	sadd.s32 s1, s0  }
0x303: {  	[tilespmem:s5], [sflag:$0x8] =	stream.linear.gather [hbm4b:s0+s8], $0x80, $0x38;
	[tilespmem:$0x1E678] =	vst v63  }
0x304: {  	_ =	swait.ge [sflag:s3], $0x100  }
0x305: {  	[sflag:s3] =	ssyncset.done $0x0  }
0x306: {  	s0 =	sshll.u32 s6, $0xA;
	[sflag:s3] =	ssyncadd.s32 $0xFFFFFF00  }
0x307: {  	s31 =	sshrl.u32 s0, $0x2;
	v1 =	vld [tilespmem:$0xE308]  }
0x308: {  	v2 =	vld [tilespmem:s31+$0xE438];
	_ =	sdelay $0x4  }
0x309: {  	v1 =	vmax.f32 v1, v2  }
0x30a: {  	v2 =	vld [tilespmem:s31+$0xE448];
	[tilespmem:s31+$0xE438] =	vst v1  }
0x30b: {  	v1 =	vld [tilespmem:$0xE318];
	_ =	sdelay $0x4  }
0x30c: {  	v1 =	vmax.f32 v1, v2  }
0x30d: {  	v2 =	vld [tilespmem:s31+$0xE458];
	[tilespmem:s31+$0xE448] =	vst v1  }
0x30e: {  	v1 =	vld [tilespmem:$0xE328];
	_ =	sdelay $0x4  }
0x30f: {  	v1 =	vmax.f32 v1, v2  }
0x310: {  	v2 =	vld [tilespmem:s31+$0xE468];
	[tilespmem:s31+$0xE458] =	vst v1  }
0x311: {  	v1 =	vld [tilespmem:$0xE338];
	_ =	sdelay $0x4  }
0x312: {  	v1 =	vmax.f32 v1, v2  }
0x313: {  	v2 =	vld [tilespmem:s31+$0xE478];
	[tilespmem:s31+$0xE468] =	vst v1  }
0x314: {  	v1 =	vld [tilespmem:$0xE348];
	_ =	sdelay $0x4  }
0x315: {  	v1 =	vmax.f32 v1, v2  }
0x316: {  	v2 =	vld [tilespmem:s31+$0xE488];
	[tilespmem:s31+$0xE478] =	vst v1  }
0x317: {  	v1 =	vld [tilespmem:$0xE358];
	_ =	sdelay $0x4  }
0x318: {  	v1 =	vmax.f32 v1, v2  }
0x319: {  	v2 =	vld [tilespmem:s31+$0xE498];
	[tilespmem:s31+$0xE488] =	vst v1  }
0x31a: {  	v1 =	vld [tilespmem:$0xE368];
	_ =	sdelay $0x4  }
0x31b: {  	v1 =	vmax.f32 v1, v2  }
0x31c: {  	v2 =	vld [tilespmem:s31+$0xE4A8];
	[tilespmem:s31+$0xE498] =	vst v1  }
0x31d: {  	v1 =	vld [tilespmem:$0xE378];
	_ =	sdelay $0x4  }
0x31e: {  	v1 =	vmax.f32 v1, v2  }
0x31f: {  	v2 =	vld [tilespmem:s31+$0xE4B8];
	[tilespmem:s31+$0xE4A8] =	vst v1  }
0x320: {  	v1 =	vld [tilespmem:$0xE388];
	_ =	sdelay $0x4  }
0x321: {  	v1 =	vmax.f32 v1, v2  }
0x322: {  	v2 =	vld [tilespmem:s31+$0xE4C8];
	[tilespmem:s31+$0xE4B8] =	vst v1  }
0x323: {  	v1 =	vld [tilespmem:$0xE398];
	_ =	sdelay $0x4  }
0x324: {  	v1 =	vmax.f32 v1, v2  }
0x325: {  	v2 =	vld [tilespmem:s31+$0xE4D8];
	[tilespmem:s31+$0xE4C8] =	vst v1  }
0x326: {  	v1 =	vld [tilespmem:$0xE3A8];
	_ =	sdelay $0x4  }
0x327: {  	v1 =	vmax.f32 v1, v2  }
0x328: {  	v2 =	vld [tilespmem:s31+$0xE4E8];
	[tilespmem:s31+$0xE4D8] =	vst v1  }
0x329: {  	v1 =	vld [tilespmem:$0xE3B8];
	_ =	sdelay $0x4  }
0x32a: {  	v1 =	vmax.f32 v1, v2  }
0x32b: {  	v2 =	vld [tilespmem:s31+$0xE4F8];
	[tilespmem:s31+$0xE4E8] =	vst v1  }
0x32c: {  	v1 =	vld [tilespmem:$0xE3C8];
	_ =	sdelay $0x4  }
0x32d: {  	v1 =	vmax.f32 v1, v2  }
0x32e: {  	v2 =	vld [tilespmem:s31+$0xE508];
	[tilespmem:s31+$0xE4F8] =	vst v1  }
0x32f: {  	v1 =	vld [tilespmem:$0xE3D8];
	_ =	sdelay $0x4  }
0x330: {  	v1 =	vmax.f32 v1, v2  }
0x331: {  	v2 =	vld [tilespmem:s31+$0xE518];
	[tilespmem:s31+$0xE508] =	vst v1  }
0x332: {  	v1 =	vld [tilespmem:$0xE3E8];
	_ =	sdelay $0x4  }
0x333: {  	v1 =	vmax.f32 v1, v2  }
0x334: {  	v2 =	vld [tilespmem:s31+$0xE528];
	[tilespmem:s31+$0xE518] =	vst v1  }
0x335: {  	v1 =	vld [tilespmem:$0xE3F8];
	_ =	sdelay $0x4  }
0x336: {  	v1 =	vmax.f32 v1, v2  }
0x337: {  	[tilespmem:s31+$0xE528] =	vst v1  }
.LBB2_59:
0x338: {  	[tilespmem:s2+$0xE418] =	vst.msk $0x1, v0;
	s0 =	sshrl.u32 s0, $0x2  }
0x339: {  	v0 =	vld [tilespmem:s0+$0xE438];
	_ =	sdelay $0x2  }
0x33a: {  	s7 =	sshll.u32 s2, $0xA  }
0x33b: {  	s7 =	sshra.s32 s7, $0x2  }
0x33c: {  	[tilespmem:s7+$0xE438] =	vst v0  }
0x33d: {  	v0 =	vld [tilespmem:s0+$0xE448];
	_ =	sdelay $0x4  }
0x33e: {  	[tilespmem:s7+$0xE448] =	vst v0  }
0x33f: {  	v0 =	vld [tilespmem:s0+$0xE458];
	_ =	sdelay $0x4  }
0x340: {  	[tilespmem:s7+$0xE458] =	vst v0  }
0x341: {  	v0 =	vld [tilespmem:s0+$0xE468];
	_ =	sdelay $0x4  }
0x342: {  	[tilespmem:s7+$0xE468] =	vst v0  }
0x343: {  	v0 =	vld [tilespmem:s0+$0xE478];
	_ =	sdelay $0x4  }
0x344: {  	[tilespmem:s7+$0xE478] =	vst v0  }
0x345: {  	v0 =	vld [tilespmem:s0+$0xE488];
	_ =	sdelay $0x4  }
0x346: {  	[tilespmem:s7+$0xE488] =	vst v0  }
0x347: {  	v0 =	vld [tilespmem:s0+$0xE498];
	_ =	sdelay $0x4  }
0x348: {  	[tilespmem:s7+$0xE498] =	vst v0  }
0x349: {  	v0 =	vld [tilespmem:s0+$0xE4A8];
	_ =	sdelay $0x4  }
0x34a: {  	[tilespmem:s7+$0xE4A8] =	vst v0  }
0x34b: {  	v0 =	vld [tilespmem:s0+$0xE4B8];
	_ =	sdelay $0x4  }
0x34c: {  	[tilespmem:s7+$0xE4B8] =	vst v0  }
0x34d: {  	v0 =	vld [tilespmem:s0+$0xE4C8];
	_ =	sdelay $0x4  }
0x34e: {  	[tilespmem:s7+$0xE4C8] =	vst v0  }
0x34f: {  	v0 =	vld [tilespmem:s0+$0xE4D8];
	_ =	sdelay $0x4  }
0x350: {  	[tilespmem:s7+$0xE4D8] =	vst v0  }
0x351: {  	v0 =	vld [tilespmem:s0+$0xE4E8];
	_ =	sdelay $0x4  }
0x352: {  	[tilespmem:s7+$0xE4E8] =	vst v0  }
0x353: {  	v0 =	vld [tilespmem:s0+$0xE4F8];
	_ =	sdelay $0x4  }
0x354: {  	[tilespmem:s7+$0xE4F8] =	vst v0  }
0x355: {  	v0 =	vld [tilespmem:s0+$0xE508];
	_ =	sdelay $0x4  }
0x356: {  	[tilespmem:s7+$0xE508] =	vst v0  }
0x357: {  	v0 =	vld [tilespmem:s0+$0xE518];
	_ =	sdelay $0x4  }
0x358: {  	[tilespmem:s7+$0xE518] =	vst v0  }
0x359: {  	v0 =	vld [tilespmem:s0+$0xE528];
	_ =	sdelay $0x4  }
0x35a: {  	s2 =	sadd.s32 $0x1, s2;
	[tilespmem:s7+$0xE528] =	vst v0  }
.LBB2_60:
0x35b: {  	s6 =	sadd.s32 $0x1, s6  }
0x35c: {  	p1 =	sne.s32 s6, $0x20  }
.Ltmp40:
0x35d: {  	_ = 	snop;
	(pc) =	sbr.rel @!p1 .LBB2_61-.Ltmp40, $1  }
0x35e: {  	_ =	sdelay $0x3  }
.LBB2_50:
0x35f: {  	v0 =	vld.msk [tilespmem:s6+$0xE418], $0x1;
	_ =	sdelay $0x4  }
0x360: {  	(v2sf) =	vpush v0, $0x0;
	_ =	sdelay $0xe  }
0x361: {  	s0 =	spop (v2sf)  }
0x362: {  	p1 =	seq.s32 s0, $0xFFFFFFFF  }
.Ltmp41:
0x363: {  	_ = 	snop;
	(pc) =	sbr.rel @p1 .LBB2_60-.Ltmp41, $1  }
0x364: {  	_ =	sdelay $0x3  }
0x365: {  	p1 =	slt.s32 s2, $0x1  }
.Ltmp42:
0x366: {  	_ = 	snop;
	(pc) =	sbr.rel @p1 .LBB2_56-.Ltmp42, $1  }
0x367: {  	_ =	sdelay $0x3  }
0x368: {  	s7 =	simm.s32 $0xE418;
	p1 =	por $0x0, $0x0  }
0x369: {  	v1 =	vld.msk @!p1 [tilespmem:s7+$0x0], $0x1;
	_ =	sdelay $0x4  }
0x36a: {  	(v2sf) =	vpush @!p1 v1, $0x0;
	_ =	sdelay $0xd  }
0x36b: {  	p3 =	sne.s32 s2, $0x1  }
.Ltmp43:
0x36c: {  	s8 =	spop @!p1 (v2sf);
	(pc) =	sbr.rel @!p3 .LBB2_54-.Ltmp43, $4  }
0x36d: {  	p2 =	seq.s32 @!p1 s0, s8  }
0x36e: {  	s8 =	simm.s32 $0x0;
	p2 =	por !p2, p1  }
0x36f: {  	s10 =	simm.s32 $0xFFFFFFFF;
	s8 =	simm.s32 @p2 $0xFFFFFFFF  }
0x370: {  	s9 =	simm.s32 $0x1;
	s8 =	smov.u32 @p1 s10  }
.LBB2_53:
0x371: {  	s10 =	smov.u32 s8;
	p1 =	sne.s32 s8, $0xFFFFFFFF  }
0x372: {  	s7 =	sadd.s32 $0x1, s7;
	s8 =	smov.u32 s9;
	s9 =	sadd.s32 $0x1, s9  }
0x373: {  	p2 =	sne.s32 s2, s9;
	v1 =	vld.msk @!p1 [tilespmem:s7+$0x0], $0x1;
	_ =	sdelay $0x4  }
0x374: {  	(v2sf) =	vpush @!p1 v1, $0x0;
	_ =	sdelay $0xe  }
.Ltmp44:
0x375: {  	s11 =	spop @!p1 (v2sf);
	(pc) =	sbr.rel @p2 .LBB2_53-.Ltmp44, $4  }
0x376: {  	p3 =	seq.s32 @!p1 s0, s11  }
0x377: {  	p3 =	por !p3, p1  }
0x378: {  	s8 =	simm.s32 @p3 $0xFFFFFFFF  }
0x379: {  	s8 =	smov.u32 @p1 s10  }
.LBB2_54:
0x37a: {  	p1 =	seq.s32 s8, $0xFFFFFFFF  }
.Ltmp45:
0x37b: {  	_ = 	snop;
	(pc) =	sbr.rel @p1 .LBB2_56-.Ltmp45, $1  }
0x37c: {  	_ =	sdelay $0x3  }
0x37d: {  	s0 =	sshll.u32 s6, $0x8  }
0x37e: {  	s31 =	sshll.u32 s8, $0xA;
	s7 =	sand.u32 $0x3FFFFF00, s0  }
0x37f: {  	s0 =	sshra.s32 s31, $0x2;
	v0 =	vld [tilespmem:s7+$0xE438]  }
0x380: {  	v1 =	vld [tilespmem:s0+$0xE438];
	_ =	sdelay $0x4  }
0x381: {  	v0 =	vmax.f32 v0, v1  }
0x382: {  	v49 =	vld [tilespmem:s0+$0xE448];
	[tilespmem:s0+$0xE438] =	vst v0  }
0x383: {  	v0 =	vld [tilespmem:s7+$0xE448];
	_ =	sdelay $0x4  }
0x384: {  	v0 =	vmax.f32 v0, v49  }
0x385: {  	v50 =	vld [tilespmem:s0+$0xE458];
	[tilespmem:s0+$0xE448] =	vst v0  }
0x386: {  	v0 =	vld [tilespmem:s7+$0xE458];
	_ =	sdelay $0x4  }
0x387: {  	v0 =	vmax.f32 v0, v50  }
0x388: {  	v51 =	vld [tilespmem:s0+$0xE468];
	[tilespmem:s0+$0xE458] =	vst v0  }
0x389: {  	v0 =	vld [tilespmem:s7+$0xE468];
	_ =	sdelay $0x4  }
0x38a: {  	v0 =	vmax.f32 v0, v51  }
0x38b: {  	v52 =	vld [tilespmem:s0+$0xE478];
	[tilespmem:s0+$0xE468] =	vst v0  }
0x38c: {  	v0 =	vld [tilespmem:s7+$0xE478];
	_ =	sdelay $0x4  }
0x38d: {  	v0 =	vmax.f32 v0, v52  }
0x38e: {  	v53 =	vld [tilespmem:s0+$0xE488];
	[tilespmem:s0+$0xE478] =	vst v0  }
0x38f: {  	v0 =	vld [tilespmem:s7+$0xE488];
	_ =	sdelay $0x4  }
0x390: {  	v0 =	vmax.f32 v0, v53  }
0x391: {  	v54 =	vld [tilespmem:s0+$0xE498];
	[tilespmem:s0+$0xE488] =	vst v0  }
0x392: {  	v0 =	vld [tilespmem:s7+$0xE498];
	_ =	sdelay $0x4  }
0x393: {  	v0 =	vmax.f32 v0, v54  }
0x394: {  	v55 =	vld [tilespmem:s0+$0xE4A8];
	[tilespmem:s0+$0xE498] =	vst v0  }
0x395: {  	v0 =	vld [tilespmem:s7+$0xE4A8];
	_ =	sdelay $0x4  }
0x396: {  	v0 =	vmax.f32 v0, v55  }
0x397: {  	v56 =	vld [tilespmem:s0+$0xE4B8];
	[tilespmem:s0+$0xE4A8] =	vst v0  }
0x398: {  	v0 =	vld [tilespmem:s7+$0xE4B8];
	_ =	sdelay $0x4  }
0x399: {  	v0 =	vmax.f32 v0, v56  }
0x39a: {  	v57 =	vld [tilespmem:s0+$0xE4C8];
	[tilespmem:s0+$0xE4B8] =	vst v0  }
0x39b: {  	v0 =	vld [tilespmem:s7+$0xE4C8];
	_ =	sdelay $0x4  }
0x39c: {  	v0 =	vmax.f32 v0, v57  }
0x39d: {  	v58 =	vld [tilespmem:s0+$0xE4D8];
	[tilespmem:s0+$0xE4C8] =	vst v0  }
0x39e: {  	v0 =	vld [tilespmem:s7+$0xE4D8];
	_ =	sdelay $0x4  }
0x39f: {  	v0 =	vmax.f32 v0, v58  }
0x3a0: {  	v59 =	vld [tilespmem:s0+$0xE4E8];
	[tilespmem:s0+$0xE4D8] =	vst v0  }
0x3a1: {  	v0 =	vld [tilespmem:s7+$0xE4E8];
	_ =	sdelay $0x4  }
0x3a2: {  	v0 =	vmax.f32 v0, v59  }
0x3a3: {  	v60 =	vld [tilespmem:s0+$0xE4F8];
	[tilespmem:s0+$0xE4E8] =	vst v0  }
0x3a4: {  	v0 =	vld [tilespmem:s7+$0xE4F8];
	_ =	sdelay $0x4  }
0x3a5: {  	v0 =	vmax.f32 v0, v60  }
0x3a6: {  	v61 =	vld [tilespmem:s0+$0xE508];
	[tilespmem:s0+$0xE4F8] =	vst v0  }
0x3a7: {  	v0 =	vld [tilespmem:s7+$0xE508];
	_ =	sdelay $0x4  }
0x3a8: {  	v0 =	vmax.f32 v0, v61  }
0x3a9: {  	v62 =	vld [tilespmem:s0+$0xE518];
	[tilespmem:s0+$0xE508] =	vst v0  }
0x3aa: {  	v0 =	vld [tilespmem:s7+$0xE518];
	_ =	sdelay $0x4  }
0x3ab: {  	v0 =	vmax.f32 v0, v62  }
0x3ac: {  	v63 =	vld [tilespmem:s0+$0xE528];
	[tilespmem:s0+$0xE518] =	vst v0  }
0x3ad: {  	v0 =	vld [tilespmem:s7+$0xE528];
	_ =	sdelay $0x1  }
.Ltmp46:
0x3ae: {  	_ = 	snop;
	(pc) =	sbr.rel .LBB2_60-.Ltmp46, $3  }
0x3af: {  	_ =	sdelay $0x1  }
0x3b0: {  	v0 =	vmax.f32 v0, v63  }
0x3b1: {  	[tilespmem:s0+$0xE528] =	vst v0  }
.LBB2_56:
0x3b2: {  	p1 =	slt.u32 s0, $0x3FF71  }
.Ltmp47:
0x3b3: {  	_ = 	snop;
	(pc) =	sbr.rel @p1 .LBB2_58-.Ltmp47, $1  }
0x3b4: {  	_ =	sdelay $0x3  }
.Ltmp48:
0x3b5: {  	(pc) =	sbr.rel .LBB2_59-.Ltmp48, $2  }
0x3b6: {  	_ =	sdelay $0x2  }
0x3b7: {  	s0 =	sshll.u32 s6, $0xA  }
.LBB2_61:
0x3b8: {  	p1 =	slt.s32 s2, $0x1  }
.Ltmp49:
0x3b9: {  	_ = 	snop;
	(pc) =	sbr.rel @p1 .LBB2_65-.Ltmp49, $3  }
0x3ba: {  	_ =	sdelay $0x1  }
0x3bb: {  	s0 =	simm.s32 $0x8  }
0x3bc: {  	s4 =	simm.s32 $0x0;
	[sflag:s0] =	ssyncpa.u1 $0x1  }
0x3bd: {  	s0 =	simm.s32 $0xE418  }
0x3be: {  	v0 =	vld.msk [tilespmem:s0+$0x0], $0x1;
	_ =	sdelay $0x4  }
0x3bf: {  	(v2sf) =	vpush v0, $0x0;
	_ =	sdelay $0xe  }
0x3c0: {  	s0 =	sadd.s32 $0xFFFFFFFF, s2;
	s3 =	spop (v2sf)  }
0x3c1: {  	s6 =	simm.s32 $0xE438;
	p1 =	sne.s32 s0, $0x0;
	p2 =	sgt.u32 s3, $0x3FF70  }
.Ltmp50:
0x3c2: {  	s2 =	simm.s32 $0xE538;
	s5 =	sand.u32 @!p2 $0x3FFF8, s3;
	(pc) =	sbr.rel @!p1 .LBB2_64-.Ltmp50, $4  }
0x3c3: {  	s7 =	sadd.s32 @!p2 $0x80, s3;
	s4 =	simm.s32 @!p2 $0x400;
	s8 =	sadd.s32 @!p2 s1, s5  }
0x3c4: {  	s5 =	sand.u32 @!p2 $0x7, s3;
	s3 =	simm.s32 $0xE419;
	s7 =	sand.u32 @!p2 $0x7FFF8, s7  }
0x3c5: {  	[hbm4b:s8+s5] =	stream.linear.scatter @!p2 [tilespmem:s6], [sflag:$0x7], $0x80, $0x38;
	[tilespmem:$0x1E678] =	vst v63  }
0x3c6: {  	s4 =	sadd.s32 $0x0, s4;
	s6 =	simm.s32 @!p2 $0xE4B8;
	s7 =	sadd.s32 @!p2 s1, s7  }
.LBB2_63:
0x3c7: {  	[hbm4b:s7+s5] =	stream.linear.scatter @!p2 [tilespmem:s6], [sflag:$0x7], $0x80, $0x38;
	[tilespmem:$0x1E678] =	vst v63  }
0x3c8: {  	s0 =	sadd.s32 $0xFFFFFFFF, s0;
	s6 =	smov.u32 s2;
	v0 =	vld.msk [tilespmem:s3+$0x0], $0x1  }
0x3c9: {  	p1 =	sne.s32 s0, $0x0;
	_ =	sdelay $0x3  }
0x3ca: {  	(v2sf) =	vpush v0, $0x0;
	_ =	sdelay $0xe  }
0x3cb: {  	s2 =	sadd.s32 $0x100, s2;
	s8 =	simm.s32 $0x0;
	s5 =	spop (v2sf)  }
.Ltmp51:
0x3cc: {  	s3 =	sadd.s32 $0x1, s3;
	p2 =	sgt.u32 s5, $0x3FF70;
	(pc) =	sbr.rel @p1 .LBB2_63-.Ltmp51, $4  }
0x3cd: {  	s8 =	simm.s32 @!p2 $0x400;
	s7 =	sand.u32 @!p2 $0x3FFF8, s5;
	s9 =	sadd.s32 @!p2 $0x80, s5  }
0x3ce: {  	s5 =	sand.u32 @!p2 $0x7, s5;
	s7 =	sadd.s32 @!p2 s1, s7;
	s9 =	sand.u32 @!p2 $0x7FFF8, s9  }
0x3cf: {  	[hbm4b:s7+s5] =	stream.linear.scatter @!p2 [tilespmem:s6], [sflag:$0x7], $0x80, $0x38;
	[tilespmem:$0x1E678] =	vst v63  }
0x3d0: {  	s4 =	sadd.s32 s4, s8;
	s6 =	sadd.s32 @!p2 $0x80, s6;
	s7 =	sadd.s32 @!p2 s1, s9  }
.LBB2_64:
0x3d1: {  	[hbm4b:s7+s5] =	stream.linear.scatter @!p2 [tilespmem:s6], [sflag:$0x7], $0x80, $0x38;
	[tilespmem:$0x1E678] =	vst v63  }
0x3d2: {  	s4 =	sshrl.u32 s4, $0x2  }
.LBB2_65:
0x3d3: {  	s0 =	simm.s32 $0x7  }
0x3d4: {  	_ =	swait.ge [sflag:s0], s4  }
0x3d5: {  	s1 =	ssub.s32 $0x0, s4;
	[sflag:s0] =	ssyncset.done $0x0  }
0x3d6: {  	[sflag:s0] =	ssyncadd.s32 s1  }
0x3d7: {  	[sflag:s0] =	ssyncpa.u1 $0x1  }
.LBB2_66:
0x3d8: {  	_ =	sfence;
	s0 =	simm.s32 $0x1  }
0x3d9: {  	[sflag:s0] =	ssyncpa.u1 $0x1  }
0x3da: {  	_ =	strace $0x90000047  }
0x3db: {  	[bflag:$0x2] =	sbarrier.arrive $0xFFFF  }
0x3dc: {  	s0 =	rddreg [dreg:$0x3]  }
0x3dd: {  	s0 =	sadd.s32 @!p0 $0x100000, s0  }
0x3de: {  	[sflag:s0] =	ssyncadd.tile.s32 @!p0 $0x1;
	_ =	shalt  }
.Lfunc_end2:
_tile_overlayer_lowered:
.L_overlay_start_2:
0x3df: {  	(tag) =	ssettag $0x2  }
0x3e0: {  	s0 =	rddreg [dreg:$0x0];
	s2 =	stileid.u32  }
0x3e1: {  	s1 =	rddreg [dreg:$0x1];
	p0 =	sne.s32 s2, $0x0  }
0x3e2: {  	s3 =	rddreg [dreg:$0x2];
	[bflag:$0x3] =	sbarrier.arrive $0xFFFF;
	s2 =	simm.s32 @!p0 $0x1C01  }
0x3e3: {  	[timem:s3], [sflag:s2] =	dma.local @!p0 [hbm:s0], s1  }
0x3e4: {  	s0 =	simm.s32 @!p0 $0x1  }
0x3e5: {  	_ =	swait.ge @!p0 [sflag:s0], s1  }
0x3e6: {  	s1 =	ssub.s32 @!p0 $0x0, s1;
	[sflag:s0] =	ssyncset.done @!p0 $0x0  }
0x3e7: {  	[sflag:s0] =	ssyncadd.s32 @!p0 s1  }
0x3e8: {  	[bflag:$0x3] =	sbarrier.arrive $0xFFFF  }
0x3e9: {  	_ =	shalt  }

// kernel: sparse-core-data-format-call.cloned.1.call-start
scs
called_computation.1_lowered:
.L_overlay_start_0:
0x0: {  	s1 =	sld [smem:$0x3FD9]  }
0x1: {  	s2 =	sld [smem:$0x3FFE];
	_ =	sdelay $0x1  }
0x2: {  	s3 =	srdreg.scid  }
0x3: {  	s0 =	sand.u32 $0x1, s3  }
0x4: {  	s17 =	sshll.u32 s0, $0xA;
	s1 =	sadd.s32 s2, s1  }
0x5: {  	s1 =	sadd.s32 s1, s17  }
0x6: {  	[smem:$0x3FAE] =	sst s1  }
0x7: {  	_ = 	snop  }
0x8: {  	(tm) =	ssettm $0x1  }
0x9: {  	s18 =	sld [smem:$0x3FFB];
	_ =	sdelay $0x3  }
0xa: {  	_ =	strace s18  }
0xb: {  	s1 =	sld [smem:$0x3FFC];
	_ =	sdelay $0x3  }
0xc: {  	_ =	strace s1  }
0xd: {  	s1 =	sld [smem:$0x3FFD];
	_ =	sdelay $0x3  }
0xe: {  	_ =	strace s1  }
0xf: {  	_ =	strace $0x8FFFFFFF  }
0x10: {  	s19 =	sld [smem:$0x3FDB];
	_ =	sdelay $0x1  }
0x11: {  	s20 =	simm.s32 $_scs_section_size  }
0x12: {  	s4 =	simm.s32 $_size__tile_overlayer_lowered;
	s5 =	simm.s32 $_tile_overlayer_lowered  }
0x13: {  	s23 =	simm.s32 $0x1BFF;
	s22 =	sshll.u32 s5, $0x1;
	s1 =	sadd.s32 s20, s19  }
0x14: {  	s6 =	simm.s32 $0x0;
	s21 =	sshll.u32 s4, $0x1;
	s4 =	sadd.s32 s22, s1  }
0x15: {  	[timem:s6], [sflag:s23] =	dma.local [hbm:s4], s21  }
0x16: {  	_ =	swait.ge [sflag:s23], s21  }
0x17: {  	s2 =	ssub.s32 $0x0, s21;
	[sflag:s23] =	ssyncset.done $0x0  }
0x18: {  	[sflag:s23] =	ssyncadd.s32 s2;
	_ =	sdelay $0x1  }
0x19: {  	s24 =	simm.s32 $0x1B8B  }
0x1a: {  	_ =	swait.ge [sflag:s24], $0x1  }
0x1b: {  	[sflag:s24] =	ssyncset.done $0x0  }
0x1c: {  	s26 =	simm.s32 $0x1B8E;
	s25 =	sld [smem:$0x3FFE];
	[sflag:s24] =	ssyncadd.s32 $0xFFFFFFFF  }
0x1d: {  	s27 =	simm.s32 $execute0_lowered;
	[smem:$0x3FD2] =	sst s26  }
0x1e: {  	s4 =	sshll.u32 s27, $0x1;
	_ =	strace $0x8000004F;
	[dreg:$0x1] =	wrdreg $0xFFFFFFFF  }
0x1f: {  	s28 =	simm.s32 $_size_execute0_lowered;
	s1 =	sadd.s32 s1, s4;
	[dreg:$0x0] =	wrdreg $0x0  }
0x20: {  	s4 =	sshll.u32 s28, $0x1;
	[dreg:$0x2] =	wrdreg s1  }
0x21: {  	[dreg:$0x3] =	wrdreg s4  }
0x22: {  	[dreg:$0x4] =	wrdreg $0xC0  }
0x23: {  	_ =	task [dreg:s6], $0x5FFFF  }
0x24: {  	[dreg:$0x1] =	wrdreg $0xFFFFFFFF  }
0x25: {  	[dreg:$0x0] =	wrdreg $0x60  }
0x26: {  	[dreg:$0x2] =	wrdreg s25  }
0x27: {  	[dreg:$0x3] =	wrdreg $0x9  }
0x28: {  	_ =	task.clear_ibuf [dreg:s6], $0x4FFFF;
	_ =	strace $0x9000004F  }
0x29: {  	s29 =	simm.s32 $0x9;
	_ =	strace $0x80000051  }
0x2a: {  	_ =	swait.ge [sflag:s29], $0x1  }
0x2b: {  	[sflag:s29] =	ssyncadd.s32 $0xFFFFFFFF  }
0x2c: {  	_ =	strace $0x90000051  }
0x2d: {  	_ =	sfence  }
0x2e: {  	s30 =	sld [smem:$0x0];
	_ =	sdelay $0x2  }
0x2f: {  	s31 =	sshll.u32 s3, $0xD;
	s3 =	sshrl.u32 s3, $0x2  }
0x30: {  	s2 =	sand.u32 $0x4000, s31;
	s1 =	sadd.s32 s3, s30  }
0x31: {  	s0 =	sor.u32 s2, s0;
	s1 =	sshll.u32 s1, $0x11  }
0x32: {  	s0 =	sor.u32 s1, s0  }
0x33: {  	s0 =	sadd.s32 $0x8F2B, s0  }
0x34: {  	[sflag:s0] =	ssyncadd.remote.s32 $0x1  }
0x35: {  	_ =	sfence.sel $0xFFFF  }
0x36: {  	[dreg:$0x0] =	wrdreg $0xFFFFFFFF;
	(pc) =	sbr.abs _section_cstart, $3  }
0x37: {  	[dreg:$0x1] =	wrdreg $0xFFFFFFFF  }
0x38: {  	_ =	task.clear_ibuf [dreg:s6], $0x2FFFF;
	_ =	strace $0x9FFFFFFF  }
0x39: {  	(tm) =	ssettm $0x7FFFFFFF  }
tec
execute0_lowered:
.L_overlay_start_1:
0x0: {  	(tag) =	ssettag $0x1  }
0x1: {  	s0 =	srdreg.scid  }
0x2: {  	s1 =	sshll.u32 s0, $0x4  }
0x3: {  	s0 =	stileid.u32;
	s1 =	sand.u32 $0x10, s1  }
0x4: {  	s1 =	sor.u32 s0, s1  }
0x5: {  	s6 =	rddreg [dreg:$0x0];
	s2 =	sshll.u32 s1, $0x7  }
0x6: {  	s4 =	simm.s32 $0x1;
	s7 =	simm.s32 $0x2;
	s3 =	ssub.s32 $0x7F000, s2  }
0x7: {  	s12 =	simm.s32 $0x0;
	s11 =	simm.s32 $0x0;
	s31 =	sand.u32 $0xF80, s3  }
0x8: {  	s8 =	simm.s32 $0x0;
	s1 =	rddreg [dreg:$0x1];
	p0 =	sne.s32 s31, $0x0  }
.Ltmp0:
0x9: {  	s5 =	sshrl.u32 s3, $0xC;
	s4 =	simm.s32 @!p0 $0x0;
	(pc) =	sbr.rel .LBB1_1-.Ltmp0, $4  }
0xa: {  	_ =	strace $0x80000050;
	s3 =	simm.s32 $0x1;
	s4 =	sadd.s32 s4, s5  }
0xb: {  	s10 =	simm.s32 $0x0;
	[sflag:s3] =	ssyncpa.u1 $0x0;
	s4 =	smul.u32 $0x3, s4  }
0xc: {  	s9 =	smov.u32 s2;
	[sflag:s7] =	ssyncpa.u1 $0x0;
	p0 =	por $0x0, $0x0  }
0xd: {  	s5 =	sadd.s32 $0x49C400, s6;
	s6 =	sadd.s32 $0x6C400, s6;
	s7 =	sadd.s32 $0x1, s4  }
.LBB1_4:
0xe: {  	[tilespmem:s22+$0xFFFFFFFA ss:$0x81] =	vst.msk $0xff, v4  }
0xf: {  	v4 =	vld.msk [tilespmem:s24+$0xFFFFFFF0], $0xff;
	_ =	sdelay $0x3  }
0x10: {  	[tilespmem:s19+$0xFFFFFFFB ss:$0x81] =	vst.msk $0xff, v3  }
0x11: {  	v3 =	vld.msk [tilespmem:s21+$0xFFFFFFF8], $0xff;
	[tilespmem:s22+$0xFFFFFFFB ss:$0x81] =	vst.msk $0xff, v4  }
0x12: {  	v4 =	vld.msk [tilespmem:s24+$0xFFFFFFF8], $0xff;
	_ =	sdelay $0x3  }
0x13: {  	v5 =	vld.msk [tilespmem:s20+$0x0], $0xff;
	[tilespmem:s19+$0xFFFFFFFC ss:$0x81] =	vst.msk $0xff, v3  }
0x14: {  	v3 =	vld.msk [tilespmem:s21+$0x0], $0xff;
	[tilespmem:s22+$0xFFFFFFFC ss:$0x81] =	vst.msk $0xff, v4  }
0x15: {  	v4 =	vld.msk [tilespmem:s24+$0x0], $0xff;
	_ =	sdelay $0x2  }
0x16: {  	[tilespmem:s17+$0xFFFFFFFD ss:$0x81] =	vst.msk $0xff, v5  }
0x17: {  	v5 =	vld.msk [tilespmem:s20+$0x8], $0xff;
	[tilespmem:s19+$0xFFFFFFFD ss:$0x81] =	vst.msk $0xff, v3  }
0x18: {  	v3 =	vld.msk [tilespmem:s21+$0x8], $0xff;
	[tilespmem:s22+$0xFFFFFFFD ss:$0x81] =	vst.msk $0xff, v4  }
0x19: {  	v4 =	vld.msk [tilespmem:s24+$0x8], $0xff  }
0x1a: {  	s25 =	sshrl.u32 s12, $0x3  }
0x1b: {  	[tilespmem:s15+$0xFFFFFFFE ss:$0x81] =	vst.msk $0xff, v2;
	s26 =	sshll.u32 s11, $0x3;
	s25 =	smul.u32 $0x3F8000, s25  }
0x1c: {  	v2 =	vld.msk [tilespmem:s18+$0x10], $0xff;
	s26 =	sand.u32 $0xFFFFFC00, s26;
	[tilespmem:s17+$0xFFFFFFFE ss:$0x81] =	vst.msk $0xff, v5  }
0x1d: {  	s25 =	sadd.s32 s26, s25;
	v5 =	vld.msk [tilespmem:s20+$0x10], $0xff;
	[tilespmem:s19+$0xFFFFFFFE ss:$0x81] =	vst.msk $0xff, v3  }
0x1e: {  	s26 =	sshrl.u32 s25, $0xC;
	v3 =	vld.msk [tilespmem:s21+$0x10], $0xff;
	[tilespmem:s22+$0xFFFFFFFE ss:$0x81] =	vst.msk $0xff, v4  }
0x1f: {  	s26 =	smulhi.u32 $0x2040811, s26;
	v4 =	vld.msk [tilespmem:s24+$0x10], $0xff  }
0x20: {  	[tilespmem:s14+$0xFFFFFFFF ss:$0x81] =	vst.msk $0xff, v1  }
0x21: {  	v1 =	vld.msk [tilespmem:s16+$0x18], $0xff;
	[tilespmem:s15+$0xFFFFFFFF ss:$0x81] =	vst.msk $0xff, v2;
	s31 =	smul.u32 $0x2AAB, s26  }
0x22: {  	v2 =	vld.msk [tilespmem:s18+$0x18], $0xff;
	[tilespmem:s17+$0xFFFFFFFF ss:$0x81] =	vst.msk $0xff, v5  }
0x23: {  	s16 =	sshrl.u32 s31, $0x12;
	v5 =	vld.msk [tilespmem:s20+$0x18], $0xff;
	s20 =	sshll.u32 s12, $0x7;
	[tilespmem:s19+$0xFFFFFFFF ss:$0x81] =	vst.msk $0xff, v3  }
0x24: {  	s27 =	sand.u32 $0x7F, s11;
	s16 =	smul.u32 $0x18, s16;
	s12 =	sand.u32 $0x380, s20;
	v3 =	vld.msk [tilespmem:s21+$0x18], $0xff;
	[tilespmem:s22+$0xFFFFFFFF ss:$0x81] =	vst.msk $0xff, v4  }
0x25: {  	[tilespmem:s13+$0x0 ss:$0x81] =	vst.msk $0xff, v0;
	s28 =	smul.u32 $0x7F000, s26;
	s11 =	sor.u32 s27, s12;
	v63 =	vld.msk [tilespmem:s24+$0x18], $0xff  }
0x26: {  	[tilespmem:s14+$0x0 ss:$0x81] =	vst.msk $0xff, v1;
	s29 =	ssub.s32 s26, s16;
	s11 =	sor.u32 s25, s11  }
0x27: {  	[tilespmem:s15+$0x0 ss:$0x81] =	vst.msk $0xff, v2;
	s30 =	sand.u32 $0xFFFF, s29;
	s11 =	ssub.s32 s11, s28  }
0x28: {  	s12 =	smul.u32 $0xFE00, s30;
	[tilespmem:s17+$0x0 ss:$0x81] =	vst.msk $0xff, v5;
	s31 =	sshrl.u32 s11, $0x3  }
0x29: {  	s13 =	sadd.s32 s6, s31;
	[tilespmem:s19+$0x0 ss:$0x81] =	vst.msk $0xff, v3  }
0x2a: {  	s11 =	sand.u32 $0x7, s11;
	s12 =	sadd.s32 s12, s13;
	[tilespmem:s22+$0x0 ss:$0x81] =	vst.msk $0xff, v63  }
0x2b: {  	[hbm4b:s12+s11] =	stream.linear.scatter [tilespmem:s23], [sflag:$0x2], $0x400, $0x20;
	[tilespmem:$0x1010] =	vst v63  }
.LBB1_5:
0x2c: {  	s13 =	sadd.s32 $0x8, s8  }
0x2d: {  	s11 =	sadd.s32 $0x1000, s9;
	s15 =	smov.u32 s9;
	p2 =	sgt.s32 s13, $0x13  }
0x2e: {  	s15 =	smov.u32 @p2 s11  }
0x2f: {  	s13 =	simm.s32 @p2 $0x0;
	p2 =	sgt.s32 s15, $0x7EFFF  }
0x30: {  	s15 =	smov.u32 @p2 s2;
	p2 =	sne.s32 s10, s7  }
.Ltmp1:
0x31: {  	p1 =	slt.u32 s10, $0x2;
	(pc) =	sbr.rel @!p2 .LBB1_6-.Ltmp1, $4  }
0x32: {  	s14 =	simm.s32 @!p1 $0x2  }
0x33: {  	s12 =	smov.u32 s8;
	p0 =	por !p0, !p0;
	_ =	swait.ge @!p1 [sflag:s14], $0x400  }
0x34: {  	s11 =	smov.u32 s9;
	[sflag:s14] =	ssyncset.done @!p1 $0x0;
	s8 =	smov.u32 s13  }
0x35: {  	s10 =	sadd.s32 $0x1, s10;
	[sflag:s14] =	ssyncadd.s32 @!p1 $0xFFFFFC00;
	s9 =	smov.u32 s15  }
.LBB1_1:
0x36: {  	p1 =	sge.u32 s10, s4  }
0x37: {  	s13 =	sshll.u32 @!p1 s9, $0x7;
	s14 =	sshll.u32 @!p1 s8, $0x3  }
0x38: {  	s15 =	sand.u32 @!p1 $0xFFFFFC00, s13;
	s14 =	sand.u32 @!p1 $0xFFFFFC00, s14  }
0x39: {  	s13 =	sand.u32 @!p1 $0x380, s13;
	s14 =	sadd.s32 @!p1 s15, s14  }
0x3a: {  	s13 =	sor.u32 @!p1 s13, s14  }
0x3b: {  	s13 =	sshrl.u32 @!p1 s13, $0x7  }
0x3c: {  	s14 =	smulhi.u32 @!p1 $0x2040811, s13;
	_ =	sdelay $0x1  }
0x3d: {  	s15 =	sxor.u32 @!p1 $0xFFFFFFFF, s10;
	s14 =	sshrl.u32 @!p1 s14, $0xC  }
0x3e: {  	s15 =	sshll.u32 @!p1 s15, $0xA;
	s14 =	smul.u32 @!p1 $0x7F000, s14  }
0x3f: {  	s31 =	sadd.s32 $0xFFFFFFFF, s10;
	s16 =	sshrl.u32 @!p1 s8, $0x3;
	s15 =	sand.u32 @!p1 $0x400, s15  }
0x40: {  	s13 =	ssub.s32 @!p1 s13, s14;
	s14 =	sand.u32 @!p1 $0xF, s16;
	s16 =	sand.u32 @!p1 $0x7, s8  }
0x41: {  	s13 =	sshll.u32 @!p1 s13, $0x4;
	s14 =	sadd.s32 @!p1 s5, s14;
	s16 =	sshll.u32 @!p1 s16, $0x12  }
0x42: {  	s13 =	sadd.s32 @!p1 s13, s14;
	s14 =	sor.u32 @!p1 $0x8, s16;
	s16 =	simm.s32 @!p1 $0x80  }
0x43: {  	[tilespmem:s15], [sflag:$0x1] =	stream.strided.gather @!p1 [hbm4b:s13+s14], $0x400, s16, s14, $0x38;
	[tilespmem:$0x1010] =	vst v63  }
0x44: {  	p1 =	sge.u32 s31, s4  }
.Ltmp2:
0x45: {  	_ = 	snop;
	(pc) =	sbr.rel @p1 .LBB1_5-.Ltmp2, $1  }
0x46: {  	_ =	sdelay $0x3  }
0x47: {  	s13 =	simm.s32 $0x1  }
0x48: {  	_ =	swait.ge [sflag:s3], $0x400;
	s13 =	simm.s32 @!p0 $0x0  }
0x49: {  	[sflag:s3] =	ssyncset.done $0x0;
	s14 =	sshll.u32 s13, $0xA  }
0x4a: {  	[sflag:s3] =	ssyncadd.s32 $0xFFFFFC00;
	s22 =	sor.u32 $0x20, s14  }
0x4b: {  	v0 =	vld.msk [tilespmem:s22+$0xFFFFFFE0], $0xff  }
0x4c: {  	s13 =	smul.u32 $0x1020, s13;
	_ =	sdelay $0x1  }
0x4d: {  	s13 =	sshrl.u32 s13, $0x2  }
0x4e: {  	s13 =	sor.u32 $0x807, s13  }
0x4f: {  	[tilespmem:s13+$0xFFFFFFF9 ss:$0x81] =	vst.msk $0xff, v0  }
0x50: {  	v0 =	vld.msk [tilespmem:s22+$0xFFFFFFE8], $0xff  }
0x51: {  	s16 =	sadd.s32 $0x40, s22  }
0x52: {  	v1 =	vld.msk [tilespmem:s16+$0xFFFFFFE0], $0xff;
	_ =	sdelay $0x2  }
0x53: {  	[tilespmem:s13+$0xFFFFFFFA ss:$0x81] =	vst.msk $0xff, v0  }
0x54: {  	s14 =	sadd.s32 $0x8, s13;
	v0 =	vld.msk [tilespmem:s22+$0xFFFFFFF0], $0xff  }
0x55: {  	[tilespmem:s14+$0xFFFFFFF9 ss:$0x81] =	vst.msk $0xff, v1  }
0x56: {  	v1 =	vld.msk [tilespmem:s16+$0xFFFFFFE8], $0xff  }
0x57: {  	s18 =	sadd.s32 $0x40, s16  }
0x58: {  	v2 =	vld.msk [tilespmem:s18+$0xFFFFFFE0], $0xff  }
0x59: {  	[tilespmem:s13+$0xFFFFFFFB ss:$0x81] =	vst.msk $0xff, v0  }
0x5a: {  	v0 =	vld.msk [tilespmem:s22+$0xFFFFFFF8], $0xff  }
0x5b: {  	[tilespmem:s14+$0xFFFFFFFA ss:$0x81] =	vst.msk $0xff, v1  }
0x5c: {  	s15 =	sadd.s32 $0x8, s14;
	v1 =	vld.msk [tilespmem:s16+$0xFFFFFFF0], $0xff  }
0x5d: {  	[tilespmem:s15+$0xFFFFFFF9 ss:$0x81] =	vst.msk $0xff, v2  }
0x5e: {  	s20 =	sadd.s32 $0x40, s18;
	v2 =	vld.msk [tilespmem:s18+$0xFFFFFFE8], $0xff  }
0x5f: {  	[tilespmem:s13+$0xFFFFFFFC ss:$0x81] =	vst.msk $0xff, v0;
	v0 =	vld.msk [tilespmem:s20+$0xFFFFFFE0], $0xff  }
0x60: {  	v3 =	vld.msk [tilespmem:s22+$0x0], $0xff  }
0x61: {  	[tilespmem:s14+$0xFFFFFFFB ss:$0x81] =	vst.msk $0xff, v1  }
0x62: {  	v1 =	vld.msk [tilespmem:s16+$0xFFFFFFF8], $0xff  }
0x63: {  	s17 =	sadd.s32 $0x8, s15;
	[tilespmem:s15+$0xFFFFFFFA ss:$0x81] =	vst.msk $0xff, v2  }
0x64: {  	v2 =	vld.msk [tilespmem:s18+$0xFFFFFFF0], $0xff;
	[tilespmem:s17+$0xFFFFFFF9 ss:$0x81] =	vst.msk $0xff, v0  }
0x65: {  	v0 =	vld.msk [tilespmem:s20+$0xFFFFFFE8], $0xff;
	[tilespmem:s13+$0xFFFFFFFD ss:$0x81] =	vst.msk $0xff, v3  }
0x66: {  	s21 =	sadd.s32 $0x40, s20;
	v3 =	vld.msk [tilespmem:s22+$0x8], $0xff  }
0x67: {  	[tilespmem:s14+$0xFFFFFFFC ss:$0x81] =	vst.msk $0xff, v1;
	v1 =	vld.msk [tilespmem:s21+$0xFFFFFFE0], $0xff  }
0x68: {  	v4 =	vld.msk [tilespmem:s16+$0x0], $0xff  }
0x69: {  	[tilespmem:s15+$0xFFFFFFFB ss:$0x81] =	vst.msk $0xff, v2  }
0x6a: {  	v2 =	vld.msk [tilespmem:s18+$0xFFFFFFF8], $0xff;
	[tilespmem:s17+$0xFFFFFFFA ss:$0x81] =	vst.msk $0xff, v0  }
0x6b: {  	s19 =	sadd.s32 $0x8, s17;
	v0 =	vld.msk [tilespmem:s20+$0xFFFFFFF0], $0xff;
	[tilespmem:s13+$0xFFFFFFFE ss:$0x81] =	vst.msk $0xff, v3  }
0x6c: {  	[tilespmem:s19+$0xFFFFFFF9 ss:$0x81] =	vst.msk $0xff, v1;
	v1 =	vld.msk [tilespmem:s22+$0x10], $0xff  }
0x6d: {  	[tilespmem:s14+$0xFFFFFFFD ss:$0x81] =	vst.msk $0xff, v4;
	v3 =	vld.msk [tilespmem:s21+$0xFFFFFFE8], $0xff  }
0x6e: {  	s24 =	sadd.s32 $0x40, s21;
	v4 =	vld.msk [tilespmem:s16+$0x8], $0xff  }
0x6f: {  	[tilespmem:s15+$0xFFFFFFFC ss:$0x81] =	vst.msk $0xff, v2;
	v2 =	vld.msk [tilespmem:s24+$0xFFFFFFE0], $0xff  }
0x70: {  	v5 =	vld.msk [tilespmem:s18+$0x0], $0xff;
	[tilespmem:s17+$0xFFFFFFFB ss:$0x81] =	vst.msk $0xff, v0  }
0x71: {  	v6 =	vld.msk [tilespmem:s20+$0xFFFFFFF8], $0xff;
	[tilespmem:s13+$0xFFFFFFFF ss:$0x81] =	vst.msk $0xff, v1  }
0x72: {  	s23 =	sand.u32 $0x1, s10;
	[tilespmem:s19+$0xFFFFFFFA ss:$0x81] =	vst.msk $0xff, v3;
	v0 =	vld.msk [tilespmem:s22+$0x18], $0xff  }
0x73: {  	s23 =	smul.u32 $0x1020, s23;
	[tilespmem:s14+$0xFFFFFFFE ss:$0x81] =	vst.msk $0xff, v4;
	v3 =	vld.msk [tilespmem:s21+$0xFFFFFFF0], $0xff;
	s22 =	sadd.s32 $0x8, s19  }
0x74: {  	v1 =	vld.msk [tilespmem:s16+$0x10], $0xff;
	[tilespmem:s22+$0xFFFFFFF9 ss:$0x81] =	vst.msk $0xff, v2  }
0x75: {  	s23 =	sshrl.u32 s23, $0x2;
	[tilespmem:s15+$0xFFFFFFFD ss:$0x81] =	vst.msk $0xff, v5;
	v4 =	vld.msk [tilespmem:s24+$0xFFFFFFE8], $0xff  }
0x76: {  	s25 =	simm.s32 $0x28;
	s23 =	sor.u32 $0x800, s23;
	s26 =	sadd.s32 $0x40, s24;
	v2 =	vld.msk [tilespmem:s18+$0x8], $0xff;
	[tilespmem:s17+$0xFFFFFFFC ss:$0x81] =	vst.msk $0xff, v6  }
.LBB1_3:
0x77: {  	v5 =	vld.msk [tilespmem:s26+$0xFFFFFFE0], $0xff;
	[tilespmem:s13+$0x0 ss:$0x81] =	vst.msk $0xff, v0;
	s13 =	smov.u32 s14;
	s14 =	smov.u32 s15;
	s15 =	smov.u32 s17  }
0x78: {  	s25 =	sadd.s32 $0x8, s25;
	s17 =	smov.u32 s19;
	[tilespmem:s19+$0xFFFFFFFB ss:$0x81] =	vst.msk $0xff, v3;
	v6 =	vld.msk [tilespmem:s20+$0x0], $0xff;
	s19 =	smov.u32 s22  }
0x79: {  	p1 =	slt.u32 s25, $0x78;
	v7 =	vld.msk [tilespmem:s21+$0xFFFFFFF8], $0xff;
	[tilespmem:s13+$0xFFFFFFFF ss:$0x81] =	vst.msk $0xff, v1  }
.Ltmp3:
0x7a: {  	[tilespmem:s22+$0xFFFFFFFA ss:$0x81] =	vst.msk $0xff, v4;
	v0 =	vld.msk [tilespmem:s16+$0x18], $0xff;
	s16 =	smov.u32 s18;
	s18 =	smov.u32 s20;
	(pc) =	sbr.rel @p1 .LBB1_3-.Ltmp3, $4  }
0x7b: {  	s22 =	sadd.s32 $0x8, s22;
	s20 =	smov.u32 s21;
	s21 =	smov.u32 s24;
	v3 =	vld.msk [tilespmem:s24+$0xFFFFFFF0], $0xff;
	[tilespmem:s14+$0xFFFFFFFE ss:$0x81] =	vst.msk $0xff, v2  }
0x7c: {  	s24 =	smov.u32 s26;
	[tilespmem:s22+$0xFFFFFFF9 ss:$0x81] =	vst.msk $0xff, v5;
	v1 =	vld.msk [tilespmem:s16+$0x10], $0xff  }
0x7d: {  	v4 =	vld.msk [tilespmem:s26+$0xFFFFFFE8], $0xff;
	[tilespmem:s15+$0xFFFFFFFD ss:$0x81] =	vst.msk $0xff, v6  }
0x7e: {  	s26 =	sadd.s32 $0x40, s26;
	[tilespmem:s17+$0xFFFFFFFC ss:$0x81] =	vst.msk $0xff, v7;
	v2 =	vld.msk [tilespmem:s18+$0x8], $0xff  }
.Ltmp4:
0x7f: {  	_ = 	snop;
	(pc) =	sbr.rel .LBB1_4-.Ltmp4, $1  }
0x80: {  	_ =	sdelay $0x3  }
.LBB1_6:
0x81: {  	_ =	sfence.sel $0x180000  }
0x82: {  	s2 =	simm.s32 $0x1;
	[bflag:$0x0] =	sbarrier.arrive $0xFFFF  }
0x83: {  	s31 =	simm.s32 $0x2;
	[sflag:s2] =	ssyncpa.u1 $0x1  }
0x84: {  	[sflag:s31] =	ssyncpa.u1 $0x1  }
0x85: {  	p0 =	sne.s32 s0, $0x0;
	_ =	strace $0x90000050  }
0x86: {  	s0 =	sadd.s32 @!p0 $0x100000, s1;
	[bflag:$0x2] =	sbarrier.arrive $0xFFFF  }
0x87: {  	[sflag:s0] =	ssyncadd.tile.s32 @!p0 $0x1;
	_ =	shalt  }
.Lfunc_end1:
_tile_overlayer_lowered:
.L_overlay_start_2:
0x88: {  	(tag) =	ssettag $0x2  }
0x89: {  	s0 =	rddreg [dreg:$0x0];
	s2 =	stileid.u32  }
0x8a: {  	s1 =	rddreg [dreg:$0x1];
	p0 =	sne.s32 s2, $0x0  }
0x8b: {  	s3 =	rddreg [dreg:$0x2];
	[bflag:$0x3] =	sbarrier.arrive $0xFFFF;
	s2 =	simm.s32 @!p0 $0x1C01  }
0x8c: {  	[timem:s3], [sflag:s2] =	dma.local @!p0 [hbm:s0], s1  }
0x8d: {  	s0 =	simm.s32 @!p0 $0x1  }
0x8e: {  	_ =	swait.ge @!p0 [sflag:s0], s1  }
0x8f: {  	s1 =	ssub.s32 @!p0 $0x0, s1;
	[sflag:s0] =	ssyncset.done @!p0 $0x0  }
0x90: {  	[sflag:s0] =	ssyncadd.s32 @!p0 s1  }
0x91: {  	[bflag:$0x3] =	sbarrier.arrive $0xFFFF  }
0x92: {  	_ =	shalt  }

</sc_bundles>
